<compile_context>
chip_gen: v7x
topology: tpu7x:2x2x1
jax: 0.10.2.dev20260603
libtpu: 0.0.44.dev20260713+nightly
codegen_flags: <defaults>
</compile_context>

<pallas_src>
import functools

import jax
import jax.numpy as jnp
from jax import lax
from jax.experimental import pallas as pl
from jax.experimental.pallas import tpu as pltpu
from jax.experimental.pallas import tpu_sc as plsc

H, W = 400, 400
HW = H * W
N = 500000
POINT_RADIUS = 0.01
TOPK = 10
BAND_DEPTH = POINT_RADIUS * TOPK
EPS = 1e-8

CHUNK = 4096
NCHUNK = 124
NPAD = NCHUNK * CHUNK
ROWS = NPAD // 128

NGRP = NPAD // 16
GB = 1984

NTILES = 32
PBAND = HW // NTILES
PSCR = 5008
L = 16


def _project_body(x_ref, y_ref, z_ref, r_ref, t_ref, f_ref, p_ref,
                  flat_ref, zout_ref):
    x = x_ref[...].astype(jnp.bfloat16).astype(jnp.float32)
    y = y_ref[...].astype(jnp.bfloat16).astype(jnp.float32)
    z = z_ref[...].astype(jnp.bfloat16).astype(jnp.float32)

    def rb(i, j):
        return r_ref[i, j].astype(jnp.bfloat16).astype(jnp.float32)

    xc = x * rb(0, 0) + y * rb(1, 0) + z * rb(2, 0) + t_ref[0]
    yc = x * rb(0, 1) + y * rb(1, 1) + z * rb(2, 1) + t_ref[1]
    zc = x * rb(0, 2) + y * rb(1, 2) + z * rb(2, 2) + t_ref[2]
    zs = jnp.maximum(zc, EPS)
    xn = f_ref[0] * xc / zs + p_ref[0]
    yn = f_ref[1] * yc / zs + p_ref[1]
    px = (1.0 - xn) * (0.5 * (W - 1))
    py = (1.0 - yn) * (0.5 * (H - 1))
    row = lax.broadcasted_iota(jnp.int32, (ROWS, 128), 0)
    col = lax.broadcasted_iota(jnp.int32, (ROWS, 128), 1)
    lin = row * 128 + col
    inb = ((px >= 0) & (px <= W - 1) & (py >= 0) & (py <= H - 1)
           & (zc > EPS) & (lin < N))
    ix = jnp.clip(jnp.round(px), 0, W - 1).astype(jnp.int32)
    iy = jnp.clip(jnp.round(py), 0, H - 1).astype(jnp.int32)
    flat_ref[...] = jnp.where(inb, iy * W + ix, -1)
    zout_ref[...] = zc


def _groupmin_body(f_ref, z_ref, o_ref):
    f = f_ref[...]
    z = z_ref[...]
    eq = f[:, :, None] == f[:, None, :]
    zb = jnp.where(eq, z[:, None, :], jnp.inf)
    o_ref[...] = jnp.min(zb, axis=-1)


def _render_body(flat_hbm, zmin_hbm, z_hbm, r_hbm, g_hbm, b_hbm,
                 out_r, out_g, out_b, out_m, out_d,
                 zbuf, zb1, zb2, zb3, wsum, csr, csg, csb,
                 ws2, cr2, cg2, cb2,
                 fbuf, zcb, rcb, gcb, bcb,
                 fbuf1, zcb1, rcb1, gcb1, bcb1,
                 sem0, sem1, sem2, sem3, sem4,
                 sem5, sem6, sem7, sem8, sem9):
    zbufs = (zbuf, zb1, zb2, zb3)
    accsets = ((wsum, csr, csg, csb), (ws2, cr2, cg2, cb2))
    stage = ((fbuf, zcb, rcb, gcb, bcb, sem0, sem1, sem2, sem3, sem4),
             (fbuf1, zcb1, rcb1, gcb1, bcb1, sem5, sem6, sem7, sem8, sem9))
    wid = lax.axis_index("s") * 2 + lax.axis_index("c")
    lo = wid * PBAND

    def init_body(i, c):
        s = pl.ds(i * L, L)
        zbuf[s] = jnp.full((L,), jnp.inf, jnp.float32)
        zb1[s] = jnp.full((L,), jnp.inf, jnp.float32)
        zb2[s] = jnp.full((L,), jnp.inf, jnp.float32)
        zb3[s] = jnp.full((L,), jnp.inf, jnp.float32)
        wsum[s] = jnp.zeros((L,), jnp.float32)
        csr[s] = jnp.zeros((L,), jnp.float32)
        csg[s] = jnp.zeros((L,), jnp.float32)
        csb[s] = jnp.zeros((L,), jnp.float32)
        ws2[s] = jnp.zeros((L,), jnp.float32)
        cr2[s] = jnp.zeros((L,), jnp.float32)
        cg2[s] = jnp.zeros((L,), jnp.float32)
        cb2[s] = jnp.zeros((L,), jnp.float32)
        return c

    lax.fori_loop(0, PSCR // L, init_body, 0)

    UNROLL = 8

    def body_a(base, fb, zc, zb):
        fi = fb[pl.ds(base, L)]
        zi = zc[pl.ds(base, L)]
        li = fi - lo
        m = li.astype(jnp.uint32) < jnp.uint32(PBAND)
        cur = plsc.load_gather(zb, [li], mask=m)
        nxt = m & (zi < cur)
        plsc.store_scatter(zb, [li], zi, mask=nxt)

    def issue_a(ci, s):
        base = ci * CHUNK
        pltpu.async_copy(flat_hbm.at[pl.ds(base, CHUNK)], s[0], s[5])
        pltpu.async_copy(zmin_hbm.at[pl.ds(base, CHUNK)], s[1], s[6])

    def wait_a(s):
        pltpu.make_async_copy(flat_hbm.at[pl.ds(0, CHUNK)], s[0], s[5]).wait()
        pltpu.make_async_copy(zmin_hbm.at[pl.ds(0, CHUNK)], s[1], s[6]).wait()

    def compute_a(s):
        def vec_a(v, c):
            for u in range(UNROLL):
                body_a(v * (L * UNROLL) + u * L, s[0], s[1], zbufs[u % 4])
            return c
        lax.fori_loop(0, CHUNK // (L * UNROLL), vec_a, 0)

    issue_a(0, stage[0])

    def pair_a(i, c):
        issue_a(2 * i + 1, stage[1])
        wait_a(stage[0])
        compute_a(stage[0])
        issue_a(lax.rem(2 * i + 2, NCHUNK), stage[0])
        wait_a(stage[1])
        compute_a(stage[1])
        return c

    lax.fori_loop(0, NCHUNK // 2, pair_a, 0)
    wait_a(stage[0])

    def merge_body(i, c):
        s = pl.ds(i * L, L)
        zbuf[s] = jnp.minimum(jnp.minimum(zbuf[s], zb1[s]),
                              jnp.minimum(zb2[s], zb3[s]))
        return c

    lax.fori_loop(0, PSCR // L, merge_body, 0)

    def body_b(base, s, accs):
        aw, ar, ag, ab = accs
        fi = s[0][pl.ds(base, L)]
        zi = s[1][pl.ds(base, L)]
        ri = s[2][pl.ds(base, L)]
        gi = s[3][pl.ds(base, L)]
        bi = s[4][pl.ds(base, L)]
        li = fi - lo
        m = li.astype(jnp.uint32) < jnp.uint32(PBAND)
        zm = plsc.load_gather(zbuf, [li], mask=m)
        vis = m & (zi <= zm + BAND_DEPTH)
        d = jnp.maximum(zi - zm, 0.0)
        w = jnp.exp(d * (-1.0 / POINT_RADIUS))
        plsc.addupdate_scatter(aw, [li], w, mask=vis)
        plsc.addupdate_scatter(ar, [li], w * ri, mask=vis)
        plsc.addupdate_scatter(ag, [li], w * gi, mask=vis)
        plsc.addupdate_scatter(ab, [li], w * bi, mask=vis)

    def issue_b(ci, s):
        base = ci * CHUNK
        pltpu.async_copy(flat_hbm.at[pl.ds(base, CHUNK)], s[0], s[5])
        pltpu.async_copy(z_hbm.at[pl.ds(base, CHUNK)], s[1], s[6])
        pltpu.async_copy(r_hbm.at[pl.ds(base, CHUNK)], s[2], s[7])
        pltpu.async_copy(g_hbm.at[pl.ds(base, CHUNK)], s[3], s[8])
        pltpu.async_copy(b_hbm.at[pl.ds(base, CHUNK)], s[4], s[9])

    def wait_b(s):
        pltpu.make_async_copy(flat_hbm.at[pl.ds(0, CHUNK)], s[0], s[5]).wait()
        pltpu.make_async_copy(z_hbm.at[pl.ds(0, CHUNK)], s[1], s[6]).wait()
        pltpu.make_async_copy(r_hbm.at[pl.ds(0, CHUNK)], s[2], s[7]).wait()
        pltpu.make_async_copy(g_hbm.at[pl.ds(0, CHUNK)], s[3], s[8]).wait()
        pltpu.make_async_copy(b_hbm.at[pl.ds(0, CHUNK)], s[4], s[9]).wait()

    def compute_b(s):
        def vec_b(v, c):
            for u in range(UNROLL):
                body_b(v * (L * UNROLL) + u * L, s, accsets[u % 2])
            return c
        lax.fori_loop(0, CHUNK // (L * UNROLL), vec_b, 0)

    issue_b(0, stage[0])

    def pair_b(i, c):
        issue_b(2 * i + 1, stage[1])
        wait_b(stage[0])
        compute_b(stage[0])
        issue_b(lax.rem(2 * i + 2, NCHUNK), stage[0])
        wait_b(stage[1])
        compute_b(stage[1])
        return c

    lax.fori_loop(0, NCHUNK // 2, pair_b, 0)
    wait_b(stage[0])

    def norm_body(i, c):
        s = pl.ds(i * L, L)
        ws = wsum[s] + ws2[s]
        zb = zbuf[s]
        inv = 1.0 / (ws + 1e-8)
        csr[s] = jnp.clip((csr[s] + cr2[s]) * inv, 0.0, 1.0)
        csg[s] = jnp.clip((csg[s] + cg2[s]) * inv, 0.0, 1.0)
        csb[s] = jnp.clip((csb[s] + cb2[s]) * inv, 0.0, 1.0)
        wsum[s] = jnp.where(ws > 0, 1.0, 0.0)
        zbuf[s] = jnp.where(zb == jnp.inf, 0.0, zb)
        return c

    lax.fori_loop(0, PSCR // L, norm_body, 0)

    pltpu.sync_copy(csr.at[pl.ds(0, PBAND)], out_r.at[pl.ds(lo, PBAND)])
    pltpu.sync_copy(csg.at[pl.ds(0, PBAND)], out_g.at[pl.ds(lo, PBAND)])
    pltpu.sync_copy(csb.at[pl.ds(0, PBAND)], out_b.at[pl.ds(lo, PBAND)])
    pltpu.sync_copy(wsum.at[pl.ds(0, PBAND)], out_m.at[pl.ds(lo, PBAND)])
    pltpu.sync_copy(zbuf.at[pl.ds(0, PBAND)], out_d.at[pl.ds(lo, PBAND)])


def kernel(points, rgb, R, T, focal, principal_point):
    pts = jnp.pad(points, ((0, NPAD - N), (0, 0)))
    x = pts[:, 0].reshape(ROWS, 128)
    y = pts[:, 1].reshape(ROWS, 128)
    z = pts[:, 2].reshape(ROWS, 128)

    flat2d, z2d = pl.pallas_call(
        _project_body,
        in_specs=[
            pl.BlockSpec(memory_space=pltpu.VMEM),
            pl.BlockSpec(memory_space=pltpu.VMEM),
            pl.BlockSpec(memory_space=pltpu.VMEM),
            pl.BlockSpec(memory_space=pltpu.SMEM),
            pl.BlockSpec(memory_space=pltpu.SMEM),
            pl.BlockSpec(memory_space=pltpu.SMEM),
            pl.BlockSpec(memory_space=pltpu.SMEM),
        ],
        out_shape=[
            jax.ShapeDtypeStruct((ROWS, 128), jnp.int32),
            jax.ShapeDtypeStruct((ROWS, 128), jnp.float32),
        ],
    )(x, y, z, R, T, focal, principal_point)

    flat1d = flat2d.reshape(NPAD)
    z1d = z2d.reshape(NPAD)

    zmin2d = pl.pallas_call(
        _groupmin_body,
        grid=(NGRP // GB,),
        in_specs=[
            pl.BlockSpec((GB, 16), lambda i: (i, 0)),
            pl.BlockSpec((GB, 16), lambda i: (i, 0)),
        ],
        out_specs=pl.BlockSpec((GB, 16), lambda i: (i, 0)),
        out_shape=jax.ShapeDtypeStruct((NGRP, 16), jnp.float32),
    )(flat1d.reshape(NGRP, 16), z1d.reshape(NGRP, 16))

    rgbp = jnp.pad(rgb, ((0, NPAD - N), (0, 0)))
    rpl = rgbp[:, 0]
    gpl = rgbp[:, 1]
    bpl = rgbp[:, 2]

    render = functools.partial(
        pl.kernel,
        mesh=plsc.VectorSubcoreMesh(core_axis_name="c", subcore_axis_name="s",
                                    num_cores=2, num_subcores=16),
        compiler_params=pltpu.CompilerParams(needs_layout_passes=False),
        out_type=[jax.ShapeDtypeStruct((HW,), jnp.float32)] * 5,
        scratch_types=[
            pltpu.VMEM((PSCR,), jnp.float32),
            pltpu.VMEM((PSCR,), jnp.float32),
            pltpu.VMEM((PSCR,), jnp.float32),
            pltpu.VMEM((PSCR,), jnp.float32),
            pltpu.VMEM((PSCR,), jnp.float32),
            pltpu.VMEM((PSCR,), jnp.float32),
            pltpu.VMEM((PSCR,), jnp.float32),
            pltpu.VMEM((PSCR,), jnp.float32),
            pltpu.VMEM((PSCR,), jnp.float32),
            pltpu.VMEM((PSCR,), jnp.float32),
            pltpu.VMEM((PSCR,), jnp.float32),
            pltpu.VMEM((PSCR,), jnp.float32),
            pltpu.VMEM((CHUNK,), jnp.int32),
            pltpu.VMEM((CHUNK,), jnp.float32),
            pltpu.VMEM((CHUNK,), jnp.float32),
            pltpu.VMEM((CHUNK,), jnp.float32),
            pltpu.VMEM((CHUNK,), jnp.float32),
            pltpu.VMEM((CHUNK,), jnp.int32),
            pltpu.VMEM((CHUNK,), jnp.float32),
            pltpu.VMEM((CHUNK,), jnp.float32),
            pltpu.VMEM((CHUNK,), jnp.float32),
            pltpu.VMEM((CHUNK,), jnp.float32),
        ] + [pltpu.SemaphoreType.DMA] * 10,
    )(_render_body)

    out_r, out_g, out_b, out_m, out_d = render(
        flat1d, zmin2d.reshape(NPAD), z1d, rpl, gpl, bpl)

    image = jnp.stack([out_r, out_g, out_b]).reshape(1, 3, H, W)
    mask = out_m.reshape(1, 1, H, W)
    depth = out_d.reshape(1, 1, H, W)
    return image, mask, depth

# --- scband reference (transcript-rebuilt; emitter-appended) ---
"""Pipeline reference for scband-pointcloud-rendering-model-69810398429722 (READ-ONLY COPY).

The authoritative reference and input builder live on the scoring server;
editing this copy changes nothing except your own understanding.
"""

import jax, jax.numpy as jnp
import numpy as np

H, W = 400, 400
N = 500000
POINT_RADIUS = 0.01
TOPK = 10
BG_COLOR = 0.0

def setup_inputs(seed: int = 0) -> dict:
    key = jax.random.key(seed)
    k1, k2 = jax.random.split(key)
    points = jax.random.normal(k1, (N, 3), dtype=jnp.float32) * 0.5
    rgb = jax.random.uniform(k2, (N, 3), dtype=jnp.float32)
    R = jnp.eye(3, dtype=jnp.float32)
    T = jnp.array([0.0, 0.0, 3.0], dtype=jnp.float32)
    focal = jnp.array([2.0, 2.0], dtype=jnp.float32)
    principal_point = jnp.array([0.0, 0.0], dtype=jnp.float32)
    return {"points": points, "rgb": rgb, "R": R, "T": T, "focal": focal, "principal_point": principal_point}

def reference(points, rgb, R, T, focal, principal_point):
    # camera transform (pytorch3d convention: X_cam = X @ R + T)
    Xc = points @ R + T
    z = Xc[:, 2]
    eps = 1e-8
    zs = jnp.maximum(z, eps)
    # perspective projection to NDC
    x_ndc = focal[0] * Xc[:, 0] / zs + principal_point[0]
    y_ndc = focal[1] * Xc[:, 1] / zs + principal_point[1]
    # NDC [-1,1] -> pixel coords (pytorch3d NDC +x left, +y up)
    px = (1.0 - x_ndc) * 0.5 * (W - 1)
    py = (1.0 - y_ndc) * 0.5 * (H - 1)
    in_bounds = (px >= 0) & (px <= W - 1) & (py >= 0) & (py <= H - 1) & (z > eps)
    ix = jnp.clip(jnp.round(px), 0, W - 1).astype(jnp.int32)
    iy = jnp.clip(jnp.round(py), 0, H - 1).astype(jnp.int32)
    flat = iy * W + ix
    # z-buffer: per-pixel min depth via scatter-min
    updates = jnp.where(in_bounds, z, jnp.inf)
    zbuf = jnp.full((H * W,), jnp.inf, dtype=jnp.float32).at[flat].min(updates)
    zm = zbuf[flat]
    zm_safe = jnp.where(jnp.isfinite(zm), zm, 0.0)
    band = POINT_RADIUS * TOPK
    d = jnp.where(in_bounds, z - zm_safe, 0.0)
    visible = in_bounds & (z <= zm_safe + band)
    # soft top-k compositing: exponential falloff with depth past the z-buffer
    w = jnp.where(visible, jnp.exp(-jnp.clip(d, 0.0, 60.0 * POINT_RADIUS) / POINT_RADIUS), 0.0)
    wsum = jnp.zeros((H * W,), dtype=jnp.float32).at[flat].add(w)
    colsum = jnp.zeros((H * W, 3), dtype=jnp.float32).at[flat].add(w[:, None] * rgb)
    mask = (wsum > 0).astype(jnp.float32)
    image = colsum / (wsum[:, None] + 1e-8) + BG_COLOR * (1.0 - mask[:, None])
    depth = jnp.where(jnp.isfinite(zbuf), zbuf, 0.0)
    image_render = jnp.clip(image, 0.0, 1.0).reshape(1, H, W, 3).transpose(0, 3, 1, 2)
    mask_render = mask.reshape(1, 1, H, W)
    depth_render = depth.reshape(1, 1, H, W)
    return image_render, mask_render, depth_render

if __name__ == "__main__":
    import jax
    _d = setup_inputs()
    print(jax.jit(kernel)(*tuple(_d.values())))

</pallas_src>

<mosaic_0001>
#map = affine_map<(d0, d1) -> (0)>
module attributes {stable_mosaic.version = 14 : i64} {
  func.func @_render_body(%arg0: i32, %arg1: i32, %arg2: memref<507904xi32, #tpu.memory_space<hbm>>, %arg3: memref<507904xf32, #tpu.memory_space<hbm>>, %arg4: memref<507904xf32, #tpu.memory_space<hbm>>, %arg5: memref<507904xf32, #tpu.memory_space<hbm>>, %arg6: memref<507904xf32, #tpu.memory_space<hbm>>, %arg7: memref<507904xf32, #tpu.memory_space<hbm>>, %arg8: memref<160000xf32, #tpu.memory_space<hbm>>, %arg9: memref<160000xf32, #tpu.memory_space<hbm>>, %arg10: memref<160000xf32, #tpu.memory_space<hbm>>, %arg11: memref<160000xf32, #tpu.memory_space<hbm>>, %arg12: memref<160000xf32, #tpu.memory_space<hbm>>, %arg13: memref<5008xf32, #tpu.memory_space<vmem>>, %arg14: memref<5008xf32, #tpu.memory_space<vmem>>, %arg15: memref<5008xf32, #tpu.memory_space<vmem>>, %arg16: memref<5008xf32, #tpu.memory_space<vmem>>, %arg17: memref<5008xf32, #tpu.memory_space<vmem>>, %arg18: memref<5008xf32, #tpu.memory_space<vmem>>, %arg19: memref<5008xf32, #tpu.memory_space<vmem>>, %arg20: memref<5008xf32, #tpu.memory_space<vmem>>, %arg21: memref<5008xf32, #tpu.memory_space<vmem>>, %arg22: memref<5008xf32, #tpu.memory_space<vmem>>, %arg23: memref<5008xf32, #tpu.memory_space<vmem>>, %arg24: memref<5008xf32, #tpu.memory_space<vmem>>, %arg25: memref<4096xi32, #tpu.memory_space<vmem>>, %arg26: memref<4096xf32, #tpu.memory_space<vmem>>, %arg27: memref<4096xf32, #tpu.memory_space<vmem>>, %arg28: memref<4096xf32, #tpu.memory_space<vmem>>, %arg29: memref<4096xf32, #tpu.memory_space<vmem>>, %arg30: memref<4096xi32, #tpu.memory_space<vmem>>, %arg31: memref<4096xf32, #tpu.memory_space<vmem>>, %arg32: memref<4096xf32, #tpu.memory_space<vmem>>, %arg33: memref<4096xf32, #tpu.memory_space<vmem>>, %arg34: memref<4096xf32, #tpu.memory_space<vmem>>, %arg35: memref<!tpu.dma_semaphore, #tpu.memory_space<semaphore_mem>>, %arg36: memref<!tpu.dma_semaphore, #tpu.memory_space<semaphore_mem>>, %arg37: memref<!tpu.dma_semaphore, #tpu.memory_space<semaphore_mem>>, %arg38: memref<!tpu.dma_semaphore, #tpu.memory_space<semaphore_mem>>, %arg39: memref<!tpu.dma_semaphore, #tpu.memory_space<semaphore_mem>>, %arg40: memref<!tpu.dma_semaphore, #tpu.memory_space<semaphore_mem>>, %arg41: memref<!tpu.dma_semaphore, #tpu.memory_space<semaphore_mem>>, %arg42: memref<!tpu.dma_semaphore, #tpu.memory_space<semaphore_mem>>, %arg43: memref<!tpu.dma_semaphore, #tpu.memory_space<semaphore_mem>>, %arg44: memref<!tpu.dma_semaphore, #tpu.memory_space<semaphore_mem>>) attributes {dimension_semantics = [#tpu.dimension_semantics<core_parallel>, #tpu.dimension_semantics<subcore_parallel>], iteration_bounds = array<i64: 2, 16>, scalar_prefetch = 0 : i64, scratch_operands = 32 : i64, tpu.core_type = #tpu.core_type<sc_vector_subcore>, window_params = [{transform_indices = #map}, {transform_indices = #map}, {transform_indices = #map}, {transform_indices = #map}, {transform_indices = #map}, {transform_indices = #map}, {transform_indices = #map}, {transform_indices = #map}, {transform_indices = #map}, {transform_indices = #map}, {transform_indices = #map}]} {
    %mul3A = arith.constant 2 : i32
    %mul3A_0 = arith.muli %arg1, %mul3A : i32
    %add3A = arith.addi %mul3A_0, %arg0 : i32
    %mul3A_1 = arith.constant 5000 : i32
    %mul3A_2 = arith.muli %add3A, %mul3A_1 : i32
    %scan3A = arith.constant 0 : i32
    %scan3A_3 = arith.constant 0 : i32
    %scan3A_4 = arith.constant 313 : i32
    %scan3A_5 = arith.addi %scan3A_3, %scan3A_4 : i32
    %scan3A_6 = arith.constant 1 : i32
    scf.for %scan3A_86 = %scan3A_3 to %scan3A_5 step %scan3A_6  : i32 {
      %mul3A_87 = arith.constant 16 : i32
      %mul3A_88 = arith.muli %scan3A_86, %mul3A_87 : i32
      %broadcast_in_dim3A = arith.constant 0x7F800000 : f32
      %broadcast_in_dim3A_89 = vector.broadcast %broadcast_in_dim3A : f32 to vector<16xf32>
      %swap3A = arith.index_cast %mul3A_88 : i32 to index
      %swap3A_90 = tpu.vector_load %arg13[%swap3A] {strides = array<i32>} : memref<5008xf32, #tpu.memory_space<vmem>>, vector<16xf32>,
      tpu.vector_store %arg13[%swap3A], %broadcast_in_dim3A_89 {strides = array<i32>} : memref<5008xf32, #tpu.memory_space<vmem>>, vector<16xf32>,
      %broadcast_in_dim3A_91 = arith.constant 0x7F800000 : f32
      %broadcast_in_dim3A_92 = vector.broadcast %broadcast_in_dim3A_91 : f32 to vector<16xf32>
      %swap3A_93 = arith.index_cast %mul3A_88 : i32 to index
      %swap3A_94 = tpu.vector_load %arg14[%swap3A_93] {strides = array<i32>} : memref<5008xf32, #tpu.memory_space<vmem>>, vector<16xf32>,
      tpu.vector_store %arg14[%swap3A_93], %broadcast_in_dim3A_92 {strides = array<i32>} : memref<5008xf32, #tpu.memory_space<vmem>>, vector<16xf32>,
      %broadcast_in_dim3A_95 = arith.constant 0x7F800000 : f32
      %broadcast_in_dim3A_96 = vector.broadcast %broadcast_in_dim3A_95 : f32 to vector<16xf32>
      %swap3A_97 = arith.index_cast %mul3A_88 : i32 to index
      %swap3A_98 = tpu.vector_load %arg15[%swap3A_97] {strides = array<i32>} : memref<5008xf32, #tpu.memory_space<vmem>>, vector<16xf32>,
      tpu.vector_store %arg15[%swap3A_97], %broadcast_in_dim3A_96 {strides = array<i32>} : memref<5008xf32, #tpu.memory_space<vmem>>, vector<16xf32>,
      %broadcast_in_dim3A_99 = arith.constant 0x7F800000 : f32
      %broadcast_in_dim3A_100 = vector.broadcast %broadcast_in_dim3A_99 : f32 to vector<16xf32>
      %swap3A_101 = arith.index_cast %mul3A_88 : i32 to index
      %swap3A_102 = tpu.vector_load %arg16[%swap3A_101] {strides = array<i32>} : memref<5008xf32, #tpu.memory_space<vmem>>, vector<16xf32>,
      tpu.vector_store %arg16[%swap3A_101], %broadcast_in_dim3A_100 {strides = array<i32>} : memref<5008xf32, #tpu.memory_space<vmem>>, vector<16xf32>,
      %broadcast_in_dim3A_103 = arith.constant 0.000000e+00 : f32
      %broadcast_in_dim3A_104 = vector.broadcast %broadcast_in_dim3A_103 : f32 to vector<16xf32>
      %swap3A_105 = arith.index_cast %mul3A_88 : i32 to index
      %swap3A_106 = tpu.vector_load %arg17[%swap3A_105] {strides = array<i32>} : memref<5008xf32, #tpu.memory_space<vmem>>, vector<16xf32>,
      tpu.vector_store %arg17[%swap3A_105], %broadcast_in_dim3A_104 {strides = array<i32>} : memref<5008xf32, #tpu.memory_space<vmem>>, vector<16xf32>,
      %broadcast_in_dim3A_107 = arith.constant 0.000000e+00 : f32
      %broadcast_in_dim3A_108 = vector.broadcast %broadcast_in_dim3A_107 : f32 to vector<16xf32>
      %swap3A_109 = arith.index_cast %mul3A_88 : i32 to index
      %swap3A_110 = tpu.vector_load %arg18[%swap3A_109] {strides = array<i32>} : memref<5008xf32, #tpu.memory_space<vmem>>, vector<16xf32>,
      tpu.vector_store %arg18[%swap3A_109], %broadcast_in_dim3A_108 {strides = array<i32>} : memref<5008xf32, #tpu.memory_space<vmem>>, vector<16xf32>,
      %broadcast_in_dim3A_111 = arith.constant 0.000000e+00 : f32
      %broadcast_in_dim3A_112 = vector.broadcast %broadcast_in_dim3A_111 : f32 to vector<16xf32>
      %swap3A_113 = arith.index_cast %mul3A_88 : i32 to index
      %swap3A_114 = tpu.vector_load %arg19[%swap3A_113] {strides = array<i32>} : memref<5008xf32, #tpu.memory_space<vmem>>, vector<16xf32>,
      tpu.vector_store %arg19[%swap3A_113], %broadcast_in_dim3A_112 {strides = array<i32>} : memref<5008xf32, #tpu.memory_space<vmem>>, vector<16xf32>,
      %broadcast_in_dim3A_115 = arith.constant 0.000000e+00 : f32
      %broadcast_in_dim3A_116 = vector.broadcast %broadcast_in_dim3A_115 : f32 to vector<16xf32>
      %swap3A_117 = arith.index_cast %mul3A_88 : i32 to index
      %swap3A_118 = tpu.vector_load %arg20[%swap3A_117] {strides = array<i32>} : memref<5008xf32, #tpu.memory_space<vmem>>, vector<16xf32>,
      tpu.vector_store %arg20[%swap3A_117], %broadcast_in_dim3A_116 {strides = array<i32>} : memref<5008xf32, #tpu.memory_space<vmem>>, vector<16xf32>,
      %broadcast_in_dim3A_119 = arith.constant 0.000000e+00 : f32
      %broadcast_in_dim3A_120 = vector.broadcast %broadcast_in_dim3A_119 : f32 to vector<16xf32>
      %swap3A_121 = arith.index_cast %mul3A_88 : i32 to index
      %swap3A_122 = tpu.vector_load %arg21[%swap3A_121] {strides = array<i32>} : memref<5008xf32, #tpu.memory_space<vmem>>, vector<16xf32>,
      tpu.vector_store %arg21[%swap3A_121], %broadcast_in_dim3A_120 {strides = array<i32>} : memref<5008xf32, #tpu.memory_space<vmem>>, vector<16xf32>,
      %broadcast_in_dim3A_123 = arith.constant 0.000000e+00 : f32
      %broadcast_in_dim3A_124 = vector.broadcast %broadcast_in_dim3A_123 : f32 to vector<16xf32>
      %swap3A_125 = arith.index_cast %mul3A_88 : i32 to index
      %swap3A_126 = tpu.vector_load %arg22[%swap3A_125] {strides = array<i32>} : memref<5008xf32, #tpu.memory_space<vmem>>, vector<16xf32>,
      tpu.vector_store %arg22[%swap3A_125], %broadcast_in_dim3A_124 {strides = array<i32>} : memref<5008xf32, #tpu.memory_space<vmem>>, vector<16xf32>,
      %broadcast_in_dim3A_127 = arith.constant 0.000000e+00 : f32
      %broadcast_in_dim3A_128 = vector.broadcast %broadcast_in_dim3A_127 : f32 to vector<16xf32>
      %swap3A_129 = arith.index_cast %mul3A_88 : i32 to index
      %swap3A_130 = tpu.vector_load %arg23[%swap3A_129] {strides = array<i32>} : memref<5008xf32, #tpu.memory_space<vmem>>, vector<16xf32>,
      tpu.vector_store %arg23[%swap3A_129], %broadcast_in_dim3A_128 {strides = array<i32>} : memref<5008xf32, #tpu.memory_space<vmem>>, vector<16xf32>,
      %broadcast_in_dim3A_131 = arith.constant 0.000000e+00 : f32
      %broadcast_in_dim3A_132 = vector.broadcast %broadcast_in_dim3A_131 : f32 to vector<16xf32>
      %swap3A_133 = arith.index_cast %mul3A_88 : i32 to index
      %swap3A_134 = tpu.vector_load %arg24[%swap3A_133] {strides = array<i32>} : memref<5008xf32, #tpu.memory_space<vmem>>, vector<16xf32>,
      tpu.vector_store %arg24[%swap3A_133], %broadcast_in_dim3A_132 {strides = array<i32>} : memref<5008xf32, #tpu.memory_space<vmem>>, vector<16xf32>,
    }
    %scan3A_7 = arith.constant 313 : i32
    %dma_start3A = arith.constant 0 : i32
    %dma_start3A_8 = tpu.memref_slice %arg2[%dma_start3A] : memref<507904xi32, #tpu.memory_space<hbm>> -> memref<4096xi32, #tpu.memory_space<hbm>>
    %dma_start3A_9 = arith.constant 0 : i32
    %dma_start3A_10 = tpu.memref_slice %arg2[%dma_start3A_9] : memref<507904xi32, #tpu.memory_space<hbm>> -> memref<4096xi32, #tpu.memory_space<hbm>>
    tpu.enqueue_dma source(%dma_start3A_10 : memref<4096xi32, #tpu.memory_space<hbm>>) target(%arg25 : memref<4096xi32, #tpu.memory_space<vmem>>) target_semaphore(%arg35 : memref<!tpu.dma_semaphore, #tpu.memory_space<semaphore_mem>>)
    %dma_start3A_11 = arith.constant 0 : i32
    %dma_start3A_12 = tpu.memref_slice %arg3[%dma_start3A_11] : memref<507904xf32, #tpu.memory_space<hbm>> -> memref<4096xf32, #tpu.memory_space<hbm>>
    %dma_start3A_13 = arith.constant 0 : i32
    %dma_start3A_14 = tpu.memref_slice %arg3[%dma_start3A_13] : memref<507904xf32, #tpu.memory_space<hbm>> -> memref<4096xf32, #tpu.memory_space<hbm>>
    tpu.enqueue_dma source(%dma_start3A_14 : memref<4096xf32, #tpu.memory_space<hbm>>) target(%arg26 : memref<4096xf32, #tpu.memory_space<vmem>>) target_semaphore(%arg36 : memref<!tpu.dma_semaphore, #tpu.memory_space<semaphore_mem>>)
    %scan3A_15 = arith.constant 0 : i32
    %scan3A_16 = arith.constant 0 : i32
    %scan3A_17 = arith.constant 62 : i32
    %scan3A_18 = arith.addi %scan3A_16, %scan3A_17 : i32
    %scan3A_19 = arith.constant 1 : i32
    scf.for %scan3A_86 = %scan3A_16 to %scan3A_18 step %scan3A_19  : i32 {
      %mul3A_87 = arith.constant 2 : i32
      %mul3A_88 = arith.muli %mul3A_87, %scan3A_86 : i32
      %add3A_89 = arith.constant 1 : i32
      %add3A_90 = arith.addi %mul3A_88, %add3A_89 : i32
      %mul3A_91 = arith.constant 4096 : i32
      %mul3A_92 = arith.muli %add3A_90, %mul3A_91 : i32
      %dma_start3A_93 = tpu.memref_slice %arg2[%mul3A_92] : memref<507904xi32, #tpu.memory_space<hbm>> -> memref<4096xi32, #tpu.memory_space<hbm>>
      %dma_start3A_94 = tpu.memref_slice %arg2[%mul3A_92] : memref<507904xi32, #tpu.memory_space<hbm>> -> memref<4096xi32, #tpu.memory_space<hbm>>
      tpu.enqueue_dma source(%dma_start3A_94 : memref<4096xi32, #tpu.memory_space<hbm>>) target(%arg30 : memref<4096xi32, #tpu.memory_space<vmem>>) target_semaphore(%arg40 : memref<!tpu.dma_semaphore, #tpu.memory_space<semaphore_mem>>)
      %dma_start3A_95 = tpu.memref_slice %arg3[%mul3A_92] : memref<507904xf32, #tpu.memory_space<hbm>> -> memref<4096xf32, #tpu.memory_space<hbm>>
      %dma_start3A_96 = tpu.memref_slice %arg3[%mul3A_92] : memref<507904xf32, #tpu.memory_space<hbm>> -> memref<4096xf32, #tpu.memory_space<hbm>>
      tpu.enqueue_dma source(%dma_start3A_96 : memref<4096xf32, #tpu.memory_space<hbm>>) target(%arg31 : memref<4096xf32, #tpu.memory_space<vmem>>) target_semaphore(%arg41 : memref<!tpu.dma_semaphore, #tpu.memory_space<semaphore_mem>>)
      %dma_wait3A_97 = arith.constant 0 : i32
      %dma_wait3A_98 = tpu.memref_slice %arg2[%dma_wait3A_97] : memref<507904xi32, #tpu.memory_space<hbm>> -> memref<4096xi32, #tpu.memory_space<hbm>>
      %dma_wait3A_99 = arith.constant 0 : i32
      %dma_wait3A_100 = tpu.memref_slice %arg2[%dma_wait3A_99] : memref<507904xi32, #tpu.memory_space<hbm>> -> memref<4096xi32, #tpu.memory_space<hbm>>
      tpu.wait_dma2 semaphore(%arg35 : memref<!tpu.dma_semaphore, #tpu.memory_space<semaphore_mem>>) src(%dma_wait3A_100 : memref<4096xi32, #tpu.memory_space<hbm>>) dst(%arg25 : memref<4096xi32, #tpu.memory_space<vmem>>)
      %dma_wait3A_101 = arith.constant 0 : i32
      %dma_wait3A_102 = tpu.memref_slice %arg3[%dma_wait3A_101] : memref<507904xf32, #tpu.memory_space<hbm>> -> memref<4096xf32, #tpu.memory_space<hbm>>
      %dma_wait3A_103 = arith.constant 0 : i32
      %dma_wait3A_104 = tpu.memref_slice %arg3[%dma_wait3A_103] : memref<507904xf32, #tpu.memory_space<hbm>> -> memref<4096xf32, #tpu.memory_space<hbm>>
      tpu.wait_dma2 semaphore(%arg36 : memref<!tpu.dma_semaphore, #tpu.memory_space<semaphore_mem>>) src(%dma_wait3A_104 : memref<4096xf32, #tpu.memory_space<hbm>>) dst(%arg26 : memref<4096xf32, #tpu.memory_space<vmem>>)
      %scan3A_105 = arith.constant 0 : i32
      %scan3A_106 = arith.constant 0 : i32
      %scan3A_107 = arith.constant 32 : i32
      %scan3A_108 = arith.addi %scan3A_106, %scan3A_107 : i32
      %scan3A_109 = arith.constant 1 : i32
      scf.for %scan3A_136 = %scan3A_106 to %scan3A_108 step %scan3A_109  : i32 {
        %mul3A_137 = arith.constant 128 : i32
        %mul3A_138 = arith.muli %scan3A_136, %mul3A_137 : i32
        %add3A_139 = arith.constant 0 : i32
        %add3A_140 = arith.addi %mul3A_138, %add3A_139 : i32
        %get3A = arith.index_cast %add3A_140 : i32 to index
        %get3A_141 = tpu.vector_load %arg25[%get3A] {strides = array<i32>} : memref<4096xi32, #tpu.memory_space<vmem>>, vector<16xi32>,
        %get3A_142 = arith.index_cast %add3A_140 : i32 to index
        %get3A_143 = tpu.vector_load %arg26[%get3A_142] {strides = array<i32>} : memref<4096xf32, #tpu.memory_space<vmem>>, vector<16xf32>,
        %sub3A = vector.broadcast %mul3A_2 : i32 to vector<16xi32>
        %sub3A_144 = arith.subi %get3A_141, %sub3A : vector<16xi32>
        %lt3A = arith.constant 5000 : i32
        %lt3A_145 = vector.broadcast %lt3A : i32 to vector<16xi32>
        %lt3A_146 = arith.cmpi ult, %sub3A_144, %lt3A_145 : vector<16xi32>
        %gather3A = tpu.vector_load_idx %arg13[%sub3A_144] masked %lt3A_146 : memref<5008xf32, #tpu.memory_space<vmem>>[vector<16xi32>], vector<16xf32>, vector<16xi1>
        %lt3A_147 = arith.cmpf olt, %get3A_143, %gather3A : vector<16xf32>
        %and3A = arith.andi %lt3A_146, %lt3A_147 : vector<16xi1>
        tpu.vector_store_idx %arg13[%sub3A_144], %get3A_143 masked %and3A : memref<5008xf32, #tpu.memory_space<vmem>>[vector<16xi32>], vector<16xf32>, vector<16xi1>
        %mul3A_148 = arith.constant 128 : i32
        %mul3A_149 = arith.muli %scan3A_136, %mul3A_148 : i32
        %add3A_150 = arith.constant 16 : i32
        %add3A_151 = arith.addi %mul3A_149, %add3A_150 : i32
        %get3A_152 = arith.index_cast %add3A_151 : i32 to index
        %get3A_153 = tpu.vector_load %arg25[%get3A_152] {strides = array<i32>} : memref<4096xi32, #tpu.memory_space<vmem>>, vector<16xi32>,
        %get3A_154 = arith.index_cast %add3A_151 : i32 to index
        %get3A_155 = tpu.vector_load %arg26[%get3A_154] {strides = array<i32>} : memref<4096xf32, #tpu.memory_space<vmem>>, vector<16xf32>,
        %sub3A_156 = vector.broadcast %mul3A_2 : i32 to vector<16xi32>
        %sub3A_157 = arith.subi %get3A_153, %sub3A_156 : vector<16xi32>
        %lt3A_158 = arith.constant 5000 : i32
        %lt3A_159 = vector.broadcast %lt3A_158 : i32 to vector<16xi32>
        %lt3A_160 = arith.cmpi ult, %sub3A_157, %lt3A_159 : vector<16xi32>
        %gather3A_161 = tpu.vector_load_idx %arg14[%sub3A_157] masked %lt3A_160 : memref<5008xf32, #tpu.memory_space<vmem>>[vector<16xi32>], vector<16xf32>, vector<16xi1>
        %lt3A_162 = arith.cmpf olt, %get3A_155, %gather3A_161 : vector<16xf32>
        %and3A_163 = arith.andi %lt3A_160, %lt3A_162 : vector<16xi1>
        tpu.vector_store_idx %arg14[%sub3A_157], %get3A_155 masked %and3A_163 : memref<5008xf32, #tpu.memory_space<vmem>>[vector<16xi32>], vector<16xf32>, vector<16xi1>
        %mul3A_164 = arith.constant 128 : i32
        %mul3A_165 = arith.muli %scan3A_136, %mul3A_164 : i32
        %add3A_166 = arith.constant 32 : i32
        %add3A_167 = arith.addi %mul3A_165, %add3A_166 : i32
        %get3A_168 = arith.index_cast %add3A_167 : i32 to index
        %get3A_169 = tpu.vector_load %arg25[%get3A_168] {strides = array<i32>} : memref<4096xi32, #tpu.memory_space<vmem>>, vector<16xi32>,
        %get3A_170 = arith.index_cast %add3A_167 : i32 to index
        %get3A_171 = tpu.vector_load %arg26[%get3A_170] {strides = array<i32>} : memref<4096xf32, #tpu.memory_space<vmem>>, vector<16xf32>,
        %sub3A_172 = vector.broadcast %mul3A_2 : i32 to vector<16xi32>
        %sub3A_173 = arith.subi %get3A_169, %sub3A_172 : vector<16xi32>
        %lt3A_174 = arith.constant 5000 : i32
        %lt3A_175 = vector.broadcast %lt3A_174 : i32 to vector<16xi32>
        %lt3A_176 = arith.cmpi ult, %sub3A_173, %lt3A_175 : vector<16xi32>
        %gather3A_177 = tpu.vector_load_idx %arg15[%sub3A_173] masked %lt3A_176 : memref<5008xf32, #tpu.memory_space<vmem>>[vector<16xi32>], vector<16xf32>, vector<16xi1>
        %lt3A_178 = arith.cmpf olt, %get3A_171, %gather3A_177 : vector<16xf32>
        %and3A_179 = arith.andi %lt3A_176, %lt3A_178 : vector<16xi1>
        tpu.vector_store_idx %arg15[%sub3A_173], %get3A_171 masked %and3A_179 : memref<5008xf32, #tpu.memory_space<vmem>>[vector<16xi32>], vector<16xf32>, vector<16xi1>
        %mul3A_180 = arith.constant 128 : i32
        %mul3A_181 = arith.muli %scan3A_136, %mul3A_180 : i32
        %add3A_182 = arith.constant 48 : i32
        %add3A_183 = arith.addi %mul3A_181, %add3A_182 : i32
        %get3A_184 = arith.index_cast %add3A_183 : i32 to index
        %get3A_185 = tpu.vector_load %arg25[%get3A_184] {strides = array<i32>} : memref<4096xi32, #tpu.memory_space<vmem>>, vector<16xi32>,
        %get3A_186 = arith.index_cast %add3A_183 : i32 to index
        %get3A_187 = tpu.vector_load %arg26[%get3A_186] {strides = array<i32>} : memref<4096xf32, #tpu.memory_space<vmem>>, vector<16xf32>,
        %sub3A_188 = vector.broadcast %mul3A_2 : i32 to vector<16xi32>
        %sub3A_189 = arith.subi %get3A_185, %sub3A_188 : vector<16xi32>
        %lt3A_190 = arith.constant 5000 : i32
        %lt3A_191 = vector.broadcast %lt3A_190 : i32 to vector<16xi32>
        %lt3A_192 = arith.cmpi ult, %sub3A_189, %lt3A_191 : vector<16xi32>
        %gather3A_193 = tpu.vector_load_idx %arg16[%sub3A_189] masked %lt3A_192 : memref<5008xf32, #tpu.memory_space<vmem>>[vector<16xi32>], vector<16xf32>, vector<16xi1>
        %lt3A_194 = arith.cmpf olt, %get3A_187, %gather3A_193 : vector<16xf32>
        %and3A_195 = arith.andi %lt3A_192, %lt3A_194 : vector<16xi1>
        tpu.vector_store_idx %arg16[%sub3A_189], %get3A_187 masked %and3A_195 : memref<5008xf32, #tpu.memory_space<vmem>>[vector<16xi32>], vector<16xf32>, vector<16xi1>
        %mul3A_196 = arith.constant 128 : i32
        %mul3A_197 = arith.muli %scan3A_136, %mul3A_196 : i32
        %add3A_198 = arith.constant 64 : i32
        %add3A_199 = arith.addi %mul3A_197, %add3A_198 : i32
        %get3A_200 = arith.index_cast %add3A_199 : i32 to index
        %get3A_201 = tpu.vector_load %arg25[%get3A_200] {strides = array<i32>} : memref<4096xi32, #tpu.memory_space<vmem>>, vector<16xi32>,
        %get3A_202 = arith.index_cast %add3A_199 : i32 to index
        %get3A_203 = tpu.vector_load %arg26[%get3A_202] {strides = array<i32>} : memref<4096xf32, #tpu.memory_space<vmem>>, vector<16xf32>,
        %sub3A_204 = vector.broadcast %mul3A_2 : i32 to vector<16xi32>
        %sub3A_205 = arith.subi %get3A_201, %sub3A_204 : vector<16xi32>
        %lt3A_206 = arith.constant 5000 : i32
        %lt3A_207 = vector.broadcast %lt3A_206 : i32 to vector<16xi32>
        %lt3A_208 = arith.cmpi ult, %sub3A_205, %lt3A_207 : vector<16xi32>
        %gather3A_209 = tpu.vector_load_idx %arg13[%sub3A_205] masked %lt3A_208 : memref<5008xf32, #tpu.memory_space<vmem>>[vector<16xi32>], vector<16xf32>, vector<16xi1>
        %lt3A_210 = arith.cmpf olt, %get3A_203, %gather3A_209 : vector<16xf32>
        %and3A_211 = arith.andi %lt3A_208, %lt3A_210 : vector<16xi1>
        tpu.vector_store_idx %arg13[%sub3A_205], %get3A_203 masked %and3A_211 : memref<5008xf32, #tpu.memory_space<vmem>>[vector<16xi32>], vector<16xf32>, vector<16xi1>
        %mul3A_212 = arith.constant 128 : i32
        %mul3A_213 = arith.muli %scan3A_136, %mul3A_212 : i32
        %add3A_214 = arith.constant 80 : i32
        %add3A_215 = arith.addi %mul3A_213, %add3A_214 : i32
        %get3A_216 = arith.index_cast %add3A_215 : i32 to index
        %get3A_217 = tpu.vector_load %arg25[%get3A_216] {strides = array<i32>} : memref<4096xi32, #tpu.memory_space<vmem>>, vector<16xi32>,
        %get3A_218 = arith.index_cast %add3A_215 : i32 to index
        %get3A_219 = tpu.vector_load %arg26[%get3A_218] {strides = array<i32>} : memref<4096xf32, #tpu.memory_space<vmem>>, vector<16xf32>,
        %sub3A_220 = vector.broadcast %mul3A_2 : i32 to vector<16xi32>
        %sub3A_221 = arith.subi %get3A_217, %sub3A_220 : vector<16xi32>
        %lt3A_222 = arith.constant 5000 : i32
        %lt3A_223 = vector.broadcast %lt3A_222 : i32 to vector<16xi32>
        %lt3A_224 = arith.cmpi ult, %sub3A_221, %lt3A_223 : vector<16xi32>
        %gather3A_225 = tpu.vector_load_idx %arg14[%sub3A_221] masked %lt3A_224 : memref<5008xf32, #tpu.memory_space<vmem>>[vector<16xi32>], vector<16xf32>, vector<16xi1>
        %lt3A_226 = arith.cmpf olt, %get3A_219, %gather3A_225 : vector<16xf32>
        %and3A_227 = arith.andi %lt3A_224, %lt3A_226 : vector<16xi1>
        tpu.vector_store_idx %arg14[%sub3A_221], %get3A_219 masked %and3A_227 : memref<5008xf32, #tpu.memory_space<vmem>>[vector<16xi32>], vector<16xf32>, vector<16xi1>
        %mul3A_228 = arith.constant 128 : i32
        %mul3A_229 = arith.muli %scan3A_136, %mul3A_228 : i32
        %add3A_230 = arith.constant 96 : i32
        %add3A_231 = arith.addi %mul3A_229, %add3A_230 : i32
        %get3A_232 = arith.index_cast %add3A_231 : i32 to index
        %get3A_233 = tpu.vector_load %arg25[%get3A_232] {strides = array<i32>} : memref<4096xi32, #tpu.memory_space<vmem>>, vector<16xi32>,
        %get3A_234 = arith.index_cast %add3A_231 : i32 to index
        %get3A_235 = tpu.vector_load %arg26[%get3A_234] {strides = array<i32>} : memref<4096xf32, #tpu.memory_space<vmem>>, vector<16xf32>,
        %sub3A_236 = vector.broadcast %mul3A_2 : i32 to vector<16xi32>
        %sub3A_237 = arith.subi %get3A_233, %sub3A_236 : vector<16xi32>
        %lt3A_238 = arith.constant 5000 : i32
        %lt3A_239 = vector.broadcast %lt3A_238 : i32 to vector<16xi32>
        %lt3A_240 = arith.cmpi ult, %sub3A_237, %lt3A_239 : vector<16xi32>
        %gather3A_241 = tpu.vector_load_idx %arg15[%sub3A_237] masked %lt3A_240 : memref<5008xf32, #tpu.memory_space<vmem>>[vector<16xi32>], vector<16xf32>, vector<16xi1>
        %lt3A_242 = arith.cmpf olt, %get3A_235, %gather3A_241 : vector<16xf32>
        %and3A_243 = arith.andi %lt3A_240, %lt3A_242 : vector<16xi1>
        tpu.vector_store_idx %arg15[%sub3A_237], %get3A_235 masked %and3A_243 : memref<5008xf32, #tpu.memory_space<vmem>>[vector<16xi32>], vector<16xf32>, vector<16xi1>
        %mul3A_244 = arith.constant 128 : i32
        %mul3A_245 = arith.muli %scan3A_136, %mul3A_244 : i32
        %add3A_246 = arith.constant 112 : i32
        %add3A_247 = arith.addi %mul3A_245, %add3A_246 : i32
        %get3A_248 = arith.index_cast %add3A_247 : i32 to index
        %get3A_249 = tpu.vector_load %arg25[%get3A_248] {strides = array<i32>} : memref<4096xi32, #tpu.memory_space<vmem>>, vector<16xi32>,
        %get3A_250 = arith.index_cast %add3A_247 : i32 to index
        %get3A_251 = tpu.vector_load %arg26[%get3A_250] {strides = array<i32>} : memref<4096xf32, #tpu.memory_space<vmem>>, vector<16xf32>,
        %sub3A_252 = vector.broadcast %mul3A_2 : i32 to vector<16xi32>
        %sub3A_253 = arith.subi %get3A_249, %sub3A_252 : vector<16xi32>
        %lt3A_254 = arith.constant 5000 : i32
        %lt3A_255 = vector.broadcast %lt3A_254 : i32 to vector<16xi32>
        %lt3A_256 = arith.cmpi ult, %sub3A_253, %lt3A_255 : vector<16xi32>
        %gather3A_257 = tpu.vector_load_idx %arg16[%sub3A_253] masked %lt3A_256 : memref<5008xf32, #tpu.memory_space<vmem>>[vector<16xi32>], vector<16xf32>, vector<16xi1>
        %lt3A_258 = arith.cmpf olt, %get3A_251, %gather3A_257 : vector<16xf32>
        %and3A_259 = arith.andi %lt3A_256, %lt3A_258 : vector<16xi1>
        tpu.vector_store_idx %arg16[%sub3A_253], %get3A_251 masked %and3A_259 : memref<5008xf32, #tpu.memory_space<vmem>>[vector<16xi32>], vector<16xf32>, vector<16xi1>
      }
      %scan3A_110 = arith.constant 32 : i32
      %mul3A_111 = arith.constant 2 : i32
      %mul3A_112 = arith.muli %mul3A_111, %scan3A_86 : i32
      %add3A_113 = arith.constant 2 : i32
      %add3A_114 = arith.addi %mul3A_112, %add3A_113 : i32
      %rem3A = arith.constant 124 : i32
      %rem3A_115 = arith.remsi %add3A_114, %rem3A : i32
      %mul3A_116 = arith.constant 4096 : i32
      %mul3A_117 = arith.muli %rem3A_115, %mul3A_116 : i32
      %dma_start3A_118 = tpu.memref_slice %arg2[%mul3A_117] : memref<507904xi32, #tpu.memory_space<hbm>> -> memref<4096xi32, #tpu.memory_space<hbm>>
      %dma_start3A_119 = tpu.memref_slice %arg2[%mul3A_117] : memref<507904xi32, #tpu.memory_space<hbm>> -> memref<4096xi32, #tpu.memory_space<hbm>>
      tpu.enqueue_dma source(%dma_start3A_119 : memref<4096xi32, #tpu.memory_space<hbm>>) target(%arg25 : memref<4096xi32, #tpu.memory_space<vmem>>) target_semaphore(%arg35 : memref<!tpu.dma_semaphore, #tpu.memory_space<semaphore_mem>>)
      %dma_start3A_120 = tpu.memref_slice %arg3[%mul3A_117] : memref<507904xf32, #tpu.memory_space<hbm>> -> memref<4096xf32, #tpu.memory_space<hbm>>
      %dma_start3A_121 = tpu.memref_slice %arg3[%mul3A_117] : memref<507904xf32, #tpu.memory_space<hbm>> -> memref<4096xf32, #tpu.memory_space<hbm>>
      tpu.enqueue_dma source(%dma_start3A_121 : memref<4096xf32, #tpu.memory_space<hbm>>) target(%arg26 : memref<4096xf32, #tpu.memory_space<vmem>>) target_semaphore(%arg36 : memref<!tpu.dma_semaphore, #tpu.memory_space<semaphore_mem>>)
      %dma_wait3A_122 = arith.constant 0 : i32
      %dma_wait3A_123 = tpu.memref_slice %arg2[%dma_wait3A_122] : memref<507904xi32, #tpu.memory_space<hbm>> -> memref<4096xi32, #tpu.memory_space<hbm>>
      %dma_wait3A_124 = arith.constant 0 : i32
      %dma_wait3A_125 = tpu.memref_slice %arg2[%dma_wait3A_124] : memref<507904xi32, #tpu.memory_space<hbm>> -> memref<4096xi32, #tpu.memory_space<hbm>>
      tpu.wait_dma2 semaphore(%arg40 : memref<!tpu.dma_semaphore, #tpu.memory_space<semaphore_mem>>) src(%dma_wait3A_125 : memref<4096xi32, #tpu.memory_space<hbm>>) dst(%arg30 : memref<4096xi32, #tpu.memory_space<vmem>>)
      %dma_wait3A_126 = arith.constant 0 : i32
      %dma_wait3A_127 = tpu.memref_slice %arg3[%dma_wait3A_126] : memref<507904xf32, #tpu.memory_space<hbm>> -> memref<4096xf32, #tpu.memory_space<hbm>>
      %dma_wait3A_128 = arith.constant 0 : i32
      %dma_wait3A_129 = tpu.memref_slice %arg3[%dma_wait3A_128] : memref<507904xf32, #tpu.memory_space<hbm>> -> memref<4096xf32, #tpu.memory_space<hbm>>
      tpu.wait_dma2 semaphore(%arg41 : memref<!tpu.dma_semaphore, #tpu.memory_space<semaphore_mem>>) src(%dma_wait3A_129 : memref<4096xf32, #tpu.memory_space<hbm>>) dst(%arg31 : memref<4096xf32, #tpu.memory_space<vmem>>)
      %scan3A_130 = arith.constant 0 : i32
      %scan3A_131 = arith.constant 0 : i32
      %scan3A_132 = arith.constant 32 : i32
      %scan3A_133 = arith.addi %scan3A_131, %scan3A_132 : i32
      %scan3A_134 = arith.constant 1 : i32
      scf.for %scan3A_136 = %scan3A_131 to %scan3A_133 step %scan3A_134  : i32 {
        %mul3A_137 = arith.constant 128 : i32
        %mul3A_138 = arith.muli %scan3A_136, %mul3A_137 : i32
        %add3A_139 = arith.constant 0 : i32
        %add3A_140 = arith.addi %mul3A_138, %add3A_139 : i32
        %get3A = arith.index_cast %add3A_140 : i32 to index
        %get3A_141 = tpu.vector_load %arg30[%get3A] {strides = array<i32>} : memref<4096xi32, #tpu.memory_space<vmem>>, vector<16xi32>,
        %get3A_142 = arith.index_cast %add3A_140 : i32 to index
        %get3A_143 = tpu.vector_load %arg31[%get3A_142] {strides = array<i32>} : memref<4096xf32, #tpu.memory_space<vmem>>, vector<16xf32>,
        %sub3A = vector.broadcast %mul3A_2 : i32 to vector<16xi32>
        %sub3A_144 = arith.subi %get3A_141, %sub3A : vector<16xi32>
        %lt3A = arith.constant 5000 : i32
        %lt3A_145 = vector.broadcast %lt3A : i32 to vector<16xi32>
        %lt3A_146 = arith.cmpi ult, %sub3A_144, %lt3A_145 : vector<16xi32>
        %gather3A = tpu.vector_load_idx %arg13[%sub3A_144] masked %lt3A_146 : memref<5008xf32, #tpu.memory_space<vmem>>[vector<16xi32>], vector<16xf32>, vector<16xi1>
        %lt3A_147 = arith.cmpf olt, %get3A_143, %gather3A : vector<16xf32>
        %and3A = arith.andi %lt3A_146, %lt3A_147 : vector<16xi1>
        tpu.vector_store_idx %arg13[%sub3A_144], %get3A_143 masked %and3A : memref<5008xf32, #tpu.memory_space<vmem>>[vector<16xi32>], vector<16xf32>, vector<16xi1>
        %mul3A_148 = arith.constant 128 : i32
        %mul3A_149 = arith.muli %scan3A_136, %mul3A_148 : i32
        %add3A_150 = arith.constant 16 : i32
        %add3A_151 = arith.addi %mul3A_149, %add3A_150 : i32
        %get3A_152 = arith.index_cast %add3A_151 : i32 to index
        %get3A_153 = tpu.vector_load %arg30[%get3A_152] {strides = array<i32>} : memref<4096xi32, #tpu.memory_space<vmem>>, vector<16xi32>,
        %get3A_154 = arith.index_cast %add3A_151 : i32 to index
        %get3A_155 = tpu.vector_load %arg31[%get3A_154] {strides = array<i32>} : memref<4096xf32, #tpu.memory_space<vmem>>, vector<16xf32>,
        %sub3A_156 = vector.broadcast %mul3A_2 : i32 to vector<16xi32>
        %sub3A_157 = arith.subi %get3A_153, %sub3A_156 : vector<16xi32>
        %lt3A_158 = arith.constant 5000 : i32
        %lt3A_159 = vector.broadcast %lt3A_158 : i32 to vector<16xi32>
        %lt3A_160 = arith.cmpi ult, %sub3A_157, %lt3A_159 : vector<16xi32>
        %gather3A_161 = tpu.vector_load_idx %arg14[%sub3A_157] masked %lt3A_160 : memref<5008xf32, #tpu.memory_space<vmem>>[vector<16xi32>], vector<16xf32>, vector<16xi1>
        %lt3A_162 = arith.cmpf olt, %get3A_155, %gather3A_161 : vector<16xf32>
        %and3A_163 = arith.andi %lt3A_160, %lt3A_162 : vector<16xi1>
        tpu.vector_store_idx %arg14[%sub3A_157], %get3A_155 masked %and3A_163 : memref<5008xf32, #tpu.memory_space<vmem>>[vector<16xi32>], vector<16xf32>, vector<16xi1>
        %mul3A_164 = arith.constant 128 : i32
        %mul3A_165 = arith.muli %scan3A_136, %mul3A_164 : i32
        %add3A_166 = arith.constant 32 : i32
        %add3A_167 = arith.addi %mul3A_165, %add3A_166 : i32
        %get3A_168 = arith.index_cast %add3A_167 : i32 to index
        %get3A_169 = tpu.vector_load %arg30[%get3A_168] {strides = array<i32>} : memref<4096xi32, #tpu.memory_space<vmem>>, vector<16xi32>,
        %get3A_170 = arith.index_cast %add3A_167 : i32 to index
        %get3A_171 = tpu.vector_load %arg31[%get3A_170] {strides = array<i32>} : memref<4096xf32, #tpu.memory_space<vmem>>, vector<16xf32>,
        %sub3A_172 = vector.broadcast %mul3A_2 : i32 to vector<16xi32>
        %sub3A_173 = arith.subi %get3A_169, %sub3A_172 : vector<16xi32>
        %lt3A_174 = arith.constant 5000 : i32
        %lt3A_175 = vector.broadcast %lt3A_174 : i32 to vector<16xi32>
        %lt3A_176 = arith.cmpi ult, %sub3A_173, %lt3A_175 : vector<16xi32>
        %gather3A_177 = tpu.vector_load_idx %arg15[%sub3A_173] masked %lt3A_176 : memref<5008xf32, #tpu.memory_space<vmem>>[vector<16xi32>], vector<16xf32>, vector<16xi1>
        %lt3A_178 = arith.cmpf olt, %get3A_171, %gather3A_177 : vector<16xf32>
        %and3A_179 = arith.andi %lt3A_176, %lt3A_178 : vector<16xi1>
        tpu.vector_store_idx %arg15[%sub3A_173], %get3A_171 masked %and3A_179 : memref<5008xf32, #tpu.memory_space<vmem>>[vector<16xi32>], vector<16xf32>, vector<16xi1>
        %mul3A_180 = arith.constant 128 : i32
        %mul3A_181 = arith.muli %scan3A_136, %mul3A_180 : i32
        %add3A_182 = arith.constant 48 : i32
        %add3A_183 = arith.addi %mul3A_181, %add3A_182 : i32
        %get3A_184 = arith.index_cast %add3A_183 : i32 to index
        %get3A_185 = tpu.vector_load %arg30[%get3A_184] {strides = array<i32>} : memref<4096xi32, #tpu.memory_space<vmem>>, vector<16xi32>,
        %get3A_186 = arith.index_cast %add3A_183 : i32 to index
        %get3A_187 = tpu.vector_load %arg31[%get3A_186] {strides = array<i32>} : memref<4096xf32, #tpu.memory_space<vmem>>, vector<16xf32>,
        %sub3A_188 = vector.broadcast %mul3A_2 : i32 to vector<16xi32>
        %sub3A_189 = arith.subi %get3A_185, %sub3A_188 : vector<16xi32>
        %lt3A_190 = arith.constant 5000 : i32
        %lt3A_191 = vector.broadcast %lt3A_190 : i32 to vector<16xi32>
        %lt3A_192 = arith.cmpi ult, %sub3A_189, %lt3A_191 : vector<16xi32>
        %gather3A_193 = tpu.vector_load_idx %arg16[%sub3A_189] masked %lt3A_192 : memref<5008xf32, #tpu.memory_space<vmem>>[vector<16xi32>], vector<16xf32>, vector<16xi1>
        %lt3A_194 = arith.cmpf olt, %get3A_187, %gather3A_193 : vector<16xf32>
        %and3A_195 = arith.andi %lt3A_192, %lt3A_194 : vector<16xi1>
        tpu.vector_store_idx %arg16[%sub3A_189], %get3A_187 masked %and3A_195 : memref<5008xf32, #tpu.memory_space<vmem>>[vector<16xi32>], vector<16xf32>, vector<16xi1>
        %mul3A_196 = arith.constant 128 : i32
        %mul3A_197 = arith.muli %scan3A_136, %mul3A_196 : i32
        %add3A_198 = arith.constant 64 : i32
        %add3A_199 = arith.addi %mul3A_197, %add3A_198 : i32
        %get3A_200 = arith.index_cast %add3A_199 : i32 to index
        %get3A_201 = tpu.vector_load %arg30[%get3A_200] {strides = array<i32>} : memref<4096xi32, #tpu.memory_space<vmem>>, vector<16xi32>,
        %get3A_202 = arith.index_cast %add3A_199 : i32 to index
        %get3A_203 = tpu.vector_load %arg31[%get3A_202] {strides = array<i32>} : memref<4096xf32, #tpu.memory_space<vmem>>, vector<16xf32>,
        %sub3A_204 = vector.broadcast %mul3A_2 : i32 to vector<16xi32>
        %sub3A_205 = arith.subi %get3A_201, %sub3A_204 : vector<16xi32>
        %lt3A_206 = arith.constant 5000 : i32
        %lt3A_207 = vector.broadcast %lt3A_206 : i32 to vector<16xi32>
        %lt3A_208 = arith.cmpi ult, %sub3A_205, %lt3A_207 : vector<16xi32>
        %gather3A_209 = tpu.vector_load_idx %arg13[%sub3A_205] masked %lt3A_208 : memref<5008xf32, #tpu.memory_space<vmem>>[vector<16xi32>], vector<16xf32>, vector<16xi1>
        %lt3A_210 = arith.cmpf olt, %get3A_203, %gather3A_209 : vector<16xf32>
        %and3A_211 = arith.andi %lt3A_208, %lt3A_210 : vector<16xi1>
        tpu.vector_store_idx %arg13[%sub3A_205], %get3A_203 masked %and3A_211 : memref<5008xf32, #tpu.memory_space<vmem>>[vector<16xi32>], vector<16xf32>, vector<16xi1>
        %mul3A_212 = arith.constant 128 : i32
        %mul3A_213 = arith.muli %scan3A_136, %mul3A_212 : i32
        %add3A_214 = arith.constant 80 : i32
        %add3A_215 = arith.addi %mul3A_213, %add3A_214 : i32
        %get3A_216 = arith.index_cast %add3A_215 : i32 to index
        %get3A_217 = tpu.vector_load %arg30[%get3A_216] {strides = array<i32>} : memref<4096xi32, #tpu.memory_space<vmem>>, vector<16xi32>,
        %get3A_218 = arith.index_cast %add3A_215 : i32 to index
        %get3A_219 = tpu.vector_load %arg31[%get3A_218] {strides = array<i32>} : memref<4096xf32, #tpu.memory_space<vmem>>, vector<16xf32>,
        %sub3A_220 = vector.broadcast %mul3A_2 : i32 to vector<16xi32>
        %sub3A_221 = arith.subi %get3A_217, %sub3A_220 : vector<16xi32>
        %lt3A_222 = arith.constant 5000 : i32
        %lt3A_223 = vector.broadcast %lt3A_222 : i32 to vector<16xi32>
        %lt3A_224 = arith.cmpi ult, %sub3A_221, %lt3A_223 : vector<16xi32>
        %gather3A_225 = tpu.vector_load_idx %arg14[%sub3A_221] masked %lt3A_224 : memref<5008xf32, #tpu.memory_space<vmem>>[vector<16xi32>], vector<16xf32>, vector<16xi1>
        %lt3A_226 = arith.cmpf olt, %get3A_219, %gather3A_225 : vector<16xf32>
        %and3A_227 = arith.andi %lt3A_224, %lt3A_226 : vector<16xi1>
        tpu.vector_store_idx %arg14[%sub3A_221], %get3A_219 masked %and3A_227 : memref<5008xf32, #tpu.memory_space<vmem>>[vector<16xi32>], vector<16xf32>, vector<16xi1>
        %mul3A_228 = arith.constant 128 : i32
        %mul3A_229 = arith.muli %scan3A_136, %mul3A_228 : i32
        %add3A_230 = arith.constant 96 : i32
        %add3A_231 = arith.addi %mul3A_229, %add3A_230 : i32
        %get3A_232 = arith.index_cast %add3A_231 : i32 to index
        %get3A_233 = tpu.vector_load %arg30[%get3A_232] {strides = array<i32>} : memref<4096xi32, #tpu.memory_space<vmem>>, vector<16xi32>,
        %get3A_234 = arith.index_cast %add3A_231 : i32 to index
        %get3A_235 = tpu.vector_load %arg31[%get3A_234] {strides = array<i32>} : memref<4096xf32, #tpu.memory_space<vmem>>, vector<16xf32>,
        %sub3A_236 = vector.broadcast %mul3A_2 : i32 to vector<16xi32>
        %sub3A_237 = arith.subi %get3A_233, %sub3A_236 : vector<16xi32>
        %lt3A_238 = arith.constant 5000 : i32
        %lt3A_239 = vector.broadcast %lt3A_238 : i32 to vector<16xi32>
        %lt3A_240 = arith.cmpi ult, %sub3A_237, %lt3A_239 : vector<16xi32>
        %gather3A_241 = tpu.vector_load_idx %arg15[%sub3A_237] masked %lt3A_240 : memref<5008xf32, #tpu.memory_space<vmem>>[vector<16xi32>], vector<16xf32>, vector<16xi1>
        %lt3A_242 = arith.cmpf olt, %get3A_235, %gather3A_241 : vector<16xf32>
        %and3A_243 = arith.andi %lt3A_240, %lt3A_242 : vector<16xi1>
        tpu.vector_store_idx %arg15[%sub3A_237], %get3A_235 masked %and3A_243 : memref<5008xf32, #tpu.memory_space<vmem>>[vector<16xi32>], vector<16xf32>, vector<16xi1>
        %mul3A_244 = arith.constant 128 : i32
        %mul3A_245 = arith.muli %scan3A_136, %mul3A_244 : i32
        %add3A_246 = arith.constant 112 : i32
        %add3A_247 = arith.addi %mul3A_245, %add3A_246 : i32
        %get3A_248 = arith.index_cast %add3A_247 : i32 to index
        %get3A_249 = tpu.vector_load %arg30[%get3A_248] {strides = array<i32>} : memref<4096xi32, #tpu.memory_space<vmem>>, vector<16xi32>,
        %get3A_250 = arith.index_cast %add3A_247 : i32 to index
        %get3A_251 = tpu.vector_load %arg31[%get3A_250] {strides = array<i32>} : memref<4096xf32, #tpu.memory_space<vmem>>, vector<16xf32>,
        %sub3A_252 = vector.broadcast %mul3A_2 : i32 to vector<16xi32>
        %sub3A_253 = arith.subi %get3A_249, %sub3A_252 : vector<16xi32>
        %lt3A_254 = arith.constant 5000 : i32
        %lt3A_255 = vector.broadcast %lt3A_254 : i32 to vector<16xi32>
        %lt3A_256 = arith.cmpi ult, %sub3A_253, %lt3A_255 : vector<16xi32>
        %gather3A_257 = tpu.vector_load_idx %arg16[%sub3A_253] masked %lt3A_256 : memref<5008xf32, #tpu.memory_space<vmem>>[vector<16xi32>], vector<16xf32>, vector<16xi1>
        %lt3A_258 = arith.cmpf olt, %get3A_251, %gather3A_257 : vector<16xf32>
        %and3A_259 = arith.andi %lt3A_256, %lt3A_258 : vector<16xi1>
        tpu.vector_store_idx %arg16[%sub3A_253], %get3A_251 masked %and3A_259 : memref<5008xf32, #tpu.memory_space<vmem>>[vector<16xi32>], vector<16xf32>, vector<16xi1>
      }
      %scan3A_135 = arith.constant 32 : i32
    }
    %scan3A_20 = arith.constant 62 : i32
    %dma_wait3A = arith.constant 0 : i32
    %dma_wait3A_21 = tpu.memref_slice %arg2[%dma_wait3A] : memref<507904xi32, #tpu.memory_space<hbm>> -> memref<4096xi32, #tpu.memory_space<hbm>>
    %dma_wait3A_22 = arith.constant 0 : i32
    %dma_wait3A_23 = tpu.memref_slice %arg2[%dma_wait3A_22] : memref<507904xi32, #tpu.memory_space<hbm>> -> memref<4096xi32, #tpu.memory_space<hbm>>
    tpu.wait_dma2 semaphore(%arg35 : memref<!tpu.dma_semaphore, #tpu.memory_space<semaphore_mem>>) src(%dma_wait3A_23 : memref<4096xi32, #tpu.memory_space<hbm>>) dst(%arg25 : memref<4096xi32, #tpu.memory_space<vmem>>)
    %dma_wait3A_24 = arith.constant 0 : i32
    %dma_wait3A_25 = tpu.memref_slice %arg3[%dma_wait3A_24] : memref<507904xf32, #tpu.memory_space<hbm>> -> memref<4096xf32, #tpu.memory_space<hbm>>
    %dma_wait3A_26 = arith.constant 0 : i32
    %dma_wait3A_27 = tpu.memref_slice %arg3[%dma_wait3A_26] : memref<507904xf32, #tpu.memory_space<hbm>> -> memref<4096xf32, #tpu.memory_space<hbm>>
    tpu.wait_dma2 semaphore(%arg36 : memref<!tpu.dma_semaphore, #tpu.memory_space<semaphore_mem>>) src(%dma_wait3A_27 : memref<4096xf32, #tpu.memory_space<hbm>>) dst(%arg26 : memref<4096xf32, #tpu.memory_space<vmem>>)
    %scan3A_28 = arith.constant 0 : i32
    %scan3A_29 = arith.constant 0 : i32
    %scan3A_30 = arith.constant 313 : i32
    %scan3A_31 = arith.addi %scan3A_29, %scan3A_30 : i32
    %scan3A_32 = arith.constant 1 : i32
    scf.for %scan3A_86 = %scan3A_29 to %scan3A_31 step %scan3A_32  : i32 {
      %mul3A_87 = arith.constant 16 : i32
      %mul3A_88 = arith.muli %scan3A_86, %mul3A_87 : i32
      %get3A = arith.index_cast %mul3A_88 : i32 to index
      %get3A_89 = tpu.vector_load %arg13[%get3A] {strides = array<i32>} : memref<5008xf32, #tpu.memory_space<vmem>>, vector<16xf32>,
      %get3A_90 = arith.index_cast %mul3A_88 : i32 to index
      %get3A_91 = tpu.vector_load %arg14[%get3A_90] {strides = array<i32>} : memref<5008xf32, #tpu.memory_space<vmem>>, vector<16xf32>,
      %min3A = arith.minimumf %get3A_89, %get3A_91 : vector<16xf32>
      %get3A_92 = arith.index_cast %mul3A_88 : i32 to index
      %get3A_93 = tpu.vector_load %arg15[%get3A_92] {strides = array<i32>} : memref<5008xf32, #tpu.memory_space<vmem>>, vector<16xf32>,
      %get3A_94 = arith.index_cast %mul3A_88 : i32 to index
      %get3A_95 = tpu.vector_load %arg16[%get3A_94] {strides = array<i32>} : memref<5008xf32, #tpu.memory_space<vmem>>, vector<16xf32>,
      %min3A_96 = arith.minimumf %get3A_93, %get3A_95 : vector<16xf32>
      %min3A_97 = arith.minimumf %min3A, %min3A_96 : vector<16xf32>
      %swap3A = arith.index_cast %mul3A_88 : i32 to index
      %swap3A_98 = tpu.vector_load %arg13[%swap3A] {strides = array<i32>} : memref<5008xf32, #tpu.memory_space<vmem>>, vector<16xf32>,
      tpu.vector_store %arg13[%swap3A], %min3A_97 {strides = array<i32>} : memref<5008xf32, #tpu.memory_space<vmem>>, vector<16xf32>,
    }
    %scan3A_33 = arith.constant 313 : i32
    %dma_start3A_34 = arith.constant 0 : i32
    %dma_start3A_35 = tpu.memref_slice %arg2[%dma_start3A_34] : memref<507904xi32, #tpu.memory_space<hbm>> -> memref<4096xi32, #tpu.memory_space<hbm>>
    %dma_start3A_36 = arith.constant 0 : i32
    %dma_start3A_37 = tpu.memref_slice %arg2[%dma_start3A_36] : memref<507904xi32, #tpu.memory_space<hbm>> -> memref<4096xi32, #tpu.memory_space<hbm>>
    tpu.enqueue_dma source(%dma_start3A_37 : memref<4096xi32, #tpu.memory_space<hbm>>) target(%arg25 : memref<4096xi32, #tpu.memory_space<vmem>>) target_semaphore(%arg35 : memref<!tpu.dma_semaphore, #tpu.memory_space<semaphore_mem>>)
    %dma_start3A_38 = arith.constant 0 : i32
    %dma_start3A_39 = tpu.memref_slice %arg4[%dma_start3A_38] : memref<507904xf32, #tpu.memory_space<hbm>> -> memref<4096xf32, #tpu.memory_space<hbm>>
    %dma_start3A_40 = arith.constant 0 : i32
    %dma_start3A_41 = tpu.memref_slice %arg4[%dma_start3A_40] : memref<507904xf32, #tpu.memory_space<hbm>> -> memref<4096xf32, #tpu.memory_space<hbm>>
    tpu.enqueue_dma source(%dma_start3A_41 : memref<4096xf32, #tpu.memory_space<hbm>>) target(%arg26 : memref<4096xf32, #tpu.memory_space<vmem>>) target_semaphore(%arg36 : memref<!tpu.dma_semaphore, #tpu.memory_space<semaphore_mem>>)
    %dma_start3A_42 = arith.constant 0 : i32
    %dma_start3A_43 = tpu.memref_slice %arg5[%dma_start3A_42] : memref<507904xf32, #tpu.memory_space<hbm>> -> memref<4096xf32, #tpu.memory_space<hbm>>
    %dma_start3A_44 = arith.constant 0 : i32
    %dma_start3A_45 = tpu.memref_slice %arg5[%dma_start3A_44] : memref<507904xf32, #tpu.memory_space<hbm>> -> memref<4096xf32, #tpu.memory_space<hbm>>
    tpu.enqueue_dma source(%dma_start3A_45 : memref<4096xf32, #tpu.memory_space<hbm>>) target(%arg27 : memref<4096xf32, #tpu.memory_space<vmem>>) target_semaphore(%arg37 : memref<!tpu.dma_semaphore, #tpu.memory_space<semaphore_mem>>)
    %dma_start3A_46 = arith.constant 0 : i32
    %dma_start3A_47 = tpu.memref_slice %arg6[%dma_start3A_46] : memref<507904xf32, #tpu.memory_space<hbm>> -> memref<4096xf32, #tpu.memory_space<hbm>>
    %dma_start3A_48 = arith.constant 0 : i32
    %dma_start3A_49 = tpu.memref_slice %arg6[%dma_start3A_48] : memref<507904xf32, #tpu.memory_space<hbm>> -> memref<4096xf32, #tpu.memory_space<hbm>>
    tpu.enqueue_dma source(%dma_start3A_49 : memref<4096xf32, #tpu.memory_space<hbm>>) target(%arg28 : memref<4096xf32, #tpu.memory_space<vmem>>) target_semaphore(%arg38 : memref<!tpu.dma_semaphore, #tpu.memory_space<semaphore_mem>>)
    %dma_start3A_50 = arith.constant 0 : i32
    %dma_start3A_51 = tpu.memref_slice %arg7[%dma_start3A_50] : memref<507904xf32, #tpu.memory_space<hbm>> -> memref<4096xf32, #tpu.memory_space<hbm>>
    %dma_start3A_52 = arith.constant 0 : i32
    %dma_start3A_53 = tpu.memref_slice %arg7[%dma_start3A_52] : memref<507904xf32, #tpu.memory_space<hbm>> -> memref<4096xf32, #tpu.memory_space<hbm>>
    tpu.enqueue_dma source(%dma_start3A_53 : memref<4096xf32, #tpu.memory_space<hbm>>) target(%arg29 : memref<4096xf32, #tpu.memory_space<vmem>>) target_semaphore(%arg39 : memref<!tpu.dma_semaphore, #tpu.memory_space<semaphore_mem>>)
    %scan3A_54 = arith.constant 0 : i32
    %scan3A_55 = arith.constant 0 : i32
    %scan3A_56 = arith.constant 62 : i32
    %scan3A_57 = arith.addi %scan3A_55, %scan3A_56 : i32
    %scan3A_58 = arith.constant 1 : i32
    scf.for %scan3A_86 = %scan3A_55 to %scan3A_57 step %scan3A_58  : i32 {
      %mul3A_87 = arith.constant 2 : i32
      %mul3A_88 = arith.muli %mul3A_87, %scan3A_86 : i32
      %add3A_89 = arith.constant 1 : i32
      %add3A_90 = arith.addi %mul3A_88, %add3A_89 : i32
      %mul3A_91 = arith.constant 4096 : i32
      %mul3A_92 = arith.muli %add3A_90, %mul3A_91 : i32
      %dma_start3A_93 = tpu.memref_slice %arg2[%mul3A_92] : memref<507904xi32, #tpu.memory_space<hbm>> -> memref<4096xi32, #tpu.memory_space<hbm>>
      %dma_start3A_94 = tpu.memref_slice %arg2[%mul3A_92] : memref<507904xi32, #tpu.memory_space<hbm>> -> memref<4096xi32, #tpu.memory_space<hbm>>
      tpu.enqueue_dma source(%dma_start3A_94 : memref<4096xi32, #tpu.memory_space<hbm>>) target(%arg30 : memref<4096xi32, #tpu.memory_space<vmem>>) target_semaphore(%arg40 : memref<!tpu.dma_semaphore, #tpu.memory_space<semaphore_mem>>)
      %dma_start3A_95 = tpu.memref_slice %arg4[%mul3A_92] : memref<507904xf32, #tpu.memory_space<hbm>> -> memref<4096xf32, #tpu.memory_space<hbm>>
      %dma_start3A_96 = tpu.memref_slice %arg4[%mul3A_92] : memref<507904xf32, #tpu.memory_space<hbm>> -> memref<4096xf32, #tpu.memory_space<hbm>>
      tpu.enqueue_dma source(%dma_start3A_96 : memref<4096xf32, #tpu.memory_space<hbm>>) target(%arg31 : memref<4096xf32, #tpu.memory_space<vmem>>) target_semaphore(%arg41 : memref<!tpu.dma_semaphore, #tpu.memory_space<semaphore_mem>>)
      %dma_start3A_97 = tpu.memref_slice %arg5[%mul3A_92] : memref<507904xf32, #tpu.memory_space<hbm>> -> memref<4096xf32, #tpu.memory_space<hbm>>
      %dma_start3A_98 = tpu.memref_slice %arg5[%mul3A_92] : memref<507904xf32, #tpu.memory_space<hbm>> -> memref<4096xf32, #tpu.memory_space<hbm>>
      tpu.enqueue_dma source(%dma_start3A_98 : memref<4096xf32, #tpu.memory_space<hbm>>) target(%arg32 : memref<4096xf32, #tpu.memory_space<vmem>>) target_semaphore(%arg42 : memref<!tpu.dma_semaphore, #tpu.memory_space<semaphore_mem>>)
      %dma_start3A_99 = tpu.memref_slice %arg6[%mul3A_92] : memref<507904xf32, #tpu.memory_space<hbm>> -> memref<4096xf32, #tpu.memory_space<hbm>>
      %dma_start3A_100 = tpu.memref_slice %arg6[%mul3A_92] : memref<507904xf32, #tpu.memory_space<hbm>> -> memref<4096xf32, #tpu.memory_space<hbm>>
      tpu.enqueue_dma source(%dma_start3A_100 : memref<4096xf32, #tpu.memory_space<hbm>>) target(%arg33 : memref<4096xf32, #tpu.memory_space<vmem>>) target_semaphore(%arg43 : memref<!tpu.dma_semaphore, #tpu.memory_space<semaphore_mem>>)
      %dma_start3A_101 = tpu.memref_slice %arg7[%mul3A_92] : memref<507904xf32, #tpu.memory_space<hbm>> -> memref<4096xf32, #tpu.memory_space<hbm>>
      %dma_start3A_102 = tpu.memref_slice %arg7[%mul3A_92] : memref<507904xf32, #tpu.memory_space<hbm>> -> memref<4096xf32, #tpu.memory_space<hbm>>
      tpu.enqueue_dma source(%dma_start3A_102 : memref<4096xf32, #tpu.memory_space<hbm>>) target(%arg34 : memref<4096xf32, #tpu.memory_space<vmem>>) target_semaphore(%arg44 : memref<!tpu.dma_semaphore, #tpu.memory_space<semaphore_mem>>)
      %dma_wait3A_103 = arith.constant 0 : i32
      %dma_wait3A_104 = tpu.memref_slice %arg2[%dma_wait3A_103] : memref<507904xi32, #tpu.memory_space<hbm>> -> memref<4096xi32, #tpu.memory_space<hbm>>
      %dma_wait3A_105 = arith.constant 0 : i32
      %dma_wait3A_106 = tpu.memref_slice %arg2[%dma_wait3A_105] : memref<507904xi32, #tpu.memory_space<hbm>> -> memref<4096xi32, #tpu.memory_space<hbm>>
      tpu.wait_dma2 semaphore(%arg35 : memref<!tpu.dma_semaphore, #tpu.memory_space<semaphore_mem>>) src(%dma_wait3A_106 : memref<4096xi32, #tpu.memory_space<hbm>>) dst(%arg25 : memref<4096xi32, #tpu.memory_space<vmem>>)
      %dma_wait3A_107 = arith.constant 0 : i32
      %dma_wait3A_108 = tpu.memref_slice %arg4[%dma_wait3A_107] : memref<507904xf32, #tpu.memory_space<hbm>> -> memref<4096xf32, #tpu.memory_space<hbm>>
      %dma_wait3A_109 = arith.constant 0 : i32
      %dma_wait3A_110 = tpu.memref_slice %arg4[%dma_wait3A_109] : memref<507904xf32, #tpu.memory_space<hbm>> -> memref<4096xf32, #tpu.memory_space<hbm>>
      tpu.wait_dma2 semaphore(%arg36 : memref<!tpu.dma_semaphore, #tpu.memory_space<semaphore_mem>>) src(%dma_wait3A_110 : memref<4096xf32, #tpu.memory_space<hbm>>) dst(%arg26 : memref<4096xf32, #tpu.memory_space<vmem>>)
      %dma_wait3A_111 = arith.constant 0 : i32
      %dma_wait3A_112 = tpu.memref_slice %arg5[%dma_wait3A_111] : memref<507904xf32, #tpu.memory_space<hbm>> -> memref<4096xf32, #tpu.memory_space<hbm>>
      %dma_wait3A_113 = arith.constant 0 : i32
      %dma_wait3A_114 = tpu.memref_slice %arg5[%dma_wait3A_113] : memref<507904xf32, #tpu.memory_space<hbm>> -> memref<4096xf32, #tpu.memory_space<hbm>>
      tpu.wait_dma2 semaphore(%arg37 : memref<!tpu.dma_semaphore, #tpu.memory_space<semaphore_mem>>) src(%dma_wait3A_114 : memref<4096xf32, #tpu.memory_space<hbm>>) dst(%arg27 : memref<4096xf32, #tpu.memory_space<vmem>>)
      %dma_wait3A_115 = arith.constant 0 : i32
      %dma_wait3A_116 = tpu.memref_slice %arg6[%dma_wait3A_115] : memref<507904xf32, #tpu.memory_space<hbm>> -> memref<4096xf32, #tpu.memory_space<hbm>>
      %dma_wait3A_117 = arith.constant 0 : i32
      %dma_wait3A_118 = tpu.memref_slice %arg6[%dma_wait3A_117] : memref<507904xf32, #tpu.memory_space<hbm>> -> memref<4096xf32, #tpu.memory_space<hbm>>
      tpu.wait_dma2 semaphore(%arg38 : memref<!tpu.dma_semaphore, #tpu.memory_space<semaphore_mem>>) src(%dma_wait3A_118 : memref<4096xf32, #tpu.memory_space<hbm>>) dst(%arg28 : memref<4096xf32, #tpu.memory_space<vmem>>)
      %dma_wait3A_119 = arith.constant 0 : i32
      %dma_wait3A_120 = tpu.memref_slice %arg7[%dma_wait3A_119] : memref<507904xf32, #tpu.memory_space<hbm>> -> memref<4096xf32, #tpu.memory_space<hbm>>
      %dma_wait3A_121 = arith.constant 0 : i32
      %dma_wait3A_122 = tpu.memref_slice %arg7[%dma_wait3A_121] : memref<507904xf32, #tpu.memory_space<hbm>> -> memref<4096xf32, #tpu.memory_space<hbm>>
      tpu.wait_dma2 semaphore(%arg39 : memref<!tpu.dma_semaphore, #tpu.memory_space<semaphore_mem>>) src(%dma_wait3A_122 : memref<4096xf32, #tpu.memory_space<hbm>>) dst(%arg29 : memref<4096xf32, #tpu.memory_space<vmem>>)
      %scan3A_123 = arith.constant 0 : i32
      %scan3A_124 = arith.constant 0 : i32
      %scan3A_125 = arith.constant 32 : i32
      %scan3A_126 = arith.addi %scan3A_124, %scan3A_125 : i32
      %scan3A_127 = arith.constant 1 : i32
      scf.for %scan3A_172 = %scan3A_124 to %scan3A_126 step %scan3A_127  : i32 {
        %mul3A_173 = arith.constant 128 : i32
        %mul3A_174 = arith.muli %scan3A_172, %mul3A_173 : i32
        %add3A_175 = arith.constant 0 : i32
        %add3A_176 = arith.addi %mul3A_174, %add3A_175 : i32
        %get3A = arith.index_cast %add3A_176 : i32 to index
        %get3A_177 = tpu.vector_load %arg25[%get3A] {strides = array<i32>} : memref<4096xi32, #tpu.memory_space<vmem>>, vector<16xi32>,
        %get3A_178 = arith.index_cast %add3A_176 : i32 to index
        %get3A_179 = tpu.vector_load %arg26[%get3A_178] {strides = array<i32>} : memref<4096xf32, #tpu.memory_space<vmem>>, vector<16xf32>,
        %get3A_180 = arith.index_cast %add3A_176 : i32 to index
        %get3A_181 = tpu.vector_load %arg27[%get3A_180] {strides = array<i32>} : memref<4096xf32, #tpu.memory_space<vmem>>, vector<16xf32>,
        %get3A_182 = arith.index_cast %add3A_176 : i32 to index
        %get3A_183 = tpu.vector_load %arg28[%get3A_182] {strides = array<i32>} : memref<4096xf32, #tpu.memory_space<vmem>>, vector<16xf32>,
        %get3A_184 = arith.index_cast %add3A_176 : i32 to index
        %get3A_185 = tpu.vector_load %arg29[%get3A_184] {strides = array<i32>} : memref<4096xf32, #tpu.memory_space<vmem>>, vector<16xf32>,
        %sub3A = vector.broadcast %mul3A_2 : i32 to vector<16xi32>
        %sub3A_186 = arith.subi %get3A_177, %sub3A : vector<16xi32>
        %lt3A = arith.constant 5000 : i32
        %lt3A_187 = vector.broadcast %lt3A : i32 to vector<16xi32>
        %lt3A_188 = arith.cmpi ult, %sub3A_186, %lt3A_187 : vector<16xi32>
        %gather3A = tpu.vector_load_idx %arg13[%sub3A_186] masked %lt3A_188 : memref<5008xf32, #tpu.memory_space<vmem>>[vector<16xi32>], vector<16xf32>, vector<16xi1>
        %add3A_189 = arith.constant 1.000000e-01 : f32
        %add3A_190 = vector.broadcast %add3A_189 : f32 to vector<16xf32>
        %add3A_191 = arith.addf %gather3A, %add3A_190 : vector<16xf32>
        %le3A = arith.cmpf ole, %get3A_179, %add3A_191 : vector<16xf32>
        %and3A = arith.andi %lt3A_188, %le3A : vector<16xi1>
        %sub3A_192 = arith.subf %get3A_179, %gather3A : vector<16xf32>
        %max3A = arith.constant 0.000000e+00 : f32
        %max3A_193 = vector.broadcast %max3A : f32 to vector<16xf32>
        %max3A_194 = arith.maximumf %sub3A_192, %max3A_193 : vector<16xf32>
        %mul3A_195 = arith.constant -1.000000e+02 : f32
        %mul3A_196 = vector.broadcast %mul3A_195 : f32 to vector<16xf32>
        %mul3A_197 = arith.mulf %max3A_194, %mul3A_196 : vector<16xf32>
        %exp3A = math.exp %mul3A_197 : vector<16xf32>
        tpu.vector_store_idx %arg17[%sub3A_186], %exp3A masked %and3A {add = true} : memref<5008xf32, #tpu.memory_space<vmem>>[vector<16xi32>], vector<16xf32>, vector<16xi1>
        %mul3A_198 = arith.mulf %exp3A, %get3A_181 : vector<16xf32>
        tpu.vector_store_idx %arg18[%sub3A_186], %mul3A_198 masked %and3A {add = true} : memref<5008xf32, #tpu.memory_space<vmem>>[vector<16xi32>], vector<16xf32>, vector<16xi1>
        %mul3A_199 = arith.mulf %exp3A, %get3A_183 : vector<16xf32>
        tpu.vector_store_idx %arg19[%sub3A_186], %mul3A_199 masked %and3A {add = true} : memref<5008xf32, #tpu.memory_space<vmem>>[vector<16xi32>], vector<16xf32>, vector<16xi1>
        %mul3A_200 = arith.mulf %exp3A, %get3A_185 : vector<16xf32>
        tpu.vector_store_idx %arg20[%sub3A_186], %mul3A_200 masked %and3A {add = true} : memref<5008xf32, #tpu.memory_space<vmem>>[vector<16xi32>], vector<16xf32>, vector<16xi1>
        %mul3A_201 = arith.constant 128 : i32
        %mul3A_202 = arith.muli %scan3A_172, %mul3A_201 : i32
        %add3A_203 = arith.constant 16 : i32
        %add3A_204 = arith.addi %mul3A_202, %add3A_203 : i32
        %get3A_205 = arith.index_cast %add3A_204 : i32 to index
        %get3A_206 = tpu.vector_load %arg25[%get3A_205] {strides = array<i32>} : memref<4096xi32, #tpu.memory_space<vmem>>, vector<16xi32>,
        %get3A_207 = arith.index_cast %add3A_204 : i32 to index
        %get3A_208 = tpu.vector_load %arg26[%get3A_207] {strides = array<i32>} : memref<4096xf32, #tpu.memory_space<vmem>>, vector<16xf32>,
        %get3A_209 = arith.index_cast %add3A_204 : i32 to index
        %get3A_210 = tpu.vector_load %arg27[%get3A_209] {strides = array<i32>} : memref<4096xf32, #tpu.memory_space<vmem>>, vector<16xf32>,
        %get3A_211 = arith.index_cast %add3A_204 : i32 to index
        %get3A_212 = tpu.vector_load %arg28[%get3A_211] {strides = array<i32>} : memref<4096xf32, #tpu.memory_space<vmem>>, vector<16xf32>,
        %get3A_213 = arith.index_cast %add3A_204 : i32 to index
        %get3A_214 = tpu.vector_load %arg29[%get3A_213] {strides = array<i32>} : memref<4096xf32, #tpu.memory_space<vmem>>, vector<16xf32>,
        %sub3A_215 = vector.broadcast %mul3A_2 : i32 to vector<16xi32>
        %sub3A_216 = arith.subi %get3A_206, %sub3A_215 : vector<16xi32>
        %lt3A_217 = arith.constant 5000 : i32
        %lt3A_218 = vector.broadcast %lt3A_217 : i32 to vector<16xi32>
        %lt3A_219 = arith.cmpi ult, %sub3A_216, %lt3A_218 : vector<16xi32>
        %gather3A_220 = tpu.vector_load_idx %arg13[%sub3A_216] masked %lt3A_219 : memref<5008xf32, #tpu.memory_space<vmem>>[vector<16xi32>], vector<16xf32>, vector<16xi1>
        %add3A_221 = arith.constant 1.000000e-01 : f32
        %add3A_222 = vector.broadcast %add3A_221 : f32 to vector<16xf32>
        %add3A_223 = arith.addf %gather3A_220, %add3A_222 : vector<16xf32>
        %le3A_224 = arith.cmpf ole, %get3A_208, %add3A_223 : vector<16xf32>
        %and3A_225 = arith.andi %lt3A_219, %le3A_224 : vector<16xi1>
        %sub3A_226 = arith.subf %get3A_208, %gather3A_220 : vector<16xf32>
        %max3A_227 = arith.constant 0.000000e+00 : f32
        %max3A_228 = vector.broadcast %max3A_227 : f32 to vector<16xf32>
        %max3A_229 = arith.maximumf %sub3A_226, %max3A_228 : vector<16xf32>
        %mul3A_230 = arith.constant -1.000000e+02 : f32
        %mul3A_231 = vector.broadcast %mul3A_230 : f32 to vector<16xf32>
        %mul3A_232 = arith.mulf %max3A_229, %mul3A_231 : vector<16xf32>
        %exp3A_233 = math.exp %mul3A_232 : vector<16xf32>
        tpu.vector_store_idx %arg21[%sub3A_216], %exp3A_233 masked %and3A_225 {add = true} : memref<5008xf32, #tpu.memory_space<vmem>>[vector<16xi32>], vector<16xf32>, vector<16xi1>
        %mul3A_234 = arith.mulf %exp3A_233, %get3A_210 : vector<16xf32>
        tpu.vector_store_idx %arg22[%sub3A_216], %mul3A_234 masked %and3A_225 {add = true} : memref<5008xf32, #tpu.memory_space<vmem>>[vector<16xi32>], vector<16xf32>, vector<16xi1>
        %mul3A_235 = arith.mulf %exp3A_233, %get3A_212 : vector<16xf32>
        tpu.vector_store_idx %arg23[%sub3A_216], %mul3A_235 masked %and3A_225 {add = true} : memref<5008xf32, #tpu.memory_space<vmem>>[vector<16xi32>], vector<16xf32>, vector<16xi1>
        %mul3A_236 = arith.mulf %exp3A_233, %get3A_214 : vector<16xf32>
        tpu.vector_store_idx %arg24[%sub3A_216], %mul3A_236 masked %and3A_225 {add = true} : memref<5008xf32, #tpu.memory_space<vmem>>[vector<16xi32>], vector<16xf32>, vector<16xi1>
        %mul3A_237 = arith.constant 128 : i32
        %mul3A_238 = arith.muli %scan3A_172, %mul3A_237 : i32
        %add3A_239 = arith.constant 32 : i32
        %add3A_240 = arith.addi %mul3A_238, %add3A_239 : i32
        %get3A_241 = arith.index_cast %add3A_240 : i32 to index
        %get3A_242 = tpu.vector_load %arg25[%get3A_241] {strides = array<i32>} : memref<4096xi32, #tpu.memory_space<vmem>>, vector<16xi32>,
        %get3A_243 = arith.index_cast %add3A_240 : i32 to index
        %get3A_244 = tpu.vector_load %arg26[%get3A_243] {strides = array<i32>} : memref<4096xf32, #tpu.memory_space<vmem>>, vector<16xf32>,
        %get3A_245 = arith.index_cast %add3A_240 : i32 to index
        %get3A_246 = tpu.vector_load %arg27[%get3A_245] {strides = array<i32>} : memref<4096xf32, #tpu.memory_space<vmem>>, vector<16xf32>,
        %get3A_247 = arith.index_cast %add3A_240 : i32 to index
        %get3A_248 = tpu.vector_load %arg28[%get3A_247] {strides = array<i32>} : memref<4096xf32, #tpu.memory_space<vmem>>, vector<16xf32>,
        %get3A_249 = arith.index_cast %add3A_240 : i32 to index
        %get3A_250 = tpu.vector_load %arg29[%get3A_249] {strides = array<i32>} : memref<4096xf32, #tpu.memory_space<vmem>>, vector<16xf32>,
        %sub3A_251 = vector.broadcast %mul3A_2 : i32 to vector<16xi32>
        %sub3A_252 = arith.subi %get3A_242, %sub3A_251 : vector<16xi32>
        %lt3A_253 = arith.constant 5000 : i32
        %lt3A_254 = vector.broadcast %lt3A_253 : i32 to vector<16xi32>
        %lt3A_255 = arith.cmpi ult, %sub3A_252, %lt3A_254 : vector<16xi32>
        %gather3A_256 = tpu.vector_load_idx %arg13[%sub3A_252] masked %lt3A_255 : memref<5008xf32, #tpu.memory_space<vmem>>[vector<16xi32>], vector<16xf32>, vector<16xi1>
        %add3A_257 = arith.constant 1.000000e-01 : f32
        %add3A_258 = vector.broadcast %add3A_257 : f32 to vector<16xf32>
        %add3A_259 = arith.addf %gather3A_256, %add3A_258 : vector<16xf32>
        %le3A_260 = arith.cmpf ole, %get3A_244, %add3A_259 : vector<16xf32>
        %and3A_261 = arith.andi %lt3A_255, %le3A_260 : vector<16xi1>
        %sub3A_262 = arith.subf %get3A_244, %gather3A_256 : vector<16xf32>
        %max3A_263 = arith.constant 0.000000e+00 : f32
        %max3A_264 = vector.broadcast %max3A_263 : f32 to vector<16xf32>
        %max3A_265 = arith.maximumf %sub3A_262, %max3A_264 : vector<16xf32>
        %mul3A_266 = arith.constant -1.000000e+02 : f32
        %mul3A_267 = vector.broadcast %mul3A_266 : f32 to vector<16xf32>
        %mul3A_268 = arith.mulf %max3A_265, %mul3A_267 : vector<16xf32>
        %exp3A_269 = math.exp %mul3A_268 : vector<16xf32>
        tpu.vector_store_idx %arg17[%sub3A_252], %exp3A_269 masked %and3A_261 {add = true} : memref<5008xf32, #tpu.memory_space<vmem>>[vector<16xi32>], vector<16xf32>, vector<16xi1>
        %mul3A_270 = arith.mulf %exp3A_269, %get3A_246 : vector<16xf32>
        tpu.vector_store_idx %arg18[%sub3A_252], %mul3A_270 masked %and3A_261 {add = true} : memref<5008xf32, #tpu.memory_space<vmem>>[vector<16xi32>], vector<16xf32>, vector<16xi1>
        %mul3A_271 = arith.mulf %exp3A_269, %get3A_248 : vector<16xf32>
        tpu.vector_store_idx %arg19[%sub3A_252], %mul3A_271 masked %and3A_261 {add = true} : memref<5008xf32, #tpu.memory_space<vmem>>[vector<16xi32>], vector<16xf32>, vector<16xi1>
        %mul3A_272 = arith.mulf %exp3A_269, %get3A_250 : vector<16xf32>
        tpu.vector_store_idx %arg20[%sub3A_252], %mul3A_272 masked %and3A_261 {add = true} : memref<5008xf32, #tpu.memory_space<vmem>>[vector<16xi32>], vector<16xf32>, vector<16xi1>
        %mul3A_273 = arith.constant 128 : i32
        %mul3A_274 = arith.muli %scan3A_172, %mul3A_273 : i32
        %add3A_275 = arith.constant 48 : i32
        %add3A_276 = arith.addi %mul3A_274, %add3A_275 : i32
        %get3A_277 = arith.index_cast %add3A_276 : i32 to index
        %get3A_278 = tpu.vector_load %arg25[%get3A_277] {strides = array<i32>} : memref<4096xi32, #tpu.memory_space<vmem>>, vector<16xi32>,
        %get3A_279 = arith.index_cast %add3A_276 : i32 to index
        %get3A_280 = tpu.vector_load %arg26[%get3A_279] {strides = array<i32>} : memref<4096xf32, #tpu.memory_space<vmem>>, vector<16xf32>,
        %get3A_281 = arith.index_cast %add3A_276 : i32 to index
        %get3A_282 = tpu.vector_load %arg27[%get3A_281] {strides = array<i32>} : memref<4096xf32, #tpu.memory_space<vmem>>, vector<16xf32>,
        %get3A_283 = arith.index_cast %add3A_276 : i32 to index
        %get3A_284 = tpu.vector_load %arg28[%get3A_283] {strides = array<i32>} : memref<4096xf32, #tpu.memory_space<vmem>>, vector<16xf32>,
        %get3A_285 = arith.index_cast %add3A_276 : i32 to index
        %get3A_286 = tpu.vector_load %arg29[%get3A_285] {strides = array<i32>} : memref<4096xf32, #tpu.memory_space<vmem>>, vector<16xf32>,
        %sub3A_287 = vector.broadcast %mul3A_2 : i32 to vector<16xi32>
        %sub3A_288 = arith.subi %get3A_278, %sub3A_287 : vector<16xi32>
        %lt3A_289 = arith.constant 5000 : i32
        %lt3A_290 = vector.broadcast %lt3A_289 : i32 to vector<16xi32>
        %lt3A_291 = arith.cmpi ult, %sub3A_288, %lt3A_290 : vector<16xi32>
        %gather3A_292 = tpu.vector_load_idx %arg13[%sub3A_288] masked %lt3A_291 : memref<5008xf32, #tpu.memory_space<vmem>>[vector<16xi32>], vector<16xf32>, vector<16xi1>
        %add3A_293 = arith.constant 1.000000e-01 : f32
        %add3A_294 = vector.broadcast %add3A_293 : f32 to vector<16xf32>
        %add3A_295 = arith.addf %gather3A_292, %add3A_294 : vector<16xf32>
        %le3A_296 = arith.cmpf ole, %get3A_280, %add3A_295 : vector<16xf32>
        %and3A_297 = arith.andi %lt3A_291, %le3A_296 : vector<16xi1>
        %sub3A_298 = arith.subf %get3A_280, %gather3A_292 : vector<16xf32>
        %max3A_299 = arith.constant 0.000000e+00 : f32
        %max3A_300 = vector.broadcast %max3A_299 : f32 to vector<16xf32>
        %max3A_301 = arith.maximumf %sub3A_298, %max3A_300 : vector<16xf32>
        %mul3A_302 = arith.constant -1.000000e+02 : f32
        %mul3A_303 = vector.broadcast %mul3A_302 : f32 to vector<16xf32>
        %mul3A_304 = arith.mulf %max3A_301, %mul3A_303 : vector<16xf32>
        %exp3A_305 = math.exp %mul3A_304 : vector<16xf32>
        tpu.vector_store_idx %arg21[%sub3A_288], %exp3A_305 masked %and3A_297 {add = true} : memref<5008xf32, #tpu.memory_space<vmem>>[vector<16xi32>], vector<16xf32>, vector<16xi1>
        %mul3A_306 = arith.mulf %exp3A_305, %get3A_282 : vector<16xf32>
        tpu.vector_store_idx %arg22[%sub3A_288], %mul3A_306 masked %and3A_297 {add = true} : memref<5008xf32, #tpu.memory_space<vmem>>[vector<16xi32>], vector<16xf32>, vector<16xi1>
        %mul3A_307 = arith.mulf %exp3A_305, %get3A_284 : vector<16xf32>
        tpu.vector_store_idx %arg23[%sub3A_288], %mul3A_307 masked %and3A_297 {add = true} : memref<5008xf32, #tpu.memory_space<vmem>>[vector<16xi32>], vector<16xf32>, vector<16xi1>
        %mul3A_308 = arith.mulf %exp3A_305, %get3A_286 : vector<16xf32>
        tpu.vector_store_idx %arg24[%sub3A_288], %mul3A_308 masked %and3A_297 {add = true} : memref<5008xf32, #tpu.memory_space<vmem>>[vector<16xi32>], vector<16xf32>, vector<16xi1>
        %mul3A_309 = arith.constant 128 : i32
        %mul3A_310 = arith.muli %scan3A_172, %mul3A_309 : i32
        %add3A_311 = arith.constant 64 : i32
        %add3A_312 = arith.addi %mul3A_310, %add3A_311 : i32
        %get3A_313 = arith.index_cast %add3A_312 : i32 to index
        %get3A_314 = tpu.vector_load %arg25[%get3A_313] {strides = array<i32>} : memref<4096xi32, #tpu.memory_space<vmem>>, vector<16xi32>,
        %get3A_315 = arith.index_cast %add3A_312 : i32 to index
        %get3A_316 = tpu.vector_load %arg26[%get3A_315] {strides = array<i32>} : memref<4096xf32, #tpu.memory_space<vmem>>, vector<16xf32>,
        %get3A_317 = arith.index_cast %add3A_312 : i32 to index
        %get3A_318 = tpu.vector_load %arg27[%get3A_317] {strides = array<i32>} : memref<4096xf32, #tpu.memory_space<vmem>>, vector<16xf32>,
        %get3A_319 = arith.index_cast %add3A_312 : i32 to index
        %get3A_320 = tpu.vector_load %arg28[%get3A_319] {strides = array<i32>} : memref<4096xf32, #tpu.memory_space<vmem>>, vector<16xf32>,
        %get3A_321 = arith.index_cast %add3A_312 : i32 to index
        %get3A_322 = tpu.vector_load %arg29[%get3A_321] {strides = array<i32>} : memref<4096xf32, #tpu.memory_space<vmem>>, vector<16xf32>,
        %sub3A_323 = vector.broadcast %mul3A_2 : i32 to vector<16xi32>
        %sub3A_324 = arith.subi %get3A_314, %sub3A_323 : vector<16xi32>
        %lt3A_325 = arith.constant 5000 : i32
        %lt3A_326 = vector.broadcast %lt3A_325 : i32 to vector<16xi32>
        %lt3A_327 = arith.cmpi ult, %sub3A_324, %lt3A_326 : vector<16xi32>
        %gather3A_328 = tpu.vector_load_idx %arg13[%sub3A_324] masked %lt3A_327 : memref<5008xf32, #tpu.memory_space<vmem>>[vector<16xi32>], vector<16xf32>, vector<16xi1>
        %add3A_329 = arith.constant 1.000000e-01 : f32
        %add3A_330 = vector.broadcast %add3A_329 : f32 to vector<16xf32>
        %add3A_331 = arith.addf %gather3A_328, %add3A_330 : vector<16xf32>
        %le3A_332 = arith.cmpf ole, %get3A_316, %add3A_331 : vector<16xf32>
        %and3A_333 = arith.andi %lt3A_327, %le3A_332 : vector<16xi1>
        %sub3A_334 = arith.subf %get3A_316, %gather3A_328 : vector<16xf32>
        %max3A_335 = arith.constant 0.000000e+00 : f32
        %max3A_336 = vector.broadcast %max3A_335 : f32 to vector<16xf32>
        %max3A_337 = arith.maximumf %sub3A_334, %max3A_336 : vector<16xf32>
        %mul3A_338 = arith.constant -1.000000e+02 : f32
        %mul3A_339 = vector.broadcast %mul3A_338 : f32 to vector<16xf32>
        %mul3A_340 = arith.mulf %max3A_337, %mul3A_339 : vector<16xf32>
        %exp3A_341 = math.exp %mul3A_340 : vector<16xf32>
        tpu.vector_store_idx %arg17[%sub3A_324], %exp3A_341 masked %and3A_333 {add = true} : memref<5008xf32, #tpu.memory_space<vmem>>[vector<16xi32>], vector<16xf32>, vector<16xi1>
        %mul3A_342 = arith.mulf %exp3A_341, %get3A_318 : vector<16xf32>
        tpu.vector_store_idx %arg18[%sub3A_324], %mul3A_342 masked %and3A_333 {add = true} : memref<5008xf32, #tpu.memory_space<vmem>>[vector<16xi32>], vector<16xf32>, vector<16xi1>
        %mul3A_343 = arith.mulf %exp3A_341, %get3A_320 : vector<16xf32>
        tpu.vector_store_idx %arg19[%sub3A_324], %mul3A_343 masked %and3A_333 {add = true} : memref<5008xf32, #tpu.memory_space<vmem>>[vector<16xi32>], vector<16xf32>, vector<16xi1>
        %mul3A_344 = arith.mulf %exp3A_341, %get3A_322 : vector<16xf32>
        tpu.vector_store_idx %arg20[%sub3A_324], %mul3A_344 masked %and3A_333 {add = true} : memref<5008xf32, #tpu.memory_space<vmem>>[vector<16xi32>], vector<16xf32>, vector<16xi1>
        %mul3A_345 = arith.constant 128 : i32
        %mul3A_346 = arith.muli %scan3A_172, %mul3A_345 : i32
        %add3A_347 = arith.constant 80 : i32
        %add3A_348 = arith.addi %mul3A_346, %add3A_347 : i32
        %get3A_349 = arith.index_cast %add3A_348 : i32 to index
        %get3A_350 = tpu.vector_load %arg25[%get3A_349] {strides = array<i32>} : memref<4096xi32, #tpu.memory_space<vmem>>, vector<16xi32>,
        %get3A_351 = arith.index_cast %add3A_348 : i32 to index
        %get3A_352 = tpu.vector_load %arg26[%get3A_351] {strides = array<i32>} : memref<4096xf32, #tpu.memory_space<vmem>>, vector<16xf32>,
        %get3A_353 = arith.index_cast %add3A_348 : i32 to index
        %get3A_354 = tpu.vector_load %arg27[%get3A_353] {strides = array<i32>} : memref<4096xf32, #tpu.memory_space<vmem>>, vector<16xf32>,
        %get3A_355 = arith.index_cast %add3A_348 : i32 to index
        %get3A_356 = tpu.vector_load %arg28[%get3A_355] {strides = array<i32>} : memref<4096xf32, #tpu.memory_space<vmem>>, vector<16xf32>,
        %get3A_357 = arith.index_cast %add3A_348 : i32 to index
        %get3A_358 = tpu.vector_load %arg29[%get3A_357] {strides = array<i32>} : memref<4096xf32, #tpu.memory_space<vmem>>, vector<16xf32>,
        %sub3A_359 = vector.broadcast %mul3A_2 : i32 to vector<16xi32>
        %sub3A_360 = arith.subi %get3A_350, %sub3A_359 : vector<16xi32>
        %lt3A_361 = arith.constant 5000 : i32
        %lt3A_362 = vector.broadcast %lt3A_361 : i32 to vector<16xi32>
        %lt3A_363 = arith.cmpi ult, %sub3A_360, %lt3A_362 : vector<16xi32>
        %gather3A_364 = tpu.vector_load_idx %arg13[%sub3A_360] masked %lt3A_363 : memref<5008xf32, #tpu.memory_space<vmem>>[vector<16xi32>], vector<16xf32>, vector<16xi1>
        %add3A_365 = arith.constant 1.000000e-01 : f32
        %add3A_366 = vector.broadcast %add3A_365 : f32 to vector<16xf32>
        %add3A_367 = arith.addf %gather3A_364, %add3A_366 : vector<16xf32>
        %le3A_368 = arith.cmpf ole, %get3A_352, %add3A_367 : vector<16xf32>
        %and3A_369 = arith.andi %lt3A_363, %le3A_368 : vector<16xi1>
        %sub3A_370 = arith.subf %get3A_352, %gather3A_364 : vector<16xf32>
        %max3A_371 = arith.constant 0.000000e+00 : f32
        %max3A_372 = vector.broadcast %max3A_371 : f32 to vector<16xf32>
        %max3A_373 = arith.maximumf %sub3A_370, %max3A_372 : vector<16xf32>
        %mul3A_374 = arith.constant -1.000000e+02 : f32
        %mul3A_375 = vector.broadcast %mul3A_374 : f32 to vector<16xf32>
        %mul3A_376 = arith.mulf %max3A_373, %mul3A_375 : vector<16xf32>
        %exp3A_377 = math.exp %mul3A_376 : vector<16xf32>
        tpu.vector_store_idx %arg21[%sub3A_360], %exp3A_377 masked %and3A_369 {add = true} : memref<5008xf32, #tpu.memory_space<vmem>>[vector<16xi32>], vector<16xf32>, vector<16xi1>
        %mul3A_378 = arith.mulf %exp3A_377, %get3A_354 : vector<16xf32>
        tpu.vector_store_idx %arg22[%sub3A_360], %mul3A_378 masked %and3A_369 {add = true} : memref<5008xf32, #tpu.memory_space<vmem>>[vector<16xi32>], vector<16xf32>, vector<16xi1>
        %mul3A_379 = arith.mulf %exp3A_377, %get3A_356 : vector<16xf32>
        tpu.vector_store_idx %arg23[%sub3A_360], %mul3A_379 masked %and3A_369 {add = true} : memref<5008xf32, #tpu.memory_space<vmem>>[vector<16xi32>], vector<16xf32>, vector<16xi1>
        %mul3A_380 = arith.mulf %exp3A_377, %get3A_358 : vector<16xf32>
        tpu.vector_store_idx %arg24[%sub3A_360], %mul3A_380 masked %and3A_369 {add = true} : memref<5008xf32, #tpu.memory_space<vmem>>[vector<16xi32>], vector<16xf32>, vector<16xi1>
        %mul3A_381 = arith.constant 128 : i32
        %mul3A_382 = arith.muli %scan3A_172, %mul3A_381 : i32
        %add3A_383 = arith.constant 96 : i32
        %add3A_384 = arith.addi %mul3A_382, %add3A_383 : i32
        %get3A_385 = arith.index_cast %add3A_384 : i32 to index
        %get3A_386 = tpu.vector_load %arg25[%get3A_385] {strides = array<i32>} : memref<4096xi32, #tpu.memory_space<vmem>>, vector<16xi32>,
        %get3A_387 = arith.index_cast %add3A_384 : i32 to index
        %get3A_388 = tpu.vector_load %arg26[%get3A_387] {strides = array<i32>} : memref<4096xf32, #tpu.memory_space<vmem>>, vector<16xf32>,
        %get3A_389 = arith.index_cast %add3A_384 : i32 to index
        %get3A_390 = tpu.vector_load %arg27[%get3A_389] {strides = array<i32>} : memref<4096xf32, #tpu.memory_space<vmem>>, vector<16xf32>,
        %get3A_391 = arith.index_cast %add3A_384 : i32 to index
        %get3A_392 = tpu.vector_load %arg28[%get3A_391] {strides = array<i32>} : memref<4096xf32, #tpu.memory_space<vmem>>, vector<16xf32>,
        %get3A_393 = arith.index_cast %add3A_384 : i32 to index
        %get3A_394 = tpu.vector_load %arg29[%get3A_393] {strides = array<i32>} : memref<4096xf32, #tpu.memory_space<vmem>>, vector<16xf32>,
        %sub3A_395 = vector.broadcast %mul3A_2 : i32 to vector<16xi32>
        %sub3A_396 = arith.subi %get3A_386, %sub3A_395 : vector<16xi32>
        %lt3A_397 = arith.constant 5000 : i32
        %lt3A_398 = vector.broadcast %lt3A_397 : i32 to vector<16xi32>
        %lt3A_399 = arith.cmpi ult, %sub3A_396, %lt3A_398 : vector<16xi32>
        %gather3A_400 = tpu.vector_load_idx %arg13[%sub3A_396] masked %lt3A_399 : memref<5008xf32, #tpu.memory_space<vmem>>[vector<16xi32>], vector<16xf32>, vector<16xi1>
        %add3A_401 = arith.constant 1.000000e-01 : f32
        %add3A_402 = vector.broadcast %add3A_401 : f32 to vector<16xf32>
        %add3A_403 = arith.addf %gather3A_400, %add3A_402 : vector<16xf32>
        %le3A_404 = arith.cmpf ole, %get3A_388, %add3A_403 : vector<16xf32>
        %and3A_405 = arith.andi %lt3A_399, %le3A_404 : vector<16xi1>
        %sub3A_406 = arith.subf %get3A_388, %gather3A_400 : vector<16xf32>
        %max3A_407 = arith.constant 0.000000e+00 : f32
        %max3A_408 = vector.broadcast %max3A_407 : f32 to vector<16xf32>
        %max3A_409 = arith.maximumf %sub3A_406, %max3A_408 : vector<16xf32>
        %mul3A_410 = arith.constant -1.000000e+02 : f32
        %mul3A_411 = vector.broadcast %mul3A_410 : f32 to vector<16xf32>
        %mul3A_412 = arith.mulf %max3A_409, %mul3A_411 : vector<16xf32>
        %exp3A_413 = math.exp %mul3A_412 : vector<16xf32>
        tpu.vector_store_idx %arg17[%sub3A_396], %exp3A_413 masked %and3A_405 {add = true} : memref<5008xf32, #tpu.memory_space<vmem>>[vector<16xi32>], vector<16xf32>, vector<16xi1>
        %mul3A_414 = arith.mulf %exp3A_413, %get3A_390 : vector<16xf32>
        tpu.vector_store_idx %arg18[%sub3A_396], %mul3A_414 masked %and3A_405 {add = true} : memref<5008xf32, #tpu.memory_space<vmem>>[vector<16xi32>], vector<16xf32>, vector<16xi1>
        %mul3A_415 = arith.mulf %exp3A_413, %get3A_392 : vector<16xf32>
        tpu.vector_store_idx %arg19[%sub3A_396], %mul3A_415 masked %and3A_405 {add = true} : memref<5008xf32, #tpu.memory_space<vmem>>[vector<16xi32>], vector<16xf32>, vector<16xi1>
        %mul3A_416 = arith.mulf %exp3A_413, %get3A_394 : vector<16xf32>
        tpu.vector_store_idx %arg20[%sub3A_396], %mul3A_416 masked %and3A_405 {add = true} : memref<5008xf32, #tpu.memory_space<vmem>>[vector<16xi32>], vector<16xf32>, vector<16xi1>
        %mul3A_417 = arith.constant 128 : i32
        %mul3A_418 = arith.muli %scan3A_172, %mul3A_417 : i32
        %add3A_419 = arith.constant 112 : i32
        %add3A_420 = arith.addi %mul3A_418, %add3A_419 : i32
        %get3A_421 = arith.index_cast %add3A_420 : i32 to index
        %get3A_422 = tpu.vector_load %arg25[%get3A_421] {strides = array<i32>} : memref<4096xi32, #tpu.memory_space<vmem>>, vector<16xi32>,
        %get3A_423 = arith.index_cast %add3A_420 : i32 to index
        %get3A_424 = tpu.vector_load %arg26[%get3A_423] {strides = array<i32>} : memref<4096xf32, #tpu.memory_space<vmem>>, vector<16xf32>,
        %get3A_425 = arith.index_cast %add3A_420 : i32 to index
        %get3A_426 = tpu.vector_load %arg27[%get3A_425] {strides = array<i32>} : memref<4096xf32, #tpu.memory_space<vmem>>, vector<16xf32>,
        %get3A_427 = arith.index_cast %add3A_420 : i32 to index
        %get3A_428 = tpu.vector_load %arg28[%get3A_427] {strides = array<i32>} : memref<4096xf32, #tpu.memory_space<vmem>>, vector<16xf32>,
        %get3A_429 = arith.index_cast %add3A_420 : i32 to index
        %get3A_430 = tpu.vector_load %arg29[%get3A_429] {strides = array<i32>} : memref<4096xf32, #tpu.memory_space<vmem>>, vector<16xf32>,
        %sub3A_431 = vector.broadcast %mul3A_2 : i32 to vector<16xi32>
        %sub3A_432 = arith.subi %get3A_422, %sub3A_431 : vector<16xi32>
        %lt3A_433 = arith.constant 5000 : i32
        %lt3A_434 = vector.broadcast %lt3A_433 : i32 to vector<16xi32>
        %lt3A_435 = arith.cmpi ult, %sub3A_432, %lt3A_434 : vector<16xi32>
        %gather3A_436 = tpu.vector_load_idx %arg13[%sub3A_432] masked %lt3A_435 : memref<5008xf32, #tpu.memory_space<vmem>>[vector<16xi32>], vector<16xf32>, vector<16xi1>
        %add3A_437 = arith.constant 1.000000e-01 : f32
        %add3A_438 = vector.broadcast %add3A_437 : f32 to vector<16xf32>
        %add3A_439 = arith.addf %gather3A_436, %add3A_438 : vector<16xf32>
        %le3A_440 = arith.cmpf ole, %get3A_424, %add3A_439 : vector<16xf32>
        %and3A_441 = arith.andi %lt3A_435, %le3A_440 : vector<16xi1>
        %sub3A_442 = arith.subf %get3A_424, %gather3A_436 : vector<16xf32>
        %max3A_443 = arith.constant 0.000000e+00 : f32
        %max3A_444 = vector.broadcast %max3A_443 : f32 to vector<16xf32>
        %max3A_445 = arith.maximumf %sub3A_442, %max3A_444 : vector<16xf32>
        %mul3A_446 = arith.constant -1.000000e+02 : f32
        %mul3A_447 = vector.broadcast %mul3A_446 : f32 to vector<16xf32>
        %mul3A_448 = arith.mulf %max3A_445, %mul3A_447 : vector<16xf32>
        %exp3A_449 = math.exp %mul3A_448 : vector<16xf32>
        tpu.vector_store_idx %arg21[%sub3A_432], %exp3A_449 masked %and3A_441 {add = true} : memref<5008xf32, #tpu.memory_space<vmem>>[vector<16xi32>], vector<16xf32>, vector<16xi1>
        %mul3A_450 = arith.mulf %exp3A_449, %get3A_426 : vector<16xf32>
        tpu.vector_store_idx %arg22[%sub3A_432], %mul3A_450 masked %and3A_441 {add = true} : memref<5008xf32, #tpu.memory_space<vmem>>[vector<16xi32>], vector<16xf32>, vector<16xi1>
        %mul3A_451 = arith.mulf %exp3A_449, %get3A_428 : vector<16xf32>
        tpu.vector_store_idx %arg23[%sub3A_432], %mul3A_451 masked %and3A_441 {add = true} : memref<5008xf32, #tpu.memory_space<vmem>>[vector<16xi32>], vector<16xf32>, vector<16xi1>
        %mul3A_452 = arith.mulf %exp3A_449, %get3A_430 : vector<16xf32>
        tpu.vector_store_idx %arg24[%sub3A_432], %mul3A_452 masked %and3A_441 {add = true} : memref<5008xf32, #tpu.memory_space<vmem>>[vector<16xi32>], vector<16xf32>, vector<16xi1>
      }
      %scan3A_128 = arith.constant 32 : i32
      %mul3A_129 = arith.constant 2 : i32
      %mul3A_130 = arith.muli %mul3A_129, %scan3A_86 : i32
      %add3A_131 = arith.constant 2 : i32
      %add3A_132 = arith.addi %mul3A_130, %add3A_131 : i32
      %rem3A = arith.constant 124 : i32
      %rem3A_133 = arith.remsi %add3A_132, %rem3A : i32
      %mul3A_134 = arith.constant 4096 : i32
      %mul3A_135 = arith.muli %rem3A_133, %mul3A_134 : i32
      %dma_start3A_136 = tpu.memref_slice %arg2[%mul3A_135] : memref<507904xi32, #tpu.memory_space<hbm>> -> memref<4096xi32, #tpu.memory_space<hbm>>
      %dma_start3A_137 = tpu.memref_slice %arg2[%mul3A_135] : memref<507904xi32, #tpu.memory_space<hbm>> -> memref<4096xi32, #tpu.memory_space<hbm>>
      tpu.enqueue_dma source(%dma_start3A_137 : memref<4096xi32, #tpu.memory_space<hbm>>) target(%arg25 : memref<4096xi32, #tpu.memory_space<vmem>>) target_semaphore(%arg35 : memref<!tpu.dma_semaphore, #tpu.memory_space<semaphore_mem>>)
      %dma_start3A_138 = tpu.memref_slice %arg4[%mul3A_135] : memref<507904xf32, #tpu.memory_space<hbm>> -> memref<4096xf32, #tpu.memory_space<hbm>>
      %dma_start3A_139 = tpu.memref_slice %arg4[%mul3A_135] : memref<507904xf32, #tpu.memory_space<hbm>> -> memref<4096xf32, #tpu.memory_space<hbm>>
      tpu.enqueue_dma source(%dma_start3A_139 : memref<4096xf32, #tpu.memory_space<hbm>>) target(%arg26 : memref<4096xf32, #tpu.memory_space<vmem>>) target_semaphore(%arg36 : memref<!tpu.dma_semaphore, #tpu.memory_space<semaphore_mem>>)
      %dma_start3A_140 = tpu.memref_slice %arg5[%mul3A_135] : memref<507904xf32, #tpu.memory_space<hbm>> -> memref<4096xf32, #tpu.memory_space<hbm>>
      %dma_start3A_141 = tpu.memref_slice %arg5[%mul3A_135] : memref<507904xf32, #tpu.memory_space<hbm>> -> memref<4096xf32, #tpu.memory_space<hbm>>
      tpu.enqueue_dma source(%dma_start3A_141 : memref<4096xf32, #tpu.memory_space<hbm>>) target(%arg27 : memref<4096xf32, #tpu.memory_space<vmem>>) target_semaphore(%arg37 : memref<!tpu.dma_semaphore, #tpu.memory_space<semaphore_mem>>)
      %dma_start3A_142 = tpu.memref_slice %arg6[%mul3A_135] : memref<507904xf32, #tpu.memory_space<hbm>> -> memref<4096xf32, #tpu.memory_space<hbm>>
      %dma_start3A_143 = tpu.memref_slice %arg6[%mul3A_135] : memref<507904xf32, #tpu.memory_space<hbm>> -> memref<4096xf32, #tpu.memory_space<hbm>>
      tpu.enqueue_dma source(%dma_start3A_143 : memref<4096xf32, #tpu.memory_space<hbm>>) target(%arg28 : memref<4096xf32, #tpu.memory_space<vmem>>) target_semaphore(%arg38 : memref<!tpu.dma_semaphore, #tpu.memory_space<semaphore_mem>>)
      %dma_start3A_144 = tpu.memref_slice %arg7[%mul3A_135] : memref<507904xf32, #tpu.memory_space<hbm>> -> memref<4096xf32, #tpu.memory_space<hbm>>
      %dma_start3A_145 = tpu.memref_slice %arg7[%mul3A_135] : memref<507904xf32, #tpu.memory_space<hbm>> -> memref<4096xf32, #tpu.memory_space<hbm>>
      tpu.enqueue_dma source(%dma_start3A_145 : memref<4096xf32, #tpu.memory_space<hbm>>) target(%arg29 : memref<4096xf32, #tpu.memory_space<vmem>>) target_semaphore(%arg39 : memref<!tpu.dma_semaphore, #tpu.memory_space<semaphore_mem>>)
      %dma_wait3A_146 = arith.constant 0 : i32
      %dma_wait3A_147 = tpu.memref_slice %arg2[%dma_wait3A_146] : memref<507904xi32, #tpu.memory_space<hbm>> -> memref<4096xi32, #tpu.memory_space<hbm>>
      %dma_wait3A_148 = arith.constant 0 : i32
      %dma_wait3A_149 = tpu.memref_slice %arg2[%dma_wait3A_148] : memref<507904xi32, #tpu.memory_space<hbm>> -> memref<4096xi32, #tpu.memory_space<hbm>>
      tpu.wait_dma2 semaphore(%arg40 : memref<!tpu.dma_semaphore, #tpu.memory_space<semaphore_mem>>) src(%dma_wait3A_149 : memref<4096xi32, #tpu.memory_space<hbm>>) dst(%arg30 : memref<4096xi32, #tpu.memory_space<vmem>>)
      %dma_wait3A_150 = arith.constant 0 : i32
      %dma_wait3A_151 = tpu.memref_slice %arg4[%dma_wait3A_150] : memref<507904xf32, #tpu.memory_space<hbm>> -> memref<4096xf32, #tpu.memory_space<hbm>>
      %dma_wait3A_152 = arith.constant 0 : i32
      %dma_wait3A_153 = tpu.memref_slice %arg4[%dma_wait3A_152] : memref<507904xf32, #tpu.memory_space<hbm>> -> memref<4096xf32, #tpu.memory_space<hbm>>
      tpu.wait_dma2 semaphore(%arg41 : memref<!tpu.dma_semaphore, #tpu.memory_space<semaphore_mem>>) src(%dma_wait3A_153 : memref<4096xf32, #tpu.memory_space<hbm>>) dst(%arg31 : memref<4096xf32, #tpu.memory_space<vmem>>)
      %dma_wait3A_154 = arith.constant 0 : i32
      %dma_wait3A_155 = tpu.memref_slice %arg5[%dma_wait3A_154] : memref<507904xf32, #tpu.memory_space<hbm>> -> memref<4096xf32, #tpu.memory_space<hbm>>
      %dma_wait3A_156 = arith.constant 0 : i32
      %dma_wait3A_157 = tpu.memref_slice %arg5[%dma_wait3A_156] : memref<507904xf32, #tpu.memory_space<hbm>> -> memref<4096xf32, #tpu.memory_space<hbm>>
      tpu.wait_dma2 semaphore(%arg42 : memref<!tpu.dma_semaphore, #tpu.memory_space<semaphore_mem>>) src(%dma_wait3A_157 : memref<4096xf32, #tpu.memory_space<hbm>>) dst(%arg32 : memref<4096xf32, #tpu.memory_space<vmem>>)
      %dma_wait3A_158 = arith.constant 0 : i32
      %dma_wait3A_159 = tpu.memref_slice %arg6[%dma_wait3A_158] : memref<507904xf32, #tpu.memory_space<hbm>> -> memref<4096xf32, #tpu.memory_space<hbm>>
      %dma_wait3A_160 = arith.constant 0 : i32
      %dma_wait3A_161 = tpu.memref_slice %arg6[%dma_wait3A_160] : memref<507904xf32, #tpu.memory_space<hbm>> -> memref<4096xf32, #tpu.memory_space<hbm>>
      tpu.wait_dma2 semaphore(%arg43 : memref<!tpu.dma_semaphore, #tpu.memory_space<semaphore_mem>>) src(%dma_wait3A_161 : memref<4096xf32, #tpu.memory_space<hbm>>) dst(%arg33 : memref<4096xf32, #tpu.memory_space<vmem>>)
      %dma_wait3A_162 = arith.constant 0 : i32
      %dma_wait3A_163 = tpu.memref_slice %arg7[%dma_wait3A_162] : memref<507904xf32, #tpu.memory_space<hbm>> -> memref<4096xf32, #tpu.memory_space<hbm>>
      %dma_wait3A_164 = arith.constant 0 : i32
      %dma_wait3A_165 = tpu.memref_slice %arg7[%dma_wait3A_164] : memref<507904xf32, #tpu.memory_space<hbm>> -> memref<4096xf32, #tpu.memory_space<hbm>>
      tpu.wait_dma2 semaphore(%arg44 : memref<!tpu.dma_semaphore, #tpu.memory_space<semaphore_mem>>) src(%dma_wait3A_165 : memref<4096xf32, #tpu.memory_space<hbm>>) dst(%arg34 : memref<4096xf32, #tpu.memory_space<vmem>>)
      %scan3A_166 = arith.constant 0 : i32
      %scan3A_167 = arith.constant 0 : i32
      %scan3A_168 = arith.constant 32 : i32
      %scan3A_169 = arith.addi %scan3A_167, %scan3A_168 : i32
      %scan3A_170 = arith.constant 1 : i32
      scf.for %scan3A_172 = %scan3A_167 to %scan3A_169 step %scan3A_170  : i32 {
        %mul3A_173 = arith.constant 128 : i32
        %mul3A_174 = arith.muli %scan3A_172, %mul3A_173 : i32
        %add3A_175 = arith.constant 0 : i32
        %add3A_176 = arith.addi %mul3A_174, %add3A_175 : i32
        %get3A = arith.index_cast %add3A_176 : i32 to index
        %get3A_177 = tpu.vector_load %arg30[%get3A] {strides = array<i32>} : memref<4096xi32, #tpu.memory_space<vmem>>, vector<16xi32>,
        %get3A_178 = arith.index_cast %add3A_176 : i32 to index
        %get3A_179 = tpu.vector_load %arg31[%get3A_178] {strides = array<i32>} : memref<4096xf32, #tpu.memory_space<vmem>>, vector<16xf32>,
        %get3A_180 = arith.index_cast %add3A_176 : i32 to index
        %get3A_181 = tpu.vector_load %arg32[%get3A_180] {strides = array<i32>} : memref<4096xf32, #tpu.memory_space<vmem>>, vector<16xf32>,
        %get3A_182 = arith.index_cast %add3A_176 : i32 to index
        %get3A_183 = tpu.vector_load %arg33[%get3A_182] {strides = array<i32>} : memref<4096xf32, #tpu.memory_space<vmem>>, vector<16xf32>,
        %get3A_184 = arith.index_cast %add3A_176 : i32 to index
        %get3A_185 = tpu.vector_load %arg34[%get3A_184] {strides = array<i32>} : memref<4096xf32, #tpu.memory_space<vmem>>, vector<16xf32>,
        %sub3A = vector.broadcast %mul3A_2 : i32 to vector<16xi32>
        %sub3A_186 = arith.subi %get3A_177, %sub3A : vector<16xi32>
        %lt3A = arith.constant 5000 : i32
        %lt3A_187 = vector.broadcast %lt3A : i32 to vector<16xi32>
        %lt3A_188 = arith.cmpi ult, %sub3A_186, %lt3A_187 : vector<16xi32>
        %gather3A = tpu.vector_load_idx %arg13[%sub3A_186] masked %lt3A_188 : memref<5008xf32, #tpu.memory_space<vmem>>[vector<16xi32>], vector<16xf32>, vector<16xi1>
        %add3A_189 = arith.constant 1.000000e-01 : f32
        %add3A_190 = vector.broadcast %add3A_189 : f32 to vector<16xf32>
        %add3A_191 = arith.addf %gather3A, %add3A_190 : vector<16xf32>
        %le3A = arith.cmpf ole, %get3A_179, %add3A_191 : vector<16xf32>
        %and3A = arith.andi %lt3A_188, %le3A : vector<16xi1>
        %sub3A_192 = arith.subf %get3A_179, %gather3A : vector<16xf32>
        %max3A = arith.constant 0.000000e+00 : f32
        %max3A_193 = vector.broadcast %max3A : f32 to vector<16xf32>
        %max3A_194 = arith.maximumf %sub3A_192, %max3A_193 : vector<16xf32>
        %mul3A_195 = arith.constant -1.000000e+02 : f32
        %mul3A_196 = vector.broadcast %mul3A_195 : f32 to vector<16xf32>
        %mul3A_197 = arith.mulf %max3A_194, %mul3A_196 : vector<16xf32>
        %exp3A = math.exp %mul3A_197 : vector<16xf32>
        tpu.vector_store_idx %arg17[%sub3A_186], %exp3A masked %and3A {add = true} : memref<5008xf32, #tpu.memory_space<vmem>>[vector<16xi32>], vector<16xf32>, vector<16xi1>
        %mul3A_198 = arith.mulf %exp3A, %get3A_181 : vector<16xf32>
        tpu.vector_store_idx %arg18[%sub3A_186], %mul3A_198 masked %and3A {add = true} : memref<5008xf32, #tpu.memory_space<vmem>>[vector<16xi32>], vector<16xf32>, vector<16xi1>
        %mul3A_199 = arith.mulf %exp3A, %get3A_183 : vector<16xf32>
        tpu.vector_store_idx %arg19[%sub3A_186], %mul3A_199 masked %and3A {add = true} : memref<5008xf32, #tpu.memory_space<vmem>>[vector<16xi32>], vector<16xf32>, vector<16xi1>
        %mul3A_200 = arith.mulf %exp3A, %get3A_185 : vector<16xf32>
        tpu.vector_store_idx %arg20[%sub3A_186], %mul3A_200 masked %and3A {add = true} : memref<5008xf32, #tpu.memory_space<vmem>>[vector<16xi32>], vector<16xf32>, vector<16xi1>
        %mul3A_201 = arith.constant 128 : i32
        %mul3A_202 = arith.muli %scan3A_172, %mul3A_201 : i32
        %add3A_203 = arith.constant 16 : i32
        %add3A_204 = arith.addi %mul3A_202, %add3A_203 : i32
        %get3A_205 = arith.index_cast %add3A_204 : i32 to index
        %get3A_206 = tpu.vector_load %arg30[%get3A_205] {strides = array<i32>} : memref<4096xi32, #tpu.memory_space<vmem>>, vector<16xi32>,
        %get3A_207 = arith.index_cast %add3A_204 : i32 to index
        %get3A_208 = tpu.vector_load %arg31[%get3A_207] {strides = array<i32>} : memref<4096xf32, #tpu.memory_space<vmem>>, vector<16xf32>,
        %get3A_209 = arith.index_cast %add3A_204 : i32 to index
        %get3A_210 = tpu.vector_load %arg32[%get3A_209] {strides = array<i32>} : memref<4096xf32, #tpu.memory_space<vmem>>, vector<16xf32>,
        %get3A_211 = arith.index_cast %add3A_204 : i32 to index
        %get3A_212 = tpu.vector_load %arg33[%get3A_211] {strides = array<i32>} : memref<4096xf32, #tpu.memory_space<vmem>>, vector<16xf32>,
        %get3A_213 = arith.index_cast %add3A_204 : i32 to index
        %get3A_214 = tpu.vector_load %arg34[%get3A_213] {strides = array<i32>} : memref<4096xf32, #tpu.memory_space<vmem>>, vector<16xf32>,
        %sub3A_215 = vector.broadcast %mul3A_2 : i32 to vector<16xi32>
        %sub3A_216 = arith.subi %get3A_206, %sub3A_215 : vector<16xi32>
        %lt3A_217 = arith.constant 5000 : i32
        %lt3A_218 = vector.broadcast %lt3A_217 : i32 to vector<16xi32>
        %lt3A_219 = arith.cmpi ult, %sub3A_216, %lt3A_218 : vector<16xi32>
        %gather3A_220 = tpu.vector_load_idx %arg13[%sub3A_216] masked %lt3A_219 : memref<5008xf32, #tpu.memory_space<vmem>>[vector<16xi32>], vector<16xf32>, vector<16xi1>
        %add3A_221 = arith.constant 1.000000e-01 : f32
        %add3A_222 = vector.broadcast %add3A_221 : f32 to vector<16xf32>
        %add3A_223 = arith.addf %gather3A_220, %add3A_222 : vector<16xf32>
        %le3A_224 = arith.cmpf ole, %get3A_208, %add3A_223 : vector<16xf32>
        %and3A_225 = arith.andi %lt3A_219, %le3A_224 : vector<16xi1>
        %sub3A_226 = arith.subf %get3A_208, %gather3A_220 : vector<16xf32>
        %max3A_227 = arith.constant 0.000000e+00 : f32
        %max3A_228 = vector.broadcast %max3A_227 : f32 to vector<16xf32>
        %max3A_229 = arith.maximumf %sub3A_226, %max3A_228 : vector<16xf32>
        %mul3A_230 = arith.constant -1.000000e+02 : f32
        %mul3A_231 = vector.broadcast %mul3A_230 : f32 to vector<16xf32>
        %mul3A_232 = arith.mulf %max3A_229, %mul3A_231 : vector<16xf32>
        %exp3A_233 = math.exp %mul3A_232 : vector<16xf32>
        tpu.vector_store_idx %arg21[%sub3A_216], %exp3A_233 masked %and3A_225 {add = true} : memref<5008xf32, #tpu.memory_space<vmem>>[vector<16xi32>], vector<16xf32>, vector<16xi1>
        %mul3A_234 = arith.mulf %exp3A_233, %get3A_210 : vector<16xf32>
        tpu.vector_store_idx %arg22[%sub3A_216], %mul3A_234 masked %and3A_225 {add = true} : memref<5008xf32, #tpu.memory_space<vmem>>[vector<16xi32>], vector<16xf32>, vector<16xi1>
        %mul3A_235 = arith.mulf %exp3A_233, %get3A_212 : vector<16xf32>
        tpu.vector_store_idx %arg23[%sub3A_216], %mul3A_235 masked %and3A_225 {add = true} : memref<5008xf32, #tpu.memory_space<vmem>>[vector<16xi32>], vector<16xf32>, vector<16xi1>
        %mul3A_236 = arith.mulf %exp3A_233, %get3A_214 : vector<16xf32>
        tpu.vector_store_idx %arg24[%sub3A_216], %mul3A_236 masked %and3A_225 {add = true} : memref<5008xf32, #tpu.memory_space<vmem>>[vector<16xi32>], vector<16xf32>, vector<16xi1>
        %mul3A_237 = arith.constant 128 : i32
        %mul3A_238 = arith.muli %scan3A_172, %mul3A_237 : i32
        %add3A_239 = arith.constant 32 : i32
        %add3A_240 = arith.addi %mul3A_238, %add3A_239 : i32
        %get3A_241 = arith.index_cast %add3A_240 : i32 to index
        %get3A_242 = tpu.vector_load %arg30[%get3A_241] {strides = array<i32>} : memref<4096xi32, #tpu.memory_space<vmem>>, vector<16xi32>,
        %get3A_243 = arith.index_cast %add3A_240 : i32 to index
        %get3A_244 = tpu.vector_load %arg31[%get3A_243] {strides = array<i32>} : memref<4096xf32, #tpu.memory_space<vmem>>, vector<16xf32>,
        %get3A_245 = arith.index_cast %add3A_240 : i32 to index
        %get3A_246 = tpu.vector_load %arg32[%get3A_245] {strides = array<i32>} : memref<4096xf32, #tpu.memory_space<vmem>>, vector<16xf32>,
        %get3A_247 = arith.index_cast %add3A_240 : i32 to index
        %get3A_248 = tpu.vector_load %arg33[%get3A_247] {strides = array<i32>} : memref<4096xf32, #tpu.memory_space<vmem>>, vector<16xf32>,
        %get3A_249 = arith.index_cast %add3A_240 : i32 to index
        %get3A_250 = tpu.vector_load %arg34[%get3A_249] {strides = array<i32>} : memref<4096xf32, #tpu.memory_space<vmem>>, vector<16xf32>,
        %sub3A_251 = vector.broadcast %mul3A_2 : i32 to vector<16xi32>
        %sub3A_252 = arith.subi %get3A_242, %sub3A_251 : vector<16xi32>
        %lt3A_253 = arith.constant 5000 : i32
        %lt3A_254 = vector.broadcast %lt3A_253 : i32 to vector<16xi32>
        %lt3A_255 = arith.cmpi ult, %sub3A_252, %lt3A_254 : vector<16xi32>
        %gather3A_256 = tpu.vector_load_idx %arg13[%sub3A_252] masked %lt3A_255 : memref<5008xf32, #tpu.memory_space<vmem>>[vector<16xi32>], vector<16xf32>, vector<16xi1>
        %add3A_257 = arith.constant 1.000000e-01 : f32
        %add3A_258 = vector.broadcast %add3A_257 : f32 to vector<16xf32>
        %add3A_259 = arith.addf %gather3A_256, %add3A_258 : vector<16xf32>
        %le3A_260 = arith.cmpf ole, %get3A_244, %add3A_259 : vector<16xf32>
        %and3A_261 = arith.andi %lt3A_255, %le3A_260 : vector<16xi1>
        %sub3A_262 = arith.subf %get3A_244, %gather3A_256 : vector<16xf32>
        %max3A_263 = arith.constant 0.000000e+00 : f32
        %max3A_264 = vector.broadcast %max3A_263 : f32 to vector<16xf32>
        %max3A_265 = arith.maximumf %sub3A_262, %max3A_264 : vector<16xf32>
        %mul3A_266 = arith.constant -1.000000e+02 : f32
        %mul3A_267 = vector.broadcast %mul3A_266 : f32 to vector<16xf32>
        %mul3A_268 = arith.mulf %max3A_265, %mul3A_267 : vector<16xf32>
        %exp3A_269 = math.exp %mul3A_268 : vector<16xf32>
        tpu.vector_store_idx %arg17[%sub3A_252], %exp3A_269 masked %and3A_261 {add = true} : memref<5008xf32, #tpu.memory_space<vmem>>[vector<16xi32>], vector<16xf32>, vector<16xi1>
        %mul3A_270 = arith.mulf %exp3A_269, %get3A_246 : vector<16xf32>
        tpu.vector_store_idx %arg18[%sub3A_252], %mul3A_270 masked %and3A_261 {add = true} : memref<5008xf32, #tpu.memory_space<vmem>>[vector<16xi32>], vector<16xf32>, vector<16xi1>
        %mul3A_271 = arith.mulf %exp3A_269, %get3A_248 : vector<16xf32>
        tpu.vector_store_idx %arg19[%sub3A_252], %mul3A_271 masked %and3A_261 {add = true} : memref<5008xf32, #tpu.memory_space<vmem>>[vector<16xi32>], vector<16xf32>, vector<16xi1>
        %mul3A_272 = arith.mulf %exp3A_269, %get3A_250 : vector<16xf32>
        tpu.vector_store_idx %arg20[%sub3A_252], %mul3A_272 masked %and3A_261 {add = true} : memref<5008xf32, #tpu.memory_space<vmem>>[vector<16xi32>], vector<16xf32>, vector<16xi1>
        %mul3A_273 = arith.constant 128 : i32
        %mul3A_274 = arith.muli %scan3A_172, %mul3A_273 : i32
        %add3A_275 = arith.constant 48 : i32
        %add3A_276 = arith.addi %mul3A_274, %add3A_275 : i32
        %get3A_277 = arith.index_cast %add3A_276 : i32 to index
        %get3A_278 = tpu.vector_load %arg30[%get3A_277] {strides = array<i32>} : memref<4096xi32, #tpu.memory_space<vmem>>, vector<16xi32>,
        %get3A_279 = arith.index_cast %add3A_276 : i32 to index
        %get3A_280 = tpu.vector_load %arg31[%get3A_279] {strides = array<i32>} : memref<4096xf32, #tpu.memory_space<vmem>>, vector<16xf32>,
        %get3A_281 = arith.index_cast %add3A_276 : i32 to index
        %get3A_282 = tpu.vector_load %arg32[%get3A_281] {strides = array<i32>} : memref<4096xf32, #tpu.memory_space<vmem>>, vector<16xf32>,
        %get3A_283 = arith.index_cast %add3A_276 : i32 to index
        %get3A_284 = tpu.vector_load %arg33[%get3A_283] {strides = array<i32>} : memref<4096xf32, #tpu.memory_space<vmem>>, vector<16xf32>,
        %get3A_285 = arith.index_cast %add3A_276 : i32 to index
        %get3A_286 = tpu.vector_load %arg34[%get3A_285] {strides = array<i32>} : memref<4096xf32, #tpu.memory_space<vmem>>, vector<16xf32>,
        %sub3A_287 = vector.broadcast %mul3A_2 : i32 to vector<16xi32>
        %sub3A_288 = arith.subi %get3A_278, %sub3A_287 : vector<16xi32>
        %lt3A_289 = arith.constant 5000 : i32
        %lt3A_290 = vector.broadcast %lt3A_289 : i32 to vector<16xi32>
        %lt3A_291 = arith.cmpi ult, %sub3A_288, %lt3A_290 : vector<16xi32>
        %gather3A_292 = tpu.vector_load_idx %arg13[%sub3A_288] masked %lt3A_291 : memref<5008xf32, #tpu.memory_space<vmem>>[vector<16xi32>], vector<16xf32>, vector<16xi1>
        %add3A_293 = arith.constant 1.000000e-01 : f32
        %add3A_294 = vector.broadcast %add3A_293 : f32 to vector<16xf32>
        %add3A_295 = arith.addf %gather3A_292, %add3A_294 : vector<16xf32>
        %le3A_296 = arith.cmpf ole, %get3A_280, %add3A_295 : vector<16xf32>
        %and3A_297 = arith.andi %lt3A_291, %le3A_296 : vector<16xi1>
        %sub3A_298 = arith.subf %get3A_280, %gather3A_292 : vector<16xf32>
        %max3A_299 = arith.constant 0.000000e+00 : f32
        %max3A_300 = vector.broadcast %max3A_299 : f32 to vector<16xf32>
        %max3A_301 = arith.maximumf %sub3A_298, %max3A_300 : vector<16xf32>
        %mul3A_302 = arith.constant -1.000000e+02 : f32
        %mul3A_303 = vector.broadcast %mul3A_302 : f32 to vector<16xf32>
        %mul3A_304 = arith.mulf %max3A_301, %mul3A_303 : vector<16xf32>
        %exp3A_305 = math.exp %mul3A_304 : vector<16xf32>
        tpu.vector_store_idx %arg21[%sub3A_288], %exp3A_305 masked %and3A_297 {add = true} : memref<5008xf32, #tpu.memory_space<vmem>>[vector<16xi32>], vector<16xf32>, vector<16xi1>
        %mul3A_306 = arith.mulf %exp3A_305, %get3A_282 : vector<16xf32>
        tpu.vector_store_idx %arg22[%sub3A_288], %mul3A_306 masked %and3A_297 {add = true} : memref<5008xf32, #tpu.memory_space<vmem>>[vector<16xi32>], vector<16xf32>, vector<16xi1>
        %mul3A_307 = arith.mulf %exp3A_305, %get3A_284 : vector<16xf32>
        tpu.vector_store_idx %arg23[%sub3A_288], %mul3A_307 masked %and3A_297 {add = true} : memref<5008xf32, #tpu.memory_space<vmem>>[vector<16xi32>], vector<16xf32>, vector<16xi1>
        %mul3A_308 = arith.mulf %exp3A_305, %get3A_286 : vector<16xf32>
        tpu.vector_store_idx %arg24[%sub3A_288], %mul3A_308 masked %and3A_297 {add = true} : memref<5008xf32, #tpu.memory_space<vmem>>[vector<16xi32>], vector<16xf32>, vector<16xi1>
        %mul3A_309 = arith.constant 128 : i32
        %mul3A_310 = arith.muli %scan3A_172, %mul3A_309 : i32
        %add3A_311 = arith.constant 64 : i32
        %add3A_312 = arith.addi %mul3A_310, %add3A_311 : i32
        %get3A_313 = arith.index_cast %add3A_312 : i32 to index
        %get3A_314 = tpu.vector_load %arg30[%get3A_313] {strides = array<i32>} : memref<4096xi32, #tpu.memory_space<vmem>>, vector<16xi32>,
        %get3A_315 = arith.index_cast %add3A_312 : i32 to index
        %get3A_316 = tpu.vector_load %arg31[%get3A_315] {strides = array<i32>} : memref<4096xf32, #tpu.memory_space<vmem>>, vector<16xf32>,
        %get3A_317 = arith.index_cast %add3A_312 : i32 to index
        %get3A_318 = tpu.vector_load %arg32[%get3A_317] {strides = array<i32>} : memref<4096xf32, #tpu.memory_space<vmem>>, vector<16xf32>,
        %get3A_319 = arith.index_cast %add3A_312 : i32 to index
        %get3A_320 = tpu.vector_load %arg33[%get3A_319] {strides = array<i32>} : memref<4096xf32, #tpu.memory_space<vmem>>, vector<16xf32>,
        %get3A_321 = arith.index_cast %add3A_312 : i32 to index
        %get3A_322 = tpu.vector_load %arg34[%get3A_321] {strides = array<i32>} : memref<4096xf32, #tpu.memory_space<vmem>>, vector<16xf32>,
        %sub3A_323 = vector.broadcast %mul3A_2 : i32 to vector<16xi32>
        %sub3A_324 = arith.subi %get3A_314, %sub3A_323 : vector<16xi32>
        %lt3A_325 = arith.constant 5000 : i32
        %lt3A_326 = vector.broadcast %lt3A_325 : i32 to vector<16xi32>
        %lt3A_327 = arith.cmpi ult, %sub3A_324, %lt3A_326 : vector<16xi32>
        %gather3A_328 = tpu.vector_load_idx %arg13[%sub3A_324] masked %lt3A_327 : memref<5008xf32, #tpu.memory_space<vmem>>[vector<16xi32>], vector<16xf32>, vector<16xi1>
        %add3A_329 = arith.constant 1.000000e-01 : f32
        %add3A_330 = vector.broadcast %add3A_329 : f32 to vector<16xf32>
        %add3A_331 = arith.addf %gather3A_328, %add3A_330 : vector<16xf32>
        %le3A_332 = arith.cmpf ole, %get3A_316, %add3A_331 : vector<16xf32>
        %and3A_333 = arith.andi %lt3A_327, %le3A_332 : vector<16xi1>
        %sub3A_334 = arith.subf %get3A_316, %gather3A_328 : vector<16xf32>
        %max3A_335 = arith.constant 0.000000e+00 : f32
        %max3A_336 = vector.broadcast %max3A_335 : f32 to vector<16xf32>
        %max3A_337 = arith.maximumf %sub3A_334, %max3A_336 : vector<16xf32>
        %mul3A_338 = arith.constant -1.000000e+02 : f32
        %mul3A_339 = vector.broadcast %mul3A_338 : f32 to vector<16xf32>
        %mul3A_340 = arith.mulf %max3A_337, %mul3A_339 : vector<16xf32>
        %exp3A_341 = math.exp %mul3A_340 : vector<16xf32>
        tpu.vector_store_idx %arg17[%sub3A_324], %exp3A_341 masked %and3A_333 {add = true} : memref<5008xf32, #tpu.memory_space<vmem>>[vector<16xi32>], vector<16xf32>, vector<16xi1>
        %mul3A_342 = arith.mulf %exp3A_341, %get3A_318 : vector<16xf32>
        tpu.vector_store_idx %arg18[%sub3A_324], %mul3A_342 masked %and3A_333 {add = true} : memref<5008xf32, #tpu.memory_space<vmem>>[vector<16xi32>], vector<16xf32>, vector<16xi1>
        %mul3A_343 = arith.mulf %exp3A_341, %get3A_320 : vector<16xf32>
        tpu.vector_store_idx %arg19[%sub3A_324], %mul3A_343 masked %and3A_333 {add = true} : memref<5008xf32, #tpu.memory_space<vmem>>[vector<16xi32>], vector<16xf32>, vector<16xi1>
        %mul3A_344 = arith.mulf %exp3A_341, %get3A_322 : vector<16xf32>
        tpu.vector_store_idx %arg20[%sub3A_324], %mul3A_344 masked %and3A_333 {add = true} : memref<5008xf32, #tpu.memory_space<vmem>>[vector<16xi32>], vector<16xf32>, vector<16xi1>
        %mul3A_345 = arith.constant 128 : i32
        %mul3A_346 = arith.muli %scan3A_172, %mul3A_345 : i32
        %add3A_347 = arith.constant 80 : i32
        %add3A_348 = arith.addi %mul3A_346, %add3A_347 : i32
        %get3A_349 = arith.index_cast %add3A_348 : i32 to index
        %get3A_350 = tpu.vector_load %arg30[%get3A_349] {strides = array<i32>} : memref<4096xi32, #tpu.memory_space<vmem>>, vector<16xi32>,
        %get3A_351 = arith.index_cast %add3A_348 : i32 to index
        %get3A_352 = tpu.vector_load %arg31[%get3A_351] {strides = array<i32>} : memref<4096xf32, #tpu.memory_space<vmem>>, vector<16xf32>,
        %get3A_353 = arith.index_cast %add3A_348 : i32 to index
        %get3A_354 = tpu.vector_load %arg32[%get3A_353] {strides = array<i32>} : memref<4096xf32, #tpu.memory_space<vmem>>, vector<16xf32>,
        %get3A_355 = arith.index_cast %add3A_348 : i32 to index
        %get3A_356 = tpu.vector_load %arg33[%get3A_355] {strides = array<i32>} : memref<4096xf32, #tpu.memory_space<vmem>>, vector<16xf32>,
        %get3A_357 = arith.index_cast %add3A_348 : i32 to index
        %get3A_358 = tpu.vector_load %arg34[%get3A_357] {strides = array<i32>} : memref<4096xf32, #tpu.memory_space<vmem>>, vector<16xf32>,
        %sub3A_359 = vector.broadcast %mul3A_2 : i32 to vector<16xi32>
        %sub3A_360 = arith.subi %get3A_350, %sub3A_359 : vector<16xi32>
        %lt3A_361 = arith.constant 5000 : i32
        %lt3A_362 = vector.broadcast %lt3A_361 : i32 to vector<16xi32>
        %lt3A_363 = arith.cmpi ult, %sub3A_360, %lt3A_362 : vector<16xi32>
        %gather3A_364 = tpu.vector_load_idx %arg13[%sub3A_360] masked %lt3A_363 : memref<5008xf32, #tpu.memory_space<vmem>>[vector<16xi32>], vector<16xf32>, vector<16xi1>
        %add3A_365 = arith.constant 1.000000e-01 : f32
        %add3A_366 = vector.broadcast %add3A_365 : f32 to vector<16xf32>
        %add3A_367 = arith.addf %gather3A_364, %add3A_366 : vector<16xf32>
        %le3A_368 = arith.cmpf ole, %get3A_352, %add3A_367 : vector<16xf32>
        %and3A_369 = arith.andi %lt3A_363, %le3A_368 : vector<16xi1>
        %sub3A_370 = arith.subf %get3A_352, %gather3A_364 : vector<16xf32>
        %max3A_371 = arith.constant 0.000000e+00 : f32
        %max3A_372 = vector.broadcast %max3A_371 : f32 to vector<16xf32>
        %max3A_373 = arith.maximumf %sub3A_370, %max3A_372 : vector<16xf32>
        %mul3A_374 = arith.constant -1.000000e+02 : f32
        %mul3A_375 = vector.broadcast %mul3A_374 : f32 to vector<16xf32>
        %mul3A_376 = arith.mulf %max3A_373, %mul3A_375 : vector<16xf32>
        %exp3A_377 = math.exp %mul3A_376 : vector<16xf32>
        tpu.vector_store_idx %arg21[%sub3A_360], %exp3A_377 masked %and3A_369 {add = true} : memref<5008xf32, #tpu.memory_space<vmem>>[vector<16xi32>], vector<16xf32>, vector<16xi1>
        %mul3A_378 = arith.mulf %exp3A_377, %get3A_354 : vector<16xf32>
        tpu.vector_store_idx %arg22[%sub3A_360], %mul3A_378 masked %and3A_369 {add = true} : memref<5008xf32, #tpu.memory_space<vmem>>[vector<16xi32>], vector<16xf32>, vector<16xi1>
        %mul3A_379 = arith.mulf %exp3A_377, %get3A_356 : vector<16xf32>
        tpu.vector_store_idx %arg23[%sub3A_360], %mul3A_379 masked %and3A_369 {add = true} : memref<5008xf32, #tpu.memory_space<vmem>>[vector<16xi32>], vector<16xf32>, vector<16xi1>
        %mul3A_380 = arith.mulf %exp3A_377, %get3A_358 : vector<16xf32>
        tpu.vector_store_idx %arg24[%sub3A_360], %mul3A_380 masked %and3A_369 {add = true} : memref<5008xf32, #tpu.memory_space<vmem>>[vector<16xi32>], vector<16xf32>, vector<16xi1>
        %mul3A_381 = arith.constant 128 : i32
        %mul3A_382 = arith.muli %scan3A_172, %mul3A_381 : i32
        %add3A_383 = arith.constant 96 : i32
        %add3A_384 = arith.addi %mul3A_382, %add3A_383 : i32
        %get3A_385 = arith.index_cast %add3A_384 : i32 to index
        %get3A_386 = tpu.vector_load %arg30[%get3A_385] {strides = array<i32>} : memref<4096xi32, #tpu.memory_space<vmem>>, vector<16xi32>,
        %get3A_387 = arith.index_cast %add3A_384 : i32 to index
        %get3A_388 = tpu.vector_load %arg31[%get3A_387] {strides = array<i32>} : memref<4096xf32, #tpu.memory_space<vmem>>, vector<16xf32>,
        %get3A_389 = arith.index_cast %add3A_384 : i32 to index
        %get3A_390 = tpu.vector_load %arg32[%get3A_389] {strides = array<i32>} : memref<4096xf32, #tpu.memory_space<vmem>>, vector<16xf32>,
        %get3A_391 = arith.index_cast %add3A_384 : i32 to index
        %get3A_392 = tpu.vector_load %arg33[%get3A_391] {strides = array<i32>} : memref<4096xf32, #tpu.memory_space<vmem>>, vector<16xf32>,
        %get3A_393 = arith.index_cast %add3A_384 : i32 to index
        %get3A_394 = tpu.vector_load %arg34[%get3A_393] {strides = array<i32>} : memref<4096xf32, #tpu.memory_space<vmem>>, vector<16xf32>,
        %sub3A_395 = vector.broadcast %mul3A_2 : i32 to vector<16xi32>
        %sub3A_396 = arith.subi %get3A_386, %sub3A_395 : vector<16xi32>
        %lt3A_397 = arith.constant 5000 : i32
        %lt3A_398 = vector.broadcast %lt3A_397 : i32 to vector<16xi32>
        %lt3A_399 = arith.cmpi ult, %sub3A_396, %lt3A_398 : vector<16xi32>
        %gather3A_400 = tpu.vector_load_idx %arg13[%sub3A_396] masked %lt3A_399 : memref<5008xf32, #tpu.memory_space<vmem>>[vector<16xi32>], vector<16xf32>, vector<16xi1>
        %add3A_401 = arith.constant 1.000000e-01 : f32
        %add3A_402 = vector.broadcast %add3A_401 : f32 to vector<16xf32>
        %add3A_403 = arith.addf %gather3A_400, %add3A_402 : vector<16xf32>
        %le3A_404 = arith.cmpf ole, %get3A_388, %add3A_403 : vector<16xf32>
        %and3A_405 = arith.andi %lt3A_399, %le3A_404 : vector<16xi1>
        %sub3A_406 = arith.subf %get3A_388, %gather3A_400 : vector<16xf32>
        %max3A_407 = arith.constant 0.000000e+00 : f32
        %max3A_408 = vector.broadcast %max3A_407 : f32 to vector<16xf32>
        %max3A_409 = arith.maximumf %sub3A_406, %max3A_408 : vector<16xf32>
        %mul3A_410 = arith.constant -1.000000e+02 : f32
        %mul3A_411 = vector.broadcast %mul3A_410 : f32 to vector<16xf32>
        %mul3A_412 = arith.mulf %max3A_409, %mul3A_411 : vector<16xf32>
        %exp3A_413 = math.exp %mul3A_412 : vector<16xf32>
        tpu.vector_store_idx %arg17[%sub3A_396], %exp3A_413 masked %and3A_405 {add = true} : memref<5008xf32, #tpu.memory_space<vmem>>[vector<16xi32>], vector<16xf32>, vector<16xi1>
        %mul3A_414 = arith.mulf %exp3A_413, %get3A_390 : vector<16xf32>
        tpu.vector_store_idx %arg18[%sub3A_396], %mul3A_414 masked %and3A_405 {add = true} : memref<5008xf32, #tpu.memory_space<vmem>>[vector<16xi32>], vector<16xf32>, vector<16xi1>
        %mul3A_415 = arith.mulf %exp3A_413, %get3A_392 : vector<16xf32>
        tpu.vector_store_idx %arg19[%sub3A_396], %mul3A_415 masked %and3A_405 {add = true} : memref<5008xf32, #tpu.memory_space<vmem>>[vector<16xi32>], vector<16xf32>, vector<16xi1>
        %mul3A_416 = arith.mulf %exp3A_413, %get3A_394 : vector<16xf32>
        tpu.vector_store_idx %arg20[%sub3A_396], %mul3A_416 masked %and3A_405 {add = true} : memref<5008xf32, #tpu.memory_space<vmem>>[vector<16xi32>], vector<16xf32>, vector<16xi1>
        %mul3A_417 = arith.constant 128 : i32
        %mul3A_418 = arith.muli %scan3A_172, %mul3A_417 : i32
        %add3A_419 = arith.constant 112 : i32
        %add3A_420 = arith.addi %mul3A_418, %add3A_419 : i32
        %get3A_421 = arith.index_cast %add3A_420 : i32 to index
        %get3A_422 = tpu.vector_load %arg30[%get3A_421] {strides = array<i32>} : memref<4096xi32, #tpu.memory_space<vmem>>, vector<16xi32>,
        %get3A_423 = arith.index_cast %add3A_420 : i32 to index
        %get3A_424 = tpu.vector_load %arg31[%get3A_423] {strides = array<i32>} : memref<4096xf32, #tpu.memory_space<vmem>>, vector<16xf32>,
        %get3A_425 = arith.index_cast %add3A_420 : i32 to index
        %get3A_426 = tpu.vector_load %arg32[%get3A_425] {strides = array<i32>} : memref<4096xf32, #tpu.memory_space<vmem>>, vector<16xf32>,
        %get3A_427 = arith.index_cast %add3A_420 : i32 to index
        %get3A_428 = tpu.vector_load %arg33[%get3A_427] {strides = array<i32>} : memref<4096xf32, #tpu.memory_space<vmem>>, vector<16xf32>,
        %get3A_429 = arith.index_cast %add3A_420 : i32 to index
        %get3A_430 = tpu.vector_load %arg34[%get3A_429] {strides = array<i32>} : memref<4096xf32, #tpu.memory_space<vmem>>, vector<16xf32>,
        %sub3A_431 = vector.broadcast %mul3A_2 : i32 to vector<16xi32>
        %sub3A_432 = arith.subi %get3A_422, %sub3A_431 : vector<16xi32>
        %lt3A_433 = arith.constant 5000 : i32
        %lt3A_434 = vector.broadcast %lt3A_433 : i32 to vector<16xi32>
        %lt3A_435 = arith.cmpi ult, %sub3A_432, %lt3A_434 : vector<16xi32>
        %gather3A_436 = tpu.vector_load_idx %arg13[%sub3A_432] masked %lt3A_435 : memref<5008xf32, #tpu.memory_space<vmem>>[vector<16xi32>], vector<16xf32>, vector<16xi1>
        %add3A_437 = arith.constant 1.000000e-01 : f32
        %add3A_438 = vector.broadcast %add3A_437 : f32 to vector<16xf32>
        %add3A_439 = arith.addf %gather3A_436, %add3A_438 : vector<16xf32>
        %le3A_440 = arith.cmpf ole, %get3A_424, %add3A_439 : vector<16xf32>
        %and3A_441 = arith.andi %lt3A_435, %le3A_440 : vector<16xi1>
        %sub3A_442 = arith.subf %get3A_424, %gather3A_436 : vector<16xf32>
        %max3A_443 = arith.constant 0.000000e+00 : f32
        %max3A_444 = vector.broadcast %max3A_443 : f32 to vector<16xf32>
        %max3A_445 = arith.maximumf %sub3A_442, %max3A_444 : vector<16xf32>
        %mul3A_446 = arith.constant -1.000000e+02 : f32
        %mul3A_447 = vector.broadcast %mul3A_446 : f32 to vector<16xf32>
        %mul3A_448 = arith.mulf %max3A_445, %mul3A_447 : vector<16xf32>
        %exp3A_449 = math.exp %mul3A_448 : vector<16xf32>
        tpu.vector_store_idx %arg21[%sub3A_432], %exp3A_449 masked %and3A_441 {add = true} : memref<5008xf32, #tpu.memory_space<vmem>>[vector<16xi32>], vector<16xf32>, vector<16xi1>
        %mul3A_450 = arith.mulf %exp3A_449, %get3A_426 : vector<16xf32>
        tpu.vector_store_idx %arg22[%sub3A_432], %mul3A_450 masked %and3A_441 {add = true} : memref<5008xf32, #tpu.memory_space<vmem>>[vector<16xi32>], vector<16xf32>, vector<16xi1>
        %mul3A_451 = arith.mulf %exp3A_449, %get3A_428 : vector<16xf32>
        tpu.vector_store_idx %arg23[%sub3A_432], %mul3A_451 masked %and3A_441 {add = true} : memref<5008xf32, #tpu.memory_space<vmem>>[vector<16xi32>], vector<16xf32>, vector<16xi1>
        %mul3A_452 = arith.mulf %exp3A_449, %get3A_430 : vector<16xf32>
        tpu.vector_store_idx %arg24[%sub3A_432], %mul3A_452 masked %and3A_441 {add = true} : memref<5008xf32, #tpu.memory_space<vmem>>[vector<16xi32>], vector<16xf32>, vector<16xi1>
      }
      %scan3A_171 = arith.constant 32 : i32
    }
    %scan3A_59 = arith.constant 62 : i32
    %dma_wait3A_60 = arith.constant 0 : i32
    %dma_wait3A_61 = tpu.memref_slice %arg2[%dma_wait3A_60] : memref<507904xi32, #tpu.memory_space<hbm>> -> memref<4096xi32, #tpu.memory_space<hbm>>
    %dma_wait3A_62 = arith.constant 0 : i32
    %dma_wait3A_63 = tpu.memref_slice %arg2[%dma_wait3A_62] : memref<507904xi32, #tpu.memory_space<hbm>> -> memref<4096xi32, #tpu.memory_space<hbm>>
    tpu.wait_dma2 semaphore(%arg35 : memref<!tpu.dma_semaphore, #tpu.memory_space<semaphore_mem>>) src(%dma_wait3A_63 : memref<4096xi32, #tpu.memory_space<hbm>>) dst(%arg25 : memref<4096xi32, #tpu.memory_space<vmem>>)
    %dma_wait3A_64 = arith.constant 0 : i32
    %dma_wait3A_65 = tpu.memref_slice %arg4[%dma_wait3A_64] : memref<507904xf32, #tpu.memory_space<hbm>> -> memref<4096xf32, #tpu.memory_space<hbm>>
    %dma_wait3A_66 = arith.constant 0 : i32
    %dma_wait3A_67 = tpu.memref_slice %arg4[%dma_wait3A_66] : memref<507904xf32, #tpu.memory_space<hbm>> -> memref<4096xf32, #tpu.memory_space<hbm>>
    tpu.wait_dma2 semaphore(%arg36 : memref<!tpu.dma_semaphore, #tpu.memory_space<semaphore_mem>>) src(%dma_wait3A_67 : memref<4096xf32, #tpu.memory_space<hbm>>) dst(%arg26 : memref<4096xf32, #tpu.memory_space<vmem>>)
    %dma_wait3A_68 = arith.constant 0 : i32
    %dma_wait3A_69 = tpu.memref_slice %arg5[%dma_wait3A_68] : memref<507904xf32, #tpu.memory_space<hbm>> -> memref<4096xf32, #tpu.memory_space<hbm>>
    %dma_wait3A_70 = arith.constant 0 : i32
    %dma_wait3A_71 = tpu.memref_slice %arg5[%dma_wait3A_70] : memref<507904xf32, #tpu.memory_space<hbm>> -> memref<4096xf32, #tpu.memory_space<hbm>>
    tpu.wait_dma2 semaphore(%arg37 : memref<!tpu.dma_semaphore, #tpu.memory_space<semaphore_mem>>) src(%dma_wait3A_71 : memref<4096xf32, #tpu.memory_space<hbm>>) dst(%arg27 : memref<4096xf32, #tpu.memory_space<vmem>>)
    %dma_wait3A_72 = arith.constant 0 : i32
    %dma_wait3A_73 = tpu.memref_slice %arg6[%dma_wait3A_72] : memref<507904xf32, #tpu.memory_space<hbm>> -> memref<4096xf32, #tpu.memory_space<hbm>>
    %dma_wait3A_74 = arith.constant 0 : i32
    %dma_wait3A_75 = tpu.memref_slice %arg6[%dma_wait3A_74] : memref<507904xf32, #tpu.memory_space<hbm>> -> memref<4096xf32, #tpu.memory_space<hbm>>
    tpu.wait_dma2 semaphore(%arg38 : memref<!tpu.dma_semaphore, #tpu.memory_space<semaphore_mem>>) src(%dma_wait3A_75 : memref<4096xf32, #tpu.memory_space<hbm>>) dst(%arg28 : memref<4096xf32, #tpu.memory_space<vmem>>)
    %dma_wait3A_76 = arith.constant 0 : i32
    %dma_wait3A_77 = tpu.memref_slice %arg7[%dma_wait3A_76] : memref<507904xf32, #tpu.memory_space<hbm>> -> memref<4096xf32, #tpu.memory_space<hbm>>
    %dma_wait3A_78 = arith.constant 0 : i32
    %dma_wait3A_79 = tpu.memref_slice %arg7[%dma_wait3A_78] : memref<507904xf32, #tpu.memory_space<hbm>> -> memref<4096xf32, #tpu.memory_space<hbm>>
    tpu.wait_dma2 semaphore(%arg39 : memref<!tpu.dma_semaphore, #tpu.memory_space<semaphore_mem>>) src(%dma_wait3A_79 : memref<4096xf32, #tpu.memory_space<hbm>>) dst(%arg29 : memref<4096xf32, #tpu.memory_space<vmem>>)
    %scan3A_80 = arith.constant 0 : i32
    %scan3A_81 = arith.constant 0 : i32
    %scan3A_82 = arith.constant 313 : i32
    %scan3A_83 = arith.addi %scan3A_81, %scan3A_82 : i32
    %scan3A_84 = arith.constant 1 : i32
    scf.for %scan3A_86 = %scan3A_81 to %scan3A_83 step %scan3A_84  : i32 {
      %mul3A_87 = arith.constant 16 : i32
      %mul3A_88 = arith.muli %scan3A_86, %mul3A_87 : i32
      %get3A = arith.index_cast %mul3A_88 : i32 to index
      %get3A_89 = tpu.vector_load %arg17[%get3A] {strides = array<i32>} : memref<5008xf32, #tpu.memory_space<vmem>>, vector<16xf32>,
      %get3A_90 = arith.index_cast %mul3A_88 : i32 to index
      %get3A_91 = tpu.vector_load %arg21[%get3A_90] {strides = array<i32>} : memref<5008xf32, #tpu.memory_space<vmem>>, vector<16xf32>,
      %add3A_92 = arith.addf %get3A_89, %get3A_91 : vector<16xf32>
      %get3A_93 = arith.index_cast %mul3A_88 : i32 to index
      %get3A_94 = tpu.vector_load %arg13[%get3A_93] {strides = array<i32>} : memref<5008xf32, #tpu.memory_space<vmem>>, vector<16xf32>,
      %add3A_95 = arith.constant 9.99999993E-9 : f32
      %add3A_96 = vector.broadcast %add3A_95 : f32 to vector<16xf32>
      %add3A_97 = arith.addf %add3A_92, %add3A_96 : vector<16xf32>
      %div3A = arith.constant 1.000000e+00 : f32
      %div3A_98 = vector.broadcast %div3A : f32 to vector<16xf32>
      %div3A_99 = arith.divf %div3A_98, %add3A_97 : vector<16xf32>
      %get3A_100 = arith.index_cast %mul3A_88 : i32 to index
      %get3A_101 = tpu.vector_load %arg18[%get3A_100] {strides = array<i32>} : memref<5008xf32, #tpu.memory_space<vmem>>, vector<16xf32>,
      %get3A_102 = arith.index_cast %mul3A_88 : i32 to index
      %get3A_103 = tpu.vector_load %arg22[%get3A_102] {strides = array<i32>} : memref<5008xf32, #tpu.memory_space<vmem>>, vector<16xf32>,
      %add3A_104 = arith.addf %get3A_101, %get3A_103 : vector<16xf32>
      %mul3A_105 = arith.mulf %add3A_104, %div3A_99 : vector<16xf32>
      %jit3A = arith.constant 0.000000e+00 : f32
      %jit3A_106 = arith.constant 1.000000e+00 : f32
      %max3A = vector.broadcast %jit3A : f32 to vector<16xf32>
      %max3A_107 = arith.maximumf %max3A, %mul3A_105 : vector<16xf32>
      %min3A = vector.broadcast %jit3A_106 : f32 to vector<16xf32>
      %min3A_108 = arith.minimumf %min3A, %max3A_107 : vector<16xf32>
      %swap3A = arith.index_cast %mul3A_88 : i32 to index
      %swap3A_109 = tpu.vector_load %arg18[%swap3A] {strides = array<i32>} : memref<5008xf32, #tpu.memory_space<vmem>>, vector<16xf32>,
      tpu.vector_store %arg18[%swap3A], %min3A_108 {strides = array<i32>} : memref<5008xf32, #tpu.memory_space<vmem>>, vector<16xf32>,
      %get3A_110 = arith.index_cast %mul3A_88 : i32 to index
      %get3A_111 = tpu.vector_load %arg19[%get3A_110] {strides = array<i32>} : memref<5008xf32, #tpu.memory_space<vmem>>, vector<16xf32>,
      %get3A_112 = arith.index_cast %mul3A_88 : i32 to index
      %get3A_113 = tpu.vector_load %arg23[%get3A_112] {strides = array<i32>} : memref<5008xf32, #tpu.memory_space<vmem>>, vector<16xf32>,
      %add3A_114 = arith.addf %get3A_111, %get3A_113 : vector<16xf32>
      %mul3A_115 = arith.mulf %add3A_114, %div3A_99 : vector<16xf32>
      %jit3A_116 = arith.constant 0.000000e+00 : f32
      %jit3A_117 = arith.constant 1.000000e+00 : f32
      %max3A_118 = vector.broadcast %jit3A_116 : f32 to vector<16xf32>
      %max3A_119 = arith.maximumf %max3A_118, %mul3A_115 : vector<16xf32>
      %min3A_120 = vector.broadcast %jit3A_117 : f32 to vector<16xf32>
      %min3A_121 = arith.minimumf %min3A_120, %max3A_119 : vector<16xf32>
      %swap3A_122 = arith.index_cast %mul3A_88 : i32 to index
      %swap3A_123 = tpu.vector_load %arg19[%swap3A_122] {strides = array<i32>} : memref<5008xf32, #tpu.memory_space<vmem>>, vector<16xf32>,
      tpu.vector_store %arg19[%swap3A_122], %min3A_121 {strides = array<i32>} : memref<5008xf32, #tpu.memory_space<vmem>>, vector<16xf32>,
      %get3A_124 = arith.index_cast %mul3A_88 : i32 to index
      %get3A_125 = tpu.vector_load %arg20[%get3A_124] {strides = array<i32>} : memref<5008xf32, #tpu.memory_space<vmem>>, vector<16xf32>,
      %get3A_126 = arith.index_cast %mul3A_88 : i32 to index
      %get3A_127 = tpu.vector_load %arg24[%get3A_126] {strides = array<i32>} : memref<5008xf32, #tpu.memory_space<vmem>>, vector<16xf32>,
      %add3A_128 = arith.addf %get3A_125, %get3A_127 : vector<16xf32>
      %mul3A_129 = arith.mulf %add3A_128, %div3A_99 : vector<16xf32>
      %jit3A_130 = arith.constant 0.000000e+00 : f32
      %jit3A_131 = arith.constant 1.000000e+00 : f32
      %max3A_132 = vector.broadcast %jit3A_130 : f32 to vector<16xf32>
      %max3A_133 = arith.maximumf %max3A_132, %mul3A_129 : vector<16xf32>
      %min3A_134 = vector.broadcast %jit3A_131 : f32 to vector<16xf32>
      %min3A_135 = arith.minimumf %min3A_134, %max3A_133 : vector<16xf32>
      %swap3A_136 = arith.index_cast %mul3A_88 : i32 to index
      %swap3A_137 = tpu.vector_load %arg20[%swap3A_136] {strides = array<i32>} : memref<5008xf32, #tpu.memory_space<vmem>>, vector<16xf32>,
      tpu.vector_store %arg20[%swap3A_136], %min3A_135 {strides = array<i32>} : memref<5008xf32, #tpu.memory_space<vmem>>, vector<16xf32>,
      %gt3A = arith.constant 0.000000e+00 : f32
      %gt3A_138 = vector.broadcast %gt3A : f32 to vector<16xf32>
      %gt3A_139 = arith.cmpf ogt, %add3A_92, %gt3A_138 : vector<16xf32>
      %jit3A_140 = arith.constant 1.000000e+00 : f32
      %jit3A_141 = arith.constant 0.000000e+00 : f32
      %broadcast_in_dim3A = vector.broadcast %jit3A_140 : f32 to vector<16xf32>
      %broadcast_in_dim3A_142 = vector.broadcast %jit3A_141 : f32 to vector<16xf32>
      %select_n3A = arith.select %gt3A_139, %broadcast_in_dim3A, %broadcast_in_dim3A_142 : vector<16xi1>, vector<16xf32>
      %swap3A_143 = arith.index_cast %mul3A_88 : i32 to index
      %swap3A_144 = tpu.vector_load %arg17[%swap3A_143] {strides = array<i32>} : memref<5008xf32, #tpu.memory_space<vmem>>, vector<16xf32>,
      tpu.vector_store %arg17[%swap3A_143], %select_n3A {strides = array<i32>} : memref<5008xf32, #tpu.memory_space<vmem>>, vector<16xf32>,
      %eq3A = arith.constant 0x7F800000 : f32
      %eq3A_145 = vector.broadcast %eq3A : f32 to vector<16xf32>
      %eq3A_146 = arith.cmpf oeq, %get3A_94, %eq3A_145 : vector<16xf32>
      %jit3A_147 = arith.constant 0.000000e+00 : f32
      %broadcast_in_dim3A_148 = vector.broadcast %jit3A_147 : f32 to vector<16xf32>
      %select_n3A_149 = arith.select %eq3A_146, %broadcast_in_dim3A_148, %get3A_94 : vector<16xi1>, vector<16xf32>
      %swap3A_150 = arith.index_cast %mul3A_88 : i32 to index
      %swap3A_151 = tpu.vector_load %arg13[%swap3A_150] {strides = array<i32>} : memref<5008xf32, #tpu.memory_space<vmem>>, vector<16xf32>,
      tpu.vector_store %arg13[%swap3A_150], %select_n3A_149 {strides = array<i32>} : memref<5008xf32, #tpu.memory_space<vmem>>, vector<16xf32>,
    }
    %scan3A_85 = arith.constant 313 : i32
    "tpu.region"() ({
      %run_scoped3A = tpu.sem_alloc : memref<!tpu.dma_semaphore, #tpu.memory_space<semaphore_mem>>
      %dma_start3A_86 = arith.constant 0 : i32
      %dma_start3A_87 = tpu.memref_slice %arg18[%dma_start3A_86] : memref<5008xf32, #tpu.memory_space<vmem>> -> memref<5000xf32, #tpu.memory_space<vmem>>
      %dma_start3A_88 = tpu.memref_slice %arg8[%mul3A_2] : memref<160000xf32, #tpu.memory_space<hbm>> -> memref<5000xf32, #tpu.memory_space<hbm>>
      %dma_start3A_89 = tpu.memref_slice %arg8[%mul3A_2] : memref<160000xf32, #tpu.memory_space<hbm>> -> memref<5000xf32, #tpu.memory_space<hbm>>
      %dma_start3A_90 = arith.constant 0 : i32
      %dma_start3A_91 = tpu.memref_slice %arg18[%dma_start3A_90] : memref<5008xf32, #tpu.memory_space<vmem>> -> memref<5000xf32, #tpu.memory_space<vmem>>
      tpu.enqueue_dma source(%dma_start3A_91 : memref<5000xf32, #tpu.memory_space<vmem>>) target(%dma_start3A_89 : memref<5000xf32, #tpu.memory_space<hbm>>) target_semaphore(%run_scoped3A : memref<!tpu.dma_semaphore, #tpu.memory_space<semaphore_mem>>)
      %dma_wait3A_92 = arith.constant 0 : i32
      %dma_wait3A_93 = tpu.memref_slice %arg18[%dma_wait3A_92] : memref<5008xf32, #tpu.memory_space<vmem>> -> memref<5000xf32, #tpu.memory_space<vmem>>
      %dma_wait3A_94 = tpu.memref_slice %arg8[%mul3A_2] : memref<160000xf32, #tpu.memory_space<hbm>> -> memref<5000xf32, #tpu.memory_space<hbm>>
      %dma_wait3A_95 = tpu.memref_slice %arg8[%mul3A_2] : memref<160000xf32, #tpu.memory_space<hbm>> -> memref<5000xf32, #tpu.memory_space<hbm>>
      %dma_wait3A_96 = arith.constant 0 : i32
      %dma_wait3A_97 = tpu.memref_slice %arg18[%dma_wait3A_96] : memref<5008xf32, #tpu.memory_space<vmem>> -> memref<5000xf32, #tpu.memory_space<vmem>>
      tpu.wait_dma2 semaphore(%run_scoped3A : memref<!tpu.dma_semaphore, #tpu.memory_space<semaphore_mem>>) src(%dma_wait3A_97 : memref<5000xf32, #tpu.memory_space<vmem>>) dst(%dma_wait3A_95 : memref<5000xf32, #tpu.memory_space<hbm>>)
      tpu.yield
    }) : () -> ()
    "tpu.region"() ({
      %run_scoped3A = tpu.sem_alloc : memref<!tpu.dma_semaphore, #tpu.memory_space<semaphore_mem>>
      %dma_start3A_86 = arith.constant 0 : i32
      %dma_start3A_87 = tpu.memref_slice %arg19[%dma_start3A_86] : memref<5008xf32, #tpu.memory_space<vmem>> -> memref<5000xf32, #tpu.memory_space<vmem>>
      %dma_start3A_88 = tpu.memref_slice %arg9[%mul3A_2] : memref<160000xf32, #tpu.memory_space<hbm>> -> memref<5000xf32, #tpu.memory_space<hbm>>
      %dma_start3A_89 = tpu.memref_slice %arg9[%mul3A_2] : memref<160000xf32, #tpu.memory_space<hbm>> -> memref<5000xf32, #tpu.memory_space<hbm>>
      %dma_start3A_90 = arith.constant 0 : i32
      %dma_start3A_91 = tpu.memref_slice %arg19[%dma_start3A_90] : memref<5008xf32, #tpu.memory_space<vmem>> -> memref<5000xf32, #tpu.memory_space<vmem>>
      tpu.enqueue_dma source(%dma_start3A_91 : memref<5000xf32, #tpu.memory_space<vmem>>) target(%dma_start3A_89 : memref<5000xf32, #tpu.memory_space<hbm>>) target_semaphore(%run_scoped3A : memref<!tpu.dma_semaphore, #tpu.memory_space<semaphore_mem>>)
      %dma_wait3A_92 = arith.constant 0 : i32
      %dma_wait3A_93 = tpu.memref_slice %arg19[%dma_wait3A_92] : memref<5008xf32, #tpu.memory_space<vmem>> -> memref<5000xf32, #tpu.memory_space<vmem>>
      %dma_wait3A_94 = tpu.memref_slice %arg9[%mul3A_2] : memref<160000xf32, #tpu.memory_space<hbm>> -> memref<5000xf32, #tpu.memory_space<hbm>>
      %dma_wait3A_95 = tpu.memref_slice %arg9[%mul3A_2] : memref<160000xf32, #tpu.memory_space<hbm>> -> memref<5000xf32, #tpu.memory_space<hbm>>
      %dma_wait3A_96 = arith.constant 0 : i32
      %dma_wait3A_97 = tpu.memref_slice %arg19[%dma_wait3A_96] : memref<5008xf32, #tpu.memory_space<vmem>> -> memref<5000xf32, #tpu.memory_space<vmem>>
      tpu.wait_dma2 semaphore(%run_scoped3A : memref<!tpu.dma_semaphore, #tpu.memory_space<semaphore_mem>>) src(%dma_wait3A_97 : memref<5000xf32, #tpu.memory_space<vmem>>) dst(%dma_wait3A_95 : memref<5000xf32, #tpu.memory_space<hbm>>)
      tpu.yield
    }) : () -> ()
    "tpu.region"() ({
      %run_scoped3A = tpu.sem_alloc : memref<!tpu.dma_semaphore, #tpu.memory_space<semaphore_mem>>
      %dma_start3A_86 = arith.constant 0 : i32
      %dma_start3A_87 = tpu.memref_slice %arg20[%dma_start3A_86] : memref<5008xf32, #tpu.memory_space<vmem>> -> memref<5000xf32, #tpu.memory_space<vmem>>
      %dma_start3A_88 = tpu.memref_slice %arg10[%mul3A_2] : memref<160000xf32, #tpu.memory_space<hbm>> -> memref<5000xf32, #tpu.memory_space<hbm>>
      %dma_start3A_89 = tpu.memref_slice %arg10[%mul3A_2] : memref<160000xf32, #tpu.memory_space<hbm>> -> memref<5000xf32, #tpu.memory_space<hbm>>
      %dma_start3A_90 = arith.constant 0 : i32
      %dma_start3A_91 = tpu.memref_slice %arg20[%dma_start3A_90] : memref<5008xf32, #tpu.memory_space<vmem>> -> memref<5000xf32, #tpu.memory_space<vmem>>
      tpu.enqueue_dma source(%dma_start3A_91 : memref<5000xf32, #tpu.memory_space<vmem>>) target(%dma_start3A_89 : memref<5000xf32, #tpu.memory_space<hbm>>) target_semaphore(%run_scoped3A : memref<!tpu.dma_semaphore, #tpu.memory_space<semaphore_mem>>)
      %dma_wait3A_92 = arith.constant 0 : i32
      %dma_wait3A_93 = tpu.memref_slice %arg20[%dma_wait3A_92] : memref<5008xf32, #tpu.memory_space<vmem>> -> memref<5000xf32, #tpu.memory_space<vmem>>
      %dma_wait3A_94 = tpu.memref_slice %arg10[%mul3A_2] : memref<160000xf32, #tpu.memory_space<hbm>> -> memref<5000xf32, #tpu.memory_space<hbm>>
      %dma_wait3A_95 = tpu.memref_slice %arg10[%mul3A_2] : memref<160000xf32, #tpu.memory_space<hbm>> -> memref<5000xf32, #tpu.memory_space<hbm>>
      %dma_wait3A_96 = arith.constant 0 : i32
      %dma_wait3A_97 = tpu.memref_slice %arg20[%dma_wait3A_96] : memref<5008xf32, #tpu.memory_space<vmem>> -> memref<5000xf32, #tpu.memory_space<vmem>>
      tpu.wait_dma2 semaphore(%run_scoped3A : memref<!tpu.dma_semaphore, #tpu.memory_space<semaphore_mem>>) src(%dma_wait3A_97 : memref<5000xf32, #tpu.memory_space<vmem>>) dst(%dma_wait3A_95 : memref<5000xf32, #tpu.memory_space<hbm>>)
      tpu.yield
    }) : () -> ()
    "tpu.region"() ({
      %run_scoped3A = tpu.sem_alloc : memref<!tpu.dma_semaphore, #tpu.memory_space<semaphore_mem>>
      %dma_start3A_86 = arith.constant 0 : i32
      %dma_start3A_87 = tpu.memref_slice %arg17[%dma_start3A_86] : memref<5008xf32, #tpu.memory_space<vmem>> -> memref<5000xf32, #tpu.memory_space<vmem>>
      %dma_start3A_88 = tpu.memref_slice %arg11[%mul3A_2] : memref<160000xf32, #tpu.memory_space<hbm>> -> memref<5000xf32, #tpu.memory_space<hbm>>
      %dma_start3A_89 = tpu.memref_slice %arg11[%mul3A_2] : memref<160000xf32, #tpu.memory_space<hbm>> -> memref<5000xf32, #tpu.memory_space<hbm>>
      %dma_start3A_90 = arith.constant 0 : i32
      %dma_start3A_91 = tpu.memref_slice %arg17[%dma_start3A_90] : memref<5008xf32, #tpu.memory_space<vmem>> -> memref<5000xf32, #tpu.memory_space<vmem>>
      tpu.enqueue_dma source(%dma_start3A_91 : memref<5000xf32, #tpu.memory_space<vmem>>) target(%dma_start3A_89 : memref<5000xf32, #tpu.memory_space<hbm>>) target_semaphore(%run_scoped3A : memref<!tpu.dma_semaphore, #tpu.memory_space<semaphore_mem>>)
      %dma_wait3A_92 = arith.constant 0 : i32
      %dma_wait3A_93 = tpu.memref_slice %arg17[%dma_wait3A_92] : memref<5008xf32, #tpu.memory_space<vmem>> -> memref<5000xf32, #tpu.memory_space<vmem>>
      %dma_wait3A_94 = tpu.memref_slice %arg11[%mul3A_2] : memref<160000xf32, #tpu.memory_space<hbm>> -> memref<5000xf32, #tpu.memory_space<hbm>>
      %dma_wait3A_95 = tpu.memref_slice %arg11[%mul3A_2] : memref<160000xf32, #tpu.memory_space<hbm>> -> memref<5000xf32, #tpu.memory_space<hbm>>
      %dma_wait3A_96 = arith.constant 0 : i32
      %dma_wait3A_97 = tpu.memref_slice %arg17[%dma_wait3A_96] : memref<5008xf32, #tpu.memory_space<vmem>> -> memref<5000xf32, #tpu.memory_space<vmem>>
      tpu.wait_dma2 semaphore(%run_scoped3A : memref<!tpu.dma_semaphore, #tpu.memory_space<semaphore_mem>>) src(%dma_wait3A_97 : memref<5000xf32, #tpu.memory_space<vmem>>) dst(%dma_wait3A_95 : memref<5000xf32, #tpu.memory_space<hbm>>)
      tpu.yield
    }) : () -> ()
    "tpu.region"() ({
      %run_scoped3A = tpu.sem_alloc : memref<!tpu.dma_semaphore, #tpu.memory_space<semaphore_mem>>
      %dma_start3A_86 = arith.constant 0 : i32
      %dma_start3A_87 = tpu.memref_slice %arg13[%dma_start3A_86] : memref<5008xf32, #tpu.memory_space<vmem>> -> memref<5000xf32, #tpu.memory_space<vmem>>
      %dma_start3A_88 = tpu.memref_slice %arg12[%mul3A_2] : memref<160000xf32, #tpu.memory_space<hbm>> -> memref<5000xf32, #tpu.memory_space<hbm>>
      %dma_start3A_89 = tpu.memref_slice %arg12[%mul3A_2] : memref<160000xf32, #tpu.memory_space<hbm>> -> memref<5000xf32, #tpu.memory_space<hbm>>
      %dma_start3A_90 = arith.constant 0 : i32
      %dma_start3A_91 = tpu.memref_slice %arg13[%dma_start3A_90] : memref<5008xf32, #tpu.memory_space<vmem>> -> memref<5000xf32, #tpu.memory_space<vmem>>
      tpu.enqueue_dma source(%dma_start3A_91 : memref<5000xf32, #tpu.memory_space<vmem>>) target(%dma_start3A_89 : memref<5000xf32, #tpu.memory_space<hbm>>) target_semaphore(%run_scoped3A : memref<!tpu.dma_semaphore, #tpu.memory_space<semaphore_mem>>)
      %dma_wait3A_92 = arith.constant 0 : i32
      %dma_wait3A_93 = tpu.memref_slice %arg13[%dma_wait3A_92] : memref<5008xf32, #tpu.memory_space<vmem>> -> memref<5000xf32, #tpu.memory_space<vmem>>
      %dma_wait3A_94 = tpu.memref_slice %arg12[%mul3A_2] : memref<160000xf32, #tpu.memory_space<hbm>> -> memref<5000xf32, #tpu.memory_space<hbm>>
      %dma_wait3A_95 = tpu.memref_slice %arg12[%mul3A_2] : memref<160000xf32, #tpu.memory_space<hbm>> -> memref<5000xf32, #tpu.memory_space<hbm>>
      %dma_wait3A_96 = arith.constant 0 : i32
      %dma_wait3A_97 = tpu.memref_slice %arg13[%dma_wait3A_96] : memref<5008xf32, #tpu.memory_space<vmem>> -> memref<5000xf32, #tpu.memory_space<vmem>>
      tpu.wait_dma2 semaphore(%run_scoped3A : memref<!tpu.dma_semaphore, #tpu.memory_space<semaphore_mem>>) src(%dma_wait3A_97 : memref<5000xf32, #tpu.memory_space<vmem>>) dst(%dma_wait3A_95 : memref<5000xf32, #tpu.memory_space<hbm>>)
      tpu.yield
    }) : () -> ()
    return
  }
}

module attributes {stable_mosaic.version = 14 : i64} {
  func.func @_project_body(%arg0: memref<3968x128xf32, #tpu.memory_space<vmem>>, %arg1: memref<3968x128xf32, #tpu.memory_space<vmem>>, %arg2: memref<3968x128xf32, #tpu.memory_space<vmem>>, %arg3: memref<3x3xf32, #tpu.memory_space<smem>>, %arg4: memref<3xf32, #tpu.memory_space<smem>>, %arg5: memref<2xf32, #tpu.memory_space<smem>>, %arg6: memref<2xf32, #tpu.memory_space<smem>>, %arg7: memref<3968x128xi32, #tpu.memory_space<vmem>>, %arg8: memref<3968x128xf32, #tpu.memory_space<vmem>>) attributes {dimension_semantics = [], scalar_prefetch = 0 : i64, scratch_operands = 0 : i64, tpu.core_type = #tpu.core_type<tc>} {
    %get3A = arith.constant 0 : index
    %get3A_0 = arith.constant 0 : index
    %get3A_1 = vector.load %arg0[%get3A, %get3A_0] : memref<3968x128xf32, #tpu.memory_space<vmem>>, vector<3968x128xf32>
    %convert_element_type3A = arith.truncf %get3A_1 : vector<3968x128xf32> to vector<3968x128xbf16>
    %convert_element_type3A_2 = arith.extf %convert_element_type3A : vector<3968x128xbf16> to vector<3968x128xf32>
    %get3A_3 = arith.constant 0 : index
    %get3A_4 = arith.constant 0 : index
    %get3A_5 = vector.load %arg1[%get3A_3, %get3A_4] : memref<3968x128xf32, #tpu.memory_space<vmem>>, vector<3968x128xf32>
    %convert_element_type3A_6 = arith.truncf %get3A_5 : vector<3968x128xf32> to vector<3968x128xbf16>
    %convert_element_type3A_7 = arith.extf %convert_element_type3A_6 : vector<3968x128xbf16> to vector<3968x128xf32>
    %get3A_8 = arith.constant 0 : index
    %get3A_9 = arith.constant 0 : index
    %get3A_10 = vector.load %arg2[%get3A_8, %get3A_9] : memref<3968x128xf32, #tpu.memory_space<vmem>>, vector<3968x128xf32>
    %convert_element_type3A_11 = arith.truncf %get3A_10 : vector<3968x128xf32> to vector<3968x128xbf16>
    %convert_element_type3A_12 = arith.extf %convert_element_type3A_11 : vector<3968x128xbf16> to vector<3968x128xf32>
    %get3A_13 = arith.constant 0 : index
    %get3A_14 = arith.constant 0 : index
    %get3A_15 = memref.load %arg3[%get3A_13, %get3A_14] : memref<3x3xf32, #tpu.memory_space<smem>>
    %convert_element_type3A_16 = arith.truncf %get3A_15 : f32 to bf16
    %convert_element_type3A_17 = arith.extf %convert_element_type3A_16 : bf16 to f32
    %mul3A = vector.broadcast %convert_element_type3A_17 : f32 to vector<3968x128xf32>
    %mul3A_18 = arith.mulf %convert_element_type3A_2, %mul3A : vector<3968x128xf32>
    %get3A_19 = arith.constant 1 : index
    %get3A_20 = arith.constant 0 : index
    %get3A_21 = memref.load %arg3[%get3A_19, %get3A_20] : memref<3x3xf32, #tpu.memory_space<smem>>
    %convert_element_type3A_22 = arith.truncf %get3A_21 : f32 to bf16
    %convert_element_type3A_23 = arith.extf %convert_element_type3A_22 : bf16 to f32
    %mul3A_24 = vector.broadcast %convert_element_type3A_23 : f32 to vector<3968x128xf32>
    %mul3A_25 = arith.mulf %convert_element_type3A_7, %mul3A_24 : vector<3968x128xf32>
    %add3A = arith.addf %mul3A_18, %mul3A_25 : vector<3968x128xf32>
    %get3A_26 = arith.constant 2 : index
    %get3A_27 = arith.constant 0 : index
    %get3A_28 = memref.load %arg3[%get3A_26, %get3A_27] : memref<3x3xf32, #tpu.memory_space<smem>>
    %convert_element_type3A_29 = arith.truncf %get3A_28 : f32 to bf16
    %convert_element_type3A_30 = arith.extf %convert_element_type3A_29 : bf16 to f32
    %mul3A_31 = vector.broadcast %convert_element_type3A_30 : f32 to vector<3968x128xf32>
    %mul3A_32 = arith.mulf %convert_element_type3A_12, %mul3A_31 : vector<3968x128xf32>
    %add3A_33 = arith.addf %add3A, %mul3A_32 : vector<3968x128xf32>
    %get3A_34 = arith.constant 0 : index
    %get3A_35 = memref.load %arg4[%get3A_34] : memref<3xf32, #tpu.memory_space<smem>>
    %add3A_36 = vector.broadcast %get3A_35 : f32 to vector<3968x128xf32>
    %add3A_37 = arith.addf %add3A_33, %add3A_36 : vector<3968x128xf32>
    %get3A_38 = arith.constant 0 : index
    %get3A_39 = arith.constant 1 : index
    %get3A_40 = memref.load %arg3[%get3A_38, %get3A_39] : memref<3x3xf32, #tpu.memory_space<smem>>
    %convert_element_type3A_41 = arith.truncf %get3A_40 : f32 to bf16
    %convert_element_type3A_42 = arith.extf %convert_element_type3A_41 : bf16 to f32
    %mul3A_43 = vector.broadcast %convert_element_type3A_42 : f32 to vector<3968x128xf32>
    %mul3A_44 = arith.mulf %convert_element_type3A_2, %mul3A_43 : vector<3968x128xf32>
    %get3A_45 = arith.constant 1 : index
    %get3A_46 = arith.constant 1 : index
    %get3A_47 = memref.load %arg3[%get3A_45, %get3A_46] : memref<3x3xf32, #tpu.memory_space<smem>>
    %convert_element_type3A_48 = arith.truncf %get3A_47 : f32 to bf16
    %convert_element_type3A_49 = arith.extf %convert_element_type3A_48 : bf16 to f32
    %mul3A_50 = vector.broadcast %convert_element_type3A_49 : f32 to vector<3968x128xf32>
    %mul3A_51 = arith.mulf %convert_element_type3A_7, %mul3A_50 : vector<3968x128xf32>
    %add3A_52 = arith.addf %mul3A_44, %mul3A_51 : vector<3968x128xf32>
    %get3A_53 = arith.constant 2 : index
    %get3A_54 = arith.constant 1 : index
    %get3A_55 = memref.load %arg3[%get3A_53, %get3A_54] : memref<3x3xf32, #tpu.memory_space<smem>>
    %convert_element_type3A_56 = arith.truncf %get3A_55 : f32 to bf16
    %convert_element_type3A_57 = arith.extf %convert_element_type3A_56 : bf16 to f32
    %mul3A_58 = vector.broadcast %convert_element_type3A_57 : f32 to vector<3968x128xf32>
    %mul3A_59 = arith.mulf %convert_element_type3A_12, %mul3A_58 : vector<3968x128xf32>
    %add3A_60 = arith.addf %add3A_52, %mul3A_59 : vector<3968x128xf32>
    %get3A_61 = arith.constant 1 : index
    %get3A_62 = memref.load %arg4[%get3A_61] : memref<3xf32, #tpu.memory_space<smem>>
    %add3A_63 = vector.broadcast %get3A_62 : f32 to vector<3968x128xf32>
    %add3A_64 = arith.addf %add3A_60, %add3A_63 : vector<3968x128xf32>
    %get3A_65 = arith.constant 0 : index
    %get3A_66 = arith.constant 2 : index
    %get3A_67 = memref.load %arg3[%get3A_65, %get3A_66] : memref<3x3xf32, #tpu.memory_space<smem>>
    %convert_element_type3A_68 = arith.truncf %get3A_67 : f32 to bf16
    %convert_element_type3A_69 = arith.extf %convert_element_type3A_68 : bf16 to f32
    %mul3A_70 = vector.broadcast %convert_element_type3A_69 : f32 to vector<3968x128xf32>
    %mul3A_71 = arith.mulf %convert_element_type3A_2, %mul3A_70 : vector<3968x128xf32>
    %get3A_72 = arith.constant 1 : index
    %get3A_73 = arith.constant 2 : index
    %get3A_74 = memref.load %arg3[%get3A_72, %get3A_73] : memref<3x3xf32, #tpu.memory_space<smem>>
    %convert_element_type3A_75 = arith.truncf %get3A_74 : f32 to bf16
    %convert_element_type3A_76 = arith.extf %convert_element_type3A_75 : bf16 to f32
    %mul3A_77 = vector.broadcast %convert_element_type3A_76 : f32 to vector<3968x128xf32>
    %mul3A_78 = arith.mulf %convert_element_type3A_7, %mul3A_77 : vector<3968x128xf32>
    %add3A_79 = arith.addf %mul3A_71, %mul3A_78 : vector<3968x128xf32>
    %get3A_80 = arith.constant 2 : index
    %get3A_81 = arith.constant 2 : index
    %get3A_82 = memref.load %arg3[%get3A_80, %get3A_81] : memref<3x3xf32, #tpu.memory_space<smem>>
    %convert_element_type3A_83 = arith.truncf %get3A_82 : f32 to bf16
    %convert_element_type3A_84 = arith.extf %convert_element_type3A_83 : bf16 to f32
    %mul3A_85 = vector.broadcast %convert_element_type3A_84 : f32 to vector<3968x128xf32>
    %mul3A_86 = arith.mulf %convert_element_type3A_12, %mul3A_85 : vector<3968x128xf32>
    %add3A_87 = arith.addf %add3A_79, %mul3A_86 : vector<3968x128xf32>
    %get3A_88 = arith.constant 2 : index
    %get3A_89 = memref.load %arg4[%get3A_88] : memref<3xf32, #tpu.memory_space<smem>>
    %add3A_90 = vector.broadcast %get3A_89 : f32 to vector<3968x128xf32>
    %add3A_91 = arith.addf %add3A_87, %add3A_90 : vector<3968x128xf32>
    %max3A = arith.constant 9.99999993E-9 : f32
    %max3A_92 = vector.broadcast %max3A : f32 to vector<3968x128xf32>
    %max3A_93 = arith.maximumf %add3A_91, %max3A_92 : vector<3968x128xf32>
    %get3A_94 = arith.constant 0 : index
    %get3A_95 = memref.load %arg5[%get3A_94] : memref<2xf32, #tpu.memory_space<smem>>
    %mul3A_96 = vector.broadcast %get3A_95 : f32 to vector<3968x128xf32>
    %mul3A_97 = arith.mulf %mul3A_96, %add3A_37 : vector<3968x128xf32>
    %div3A = arith.divf %mul3A_97, %max3A_93 : vector<3968x128xf32>
    %get3A_98 = arith.constant 0 : index
    %get3A_99 = memref.load %arg6[%get3A_98] : memref<2xf32, #tpu.memory_space<smem>>
    %add3A_100 = vector.broadcast %get3A_99 : f32 to vector<3968x128xf32>
    %add3A_101 = arith.addf %div3A, %add3A_100 : vector<3968x128xf32>
    %get3A_102 = arith.constant 1 : index
    %get3A_103 = memref.load %arg5[%get3A_102] : memref<2xf32, #tpu.memory_space<smem>>
    %mul3A_104 = vector.broadcast %get3A_103 : f32 to vector<3968x128xf32>
    %mul3A_105 = arith.mulf %mul3A_104, %add3A_64 : vector<3968x128xf32>
    %div3A_106 = arith.divf %mul3A_105, %max3A_93 : vector<3968x128xf32>
    %get3A_107 = arith.constant 1 : index
    %get3A_108 = memref.load %arg6[%get3A_107] : memref<2xf32, #tpu.memory_space<smem>>
    %add3A_109 = vector.broadcast %get3A_108 : f32 to vector<3968x128xf32>
    %add3A_110 = arith.addf %div3A_106, %add3A_109 : vector<3968x128xf32>
    %sub3A = arith.constant 1.000000e+00 : f32
    %sub3A_111 = vector.broadcast %sub3A : f32 to vector<3968x128xf32>
    %sub3A_112 = arith.subf %sub3A_111, %add3A_101 : vector<3968x128xf32>
    %mul3A_113 = arith.constant 1.995000e+02 : f32
    %mul3A_114 = vector.broadcast %mul3A_113 : f32 to vector<3968x128xf32>
    %mul3A_115 = arith.mulf %sub3A_112, %mul3A_114 : vector<3968x128xf32>
    %sub3A_116 = arith.constant 1.000000e+00 : f32
    %sub3A_117 = vector.broadcast %sub3A_116 : f32 to vector<3968x128xf32>
    %sub3A_118 = arith.subf %sub3A_117, %add3A_110 : vector<3968x128xf32>
    %mul3A_119 = arith.constant 1.995000e+02 : f32
    %mul3A_120 = vector.broadcast %mul3A_119 : f32 to vector<3968x128xf32>
    %mul3A_121 = arith.mulf %sub3A_118, %mul3A_120 : vector<3968x128xf32>
    %iota3A = tpu.iota {dimensions = array<i32: 0>} : vector<3968x128xi32>
    %iota3A_122 = tpu.iota {dimensions = array<i32: 1>} : vector<3968x128xi32>
    %mul3A_123 = arith.constant 128 : i32
    %mul3A_124 = vector.broadcast %mul3A_123 : i32 to vector<3968x128xi32>
    %mul3A_125 = arith.muli %iota3A, %mul3A_124 : vector<3968x128xi32>
    %add3A_126 = arith.addi %mul3A_125, %iota3A_122 : vector<3968x128xi32>
    %ge3A = arith.constant 0.000000e+00 : f32
    %ge3A_127 = vector.broadcast %ge3A : f32 to vector<3968x128xf32>
    %ge3A_128 = arith.cmpf oge, %mul3A_115, %ge3A_127 : vector<3968x128xf32>
    %le3A = arith.constant 3.990000e+02 : f32
    %le3A_129 = vector.broadcast %le3A : f32 to vector<3968x128xf32>
    %le3A_130 = arith.cmpf ole, %mul3A_115, %le3A_129 : vector<3968x128xf32>
    %and3A = arith.andi %ge3A_128, %le3A_130 : vector<3968x128xi1>
    %ge3A_131 = arith.constant 0.000000e+00 : f32
    %ge3A_132 = vector.broadcast %ge3A_131 : f32 to vector<3968x128xf32>
    %ge3A_133 = arith.cmpf oge, %mul3A_121, %ge3A_132 : vector<3968x128xf32>
    %and3A_134 = arith.andi %and3A, %ge3A_133 : vector<3968x128xi1>
    %le3A_135 = arith.constant 3.990000e+02 : f32
    %le3A_136 = vector.broadcast %le3A_135 : f32 to vector<3968x128xf32>
    %le3A_137 = arith.cmpf ole, %mul3A_121, %le3A_136 : vector<3968x128xf32>
    %and3A_138 = arith.andi %and3A_134, %le3A_137 : vector<3968x128xi1>
    %gt3A = arith.constant 9.99999993E-9 : f32
    %gt3A_139 = vector.broadcast %gt3A : f32 to vector<3968x128xf32>
    %gt3A_140 = arith.cmpf ogt, %add3A_91, %gt3A_139 : vector<3968x128xf32>
    %and3A_141 = arith.andi %and3A_138, %gt3A_140 : vector<3968x128xi1>
    %lt3A = arith.constant 500000 : i32
    %lt3A_142 = vector.broadcast %lt3A : i32 to vector<3968x128xi32>
    %lt3A_143 = arith.cmpi slt, %add3A_126, %lt3A_142 : vector<3968x128xi32>
    %and3A_144 = arith.andi %and3A_141, %lt3A_143 : vector<3968x128xi1>
    %round3A = math.roundeven %mul3A_115 : vector<3968x128xf32>
    %jit3A = arith.constant 0 : i32
    %jit3A_145 = arith.constant 399 : i32
    %convert_element_type3A_146 = arith.sitofp %jit3A : i32 to f32
    %max3A_147 = vector.broadcast %convert_element_type3A_146 : f32 to vector<3968x128xf32>
    %max3A_148 = arith.maximumf %max3A_147, %round3A : vector<3968x128xf32>
    %convert_element_type3A_149 = arith.sitofp %jit3A_145 : i32 to f32
    %min3A = vector.broadcast %convert_element_type3A_149 : f32 to vector<3968x128xf32>
    %min3A_150 = arith.minimumf %min3A, %max3A_148 : vector<3968x128xf32>
    %convert_element_type3A_151 = arith.fptosi %min3A_150 : vector<3968x128xf32> to vector<3968x128xi32>
    %round3A_152 = math.roundeven %mul3A_121 : vector<3968x128xf32>
    %jit3A_153 = arith.constant 0 : i32
    %jit3A_154 = arith.constant 399 : i32
    %convert_element_type3A_155 = arith.sitofp %jit3A_153 : i32 to f32
    %max3A_156 = vector.broadcast %convert_element_type3A_155 : f32 to vector<3968x128xf32>
    %max3A_157 = arith.maximumf %max3A_156, %round3A_152 : vector<3968x128xf32>
    %convert_element_type3A_158 = arith.sitofp %jit3A_154 : i32 to f32
    %min3A_159 = vector.broadcast %convert_element_type3A_158 : f32 to vector<3968x128xf32>
    %min3A_160 = arith.minimumf %min3A_159, %max3A_157 : vector<3968x128xf32>
    %convert_element_type3A_161 = arith.fptosi %min3A_160 : vector<3968x128xf32> to vector<3968x128xi32>
    %mul3A_162 = arith.constant 400 : i32
    %mul3A_163 = vector.broadcast %mul3A_162 : i32 to vector<3968x128xi32>
    %mul3A_164 = arith.muli %convert_element_type3A_161, %mul3A_163 : vector<3968x128xi32>
    %add3A_165 = arith.addi %mul3A_164, %convert_element_type3A_151 : vector<3968x128xi32>
    %jit3A_166 = arith.constant -1 : i32
    %broadcast_in_dim3A = vector.broadcast %jit3A_166 : i32 to vector<3968x128xi32>
    %select_n3A = arith.select %and3A_144, %add3A_165, %broadcast_in_dim3A : vector<3968x128xi1>, vector<3968x128xi32>
    %swap3A = arith.constant 0 : index
    %swap3A_167 = arith.constant 0 : index
    %swap3A_168 = vector.load %arg7[%swap3A, %swap3A_167] : memref<3968x128xi32, #tpu.memory_space<vmem>>, vector<3968x128xi32>
    tpu.vector_store %arg7[%swap3A, %swap3A_167], %select_n3A {strides = array<i32>} : memref<3968x128xi32, #tpu.memory_space<vmem>>, vector<3968x128xi32>,
    %swap3A_169 = arith.constant 0 : index
    %swap3A_170 = arith.constant 0 : index
    %swap3A_171 = vector.load %arg8[%swap3A_169, %swap3A_170] : memref<3968x128xf32, #tpu.memory_space<vmem>>, vector<3968x128xf32>
    tpu.vector_store %arg8[%swap3A_169, %swap3A_170], %add3A_91 {strides = array<i32>} : memref<3968x128xf32, #tpu.memory_space<vmem>>, vector<3968x128xf32>,
    return
  }
}

module attributes {stable_mosaic.version = 14 : i64} {
  func.func @_groupmin_body(%arg0: i32, %arg1: memref<1984x16xi32, #tpu.memory_space<vmem>>, %arg2: memref<1984x16xf32, #tpu.memory_space<vmem>>, %arg3: memref<1984x16xf32, #tpu.memory_space<vmem>>) attributes {dimension_semantics = [#tpu.dimension_semantics<arbitrary>], iteration_bounds = array<i64: 16>, scalar_prefetch = 0 : i64, scratch_operands = 0 : i64, tpu.core_type = #tpu.core_type<tc>, window_params = [{transform_indices = @transform_0, window_bounds = array<i64: 1984, 16>}, {transform_indices = @transform_1, window_bounds = array<i64: 1984, 16>}, {transform_indices = @transform_2, window_bounds = array<i64: 1984, 16>}]} {
    %get3A = arith.constant 0 : index
    %get3A_0 = arith.constant 0 : index
    %get3A_1 = vector.load %arg1[%get3A, %get3A_0] : memref<1984x16xi32, #tpu.memory_space<vmem>>, vector<1984x16xi32>
    %get3A_2 = arith.constant 0 : index
    %get3A_3 = arith.constant 0 : index
    %get3A_4 = vector.load %arg2[%get3A_2, %get3A_3] : memref<1984x16xf32, #tpu.memory_space<vmem>>, vector<1984x16xf32>
    %broadcast_in_dim3A = vector.shape_cast %get3A_1 : vector<1984x16xi32> to vector<1984x16x1xi32>
    %broadcast_in_dim3A_5 = vector.shape_cast %get3A_1 : vector<1984x16xi32> to vector<1984x1x16xi32>
    %eq3A = vector.broadcast %broadcast_in_dim3A : vector<1984x16x1xi32> to vector<1984x16x16xi32>
    %eq3A_6 = vector.broadcast %broadcast_in_dim3A_5 : vector<1984x1x16xi32> to vector<1984x16x16xi32>
    %eq3A_7 = arith.cmpi eq, %eq3A, %eq3A_6 : vector<1984x16x16xi32>
    %broadcast_in_dim3A_8 = vector.shape_cast %get3A_4 : vector<1984x16xf32> to vector<1984x1x16xf32>
    %jit3A = arith.constant 0x7F800000 : f32
    %broadcast_in_dim3A_9 = vector.shape_cast %broadcast_in_dim3A_8 : vector<1984x1x16xf32> to vector<1984x1x16xf32>
    %broadcast_in_dim3A_10 = vector.broadcast %broadcast_in_dim3A_9 : vector<1984x1x16xf32> to vector<1984x16x16xf32>
    %broadcast_in_dim3A_11 = vector.broadcast %jit3A : f32 to vector<1984x16x16xf32>
    %select_n3A = arith.select %eq3A_7, %broadcast_in_dim3A_10, %broadcast_in_dim3A_11 : vector<1984x16x16xi1>, vector<1984x16x16xf32>
    %reduce_min3A = arith.constant dense<0x7F800000> : vector<1984x16xf32>
    %reduce_min3A_12 = vector.multi_reduction <minimumf>, %select_n3A, %reduce_min3A [2] : vector<1984x16x16xf32> to vector<1984x16xf32>
    %swap3A = arith.constant 0 : index
    %swap3A_13 = arith.constant 0 : index
    %swap3A_14 = vector.load %arg3[%swap3A, %swap3A_13] : memref<1984x16xf32, #tpu.memory_space<vmem>>, vector<1984x16xf32>
    tpu.vector_store %arg3[%swap3A, %swap3A_13], %reduce_min3A_12 {strides = array<i32>} : memref<1984x16xf32, #tpu.memory_space<vmem>>, vector<1984x16xf32>,
    return
  }
  func.func @transform_0(%arg0: i32) -> (i32, i32) {
    %c0_i32 = arith.constant 0 : i32
    %c0_i32_0 = arith.constant 0 : i32
    return %arg0, %c0_i32 : i32, i32
  }
  func.func @transform_1(%arg0: i32) -> (i32, i32) {
    %c0_i32 = arith.constant 0 : i32
    %c0_i32_0 = arith.constant 0 : i32
    return %arg0, %c0_i32 : i32, i32
  }
  func.func @transform_2(%arg0: i32) -> (i32, i32) {
    %c0_i32 = arith.constant 0 : i32
    %c0_i32_0 = arith.constant 0 : i32
    return %arg0, %c0_i32 : i32, i32
  }
}

</mosaic_0001>

<sc_bundles>
// kernel: kernel.5.cloned.1.call-start
scs
__scs_entry_jumppad:
0x0: {  	(pc) =	sbr.rel $0x88, $3  }
0x1: {  	(tag) =	ssettag $0x0;
	lr =	simm.s32 $0x1  }
0x2: {  	[smem:$0x3F9B] =	sst lr;
	_ =	strace $0xD0000000  }
0x3: {  	_ = 	snop  }
0x4: {  	_ = 	snop  }
0x5: {  	_ = 	snop  }
0x6: {  	_ = 	snop  }
0x7: {  	_ = 	snop  }
__scs_overlays_trampoline_lowered:
0x8: {  	[smem:$0x3FAA] =	sst s0  }
0x9: {  	[smem:$0x3FAB] =	sst s1  }
0xa: {  	[smem:$0x3FAC] =	sst s2  }
0xb: {  	[smem:$0x3FAD] =	sst s3  }
0xc: {  	[smem:$0x3FAE] =	sst s4  }
0xd: {  	[smem:$0x3FAF] =	sst s5  }
0xe: {  	[smem:$0x3FB0] =	sst s6  }
0xf: {  	[smem:$0x3FB1] =	sst s7  }
0x10: {  	[smem:$0x3FB2] =	sst s8  }
0x11: {  	[smem:$0x3FB3] =	sst s9;
	s0 =	simm.s32 @!p0 $0x0  }
0x12: {  	s1 =	sld [smem:$0x3F99];
	s0 =	simm.s32 @p0 $0x1  }
0x13: {  	[smem:$0x3FB4] =	sst s0;
	s0 =	simm.s32 @!p1 $0x0  }
0x14: {  	s2 =	sld [smem:$0x3F98];
	s0 =	simm.s32 @p1 $0x1  }
0x15: {  	[smem:$0x3FB5] =	sst s0;
	s0 =	simm.s32 @!p2 $0x0  }
0x16: {  	s3 =	sld [smem:$0x3FDB];
	s0 =	simm.s32 @p2 $0x1  }
0x17: {  	s4 =	simm.s32 $0x1BF5;
	[smem:$0x3FB7] =	sst s0  }
0x18: {  	s0 =	sld [smem:$0x3F9A];
	_ =	swait.ge [sflag:s4], $0x0  }
0x19: {  	s7 =	sld [smem:$0x3F9B]  }
0x1a: {  	s8 =	sadd.s32 $0xFFFFE003, lr  }
0x1b: {  	s9 =	sadd.s32 $0xFFFFFEF7, lr;
	s5 =	simm.s32 $0xFFFFFFFF;
	p2 =	slt.u32 s8, $0xFFFFF086  }
0x1c: {  	p1 =	slt.u32 s9, $0xF7A;
	s5 =	simm.s32 @!p2 $0x0  }
0x1d: {  	s5 =	simm.s32 @p1 $0x1;
	p0 =	seq.s32 s7, s2  }
0x1e: {  	s7 =	smul.u32 @!p0 $0xF7A, s2;
	p2 =	seq.s32 @!p0 s5, $0x0  }
0x1f: {  	s9 =	smul.u32 $0xF7A, s1;
	s8 =	simm.s32 @!p0 $0x1BF5;
	p2 =	por !p2, p0  }
0x20: {  	[sflag:s8] =	ssyncset.s32 @!p0 $0xFFFFF086;
	s6 =	sadd.s32 @!p0 s3, s7;
	s7 =	simm.s32 @!p0 $0x108  }
0x21: {  	s3 =	sadd.s32 s3, s9;
	s6 =	sadd.s32 @!p0 $0x88, s6;
	s7 =	simm.s32 @p2 $0x1082  }
0x22: {  	[simem:s7], [sflag:s8] =	dma.local @!p0 [hbm:s6], $0xF7A  }
0x23: {  	s9 =	sor.u32 $0xD0000000, s2;
	s6 =	simm.s32 $0x108;
	_ =	swait.ge @!p0 [sflag:s8], $0x0  }
0x24: {  	s3 =	sadd.s32 $0x88, s3;
	s6 =	simm.s32 @!p1 $0x1082;
	[sflag:s4] =	ssyncset.s32 $0xFFFFF086  }
0x25: {  	[simem:s6], [sflag:s4] =	dma.local [hbm:s3], $0xF7A  }
0x26: {  	[smem:$0x3F9B] =	sst s1;
	(tag) =	ssettag s2;
	_ =	strace s9  }
0x27: {  	s1 =	sld [smem:$0x3FAB]  }
0x28: {  	s2 =	sld [smem:$0x3FAC]  }
0x29: {  	s4 =	sld [smem:$0x3FAE]  }
0x2a: {  	p0 =	seq.s32 s5, $0x0;
	s5 =	sld [smem:$0x3FAF]  }
0x2b: {  	s6 =	sld [smem:$0x3FB0]  }
0x2c: {  	s7 =	sld [smem:$0x3FB1]  }
0x2d: {  	s3 =	simm.s32 $0x108;
	s8 =	sld [smem:$0x3FB2]  }
0x2e: {  	s3 =	simm.s32 @!p0 $0x1082;
	s9 =	sld [smem:$0x3FB3]  }
0x2f: {  	lr =	sadd.s32 s0, s3;
	s0 =	sld [smem:$0x3FAA]  }
0x30: {  	s3 =	sld [smem:$0x3FAD]  }
0x31: {  	[smem:$0x3FB6] =	sst s10  }
0x32: {  	s10 =	sld [smem:$0x3FB4];
	_ =	sdelay $0x3  }
0x33: {  	p0 =	seq.s32 s10, $0x1;
	s10 =	sld [smem:$0x3FB6];
	_ =	sdelay $0x3  }
0x34: {  	[smem:$0x3FB6] =	sst s10  }
0x35: {  	s10 =	sld [smem:$0x3FB5];
	_ =	sdelay $0x3  }
0x36: {  	p1 =	seq.s32 s10, $0x1;
	s10 =	sld [smem:$0x3FB6];
	_ =	sdelay $0x3  }
0x37: {  	[smem:$0x3FB6] =	sst s10  }
0x38: {  	s10 =	sld [smem:$0x3FB7]  }
0x39: {  	_ = 	snop;
	(pc) =	sbr.ind lr, $3  }
0x3a: {  	_ = 	snop  }
0x3b: {  	_ = 	snop  }
0x3c: {  	p2 =	seq.s32 s10, $0x1;
	s10 =	sld [smem:$0x3FB6]  }
0x3d: {  	_ =	shalt  }
0x3e: {  	_ =	shalt  }
0x3f: {  	_ =	shalt  }
0x40: {  	_ =	shalt  }
0x41: {  	_ =	shalt  }
0x42: {  	_ =	shalt  }
0x43: {  	_ =	shalt  }
0x44: {  	_ =	shalt  }
0x45: {  	_ =	shalt  }
0x46: {  	_ =	shalt  }
0x47: {  	_ =	shalt  }
0x48: {  	_ =	shalt  }
0x49: {  	_ =	shalt  }
0x4a: {  	_ =	shalt  }
0x4b: {  	_ =	shalt  }
0x4c: {  	_ =	shalt  }
0x4d: {  	_ =	shalt  }
0x4e: {  	_ =	shalt  }
0x4f: {  	_ =	shalt  }
0x50: {  	_ =	shalt  }
0x51: {  	_ =	shalt  }
0x52: {  	_ =	shalt  }
0x53: {  	_ =	shalt  }
0x54: {  	_ =	shalt  }
0x55: {  	_ =	shalt  }
0x56: {  	_ =	shalt  }
0x57: {  	_ =	shalt  }
0x58: {  	_ =	shalt  }
0x59: {  	_ =	shalt  }
0x5a: {  	_ =	shalt  }
0x5b: {  	_ =	shalt  }
0x5c: {  	_ =	shalt  }
0x5d: {  	_ =	shalt  }
0x5e: {  	_ =	shalt  }
0x5f: {  	_ =	shalt  }
0x60: {  	_ =	shalt  }
0x61: {  	_ =	shalt  }
0x62: {  	_ =	shalt  }
0x63: {  	_ =	shalt  }
0x64: {  	_ =	shalt  }
0x65: {  	_ =	shalt  }
0x66: {  	_ =	shalt  }
0x67: {  	_ =	shalt  }
0x68: {  	_ =	shalt  }
0x69: {  	_ =	shalt  }
0x6a: {  	_ =	shalt  }
0x6b: {  	_ =	shalt  }
0x6c: {  	_ =	shalt  }
0x6d: {  	_ =	shalt  }
0x6e: {  	_ =	shalt  }
0x6f: {  	_ =	shalt  }
0x70: {  	_ =	shalt  }
0x71: {  	_ =	shalt  }
0x72: {  	_ =	shalt  }
0x73: {  	_ =	shalt  }
0x74: {  	_ =	shalt  }
0x75: {  	_ =	shalt  }
0x76: {  	_ =	shalt  }
0x77: {  	_ =	shalt  }
0x78: {  	_ =	shalt  }
0x79: {  	_ =	shalt  }
0x7a: {  	_ =	shalt  }
0x7b: {  	_ =	shalt  }
0x7c: {  	_ =	shalt  }
0x7d: {  	_ =	shalt  }
0x7e: {  	_ =	shalt  }
0x7f: {  	_ =	shalt  }
0x80: {  	_ =	shalt  }
0x81: {  	_ =	shalt  }
0x82: {  	_ =	shalt  }
0x83: {  	_ =	shalt  }
0x84: {  	_ =	shalt  }
0x85: {  	_ =	shalt  }
0x86: {  	_ =	shalt  }
0x87: {  	_ =	shalt  }
.Lfunc_end0:
.L_simem_size_0:
called_computation_lowered:
.L_overlay_start_0:
0x88: {  	s2 =	sld [smem:$0x3FD9]  }
0x89: {  	s3 =	sld [smem:$0x3FFE];
	_ =	sdelay $0x1  }
0x8a: {  	s1 =	srdreg.scid  }
0x8b: {  	s0 =	sand.u32 $0x1, s1  }
0x8c: {  	s14 =	sshll.u32 s0, $0xA;
	s2 =	sadd.s32 s3, s2  }
0x8d: {  	s2 =	sadd.s32 s2, s14  }
0x8e: {  	[smem:$0x3FC2] =	sst s2  }
0x8f: {  	_ = 	snop  }
0x90: {  	s2 =	sld [smem:$0x3FD0];
	_ =	sdelay $0x2  }
0x91: {  	s15 =	simm.s32 $0xA;
	s4 =	simm.s32 $0x10  }
0x92: {  	[smem:s4], [sflag:s15] =	dma.local [hbm:s2], $0x1  }
0x93: {  	_ =	swait.eq [sflag:s15], $0x1  }
0x94: {  	s16 =	sld [smem:$0x10];
	[sflag:s15] =	ssyncset.done $0x0  }
0x95: {  	s17 =	sld [smem:$0x11];
	[sflag:s15] =	ssyncadd.s32 $0xFFFFFFFF  }
0x96: {  	s18 =	sld [smem:$0x12];
	(tm) =	ssettm $0x1  }
0x97: {  	s5 =	sld [smem:$0x3FFB];
	_ =	sdelay $0x3  }
0x98: {  	_ =	strace s5  }
0x99: {  	s5 =	sld [smem:$0x3FFC];
	_ =	sdelay $0x3  }
0x9a: {  	_ =	strace s5  }
0x9b: {  	s5 =	sld [smem:$0x3FFD];
	_ =	sdelay $0x3  }
0x9c: {  	_ =	strace s5  }
0x9d: {  	_ =	strace $0x8FFFFFFF  }
0x9e: {  	s19 =	sld [smem:$0x3FDB];
	_ =	sdelay $0x1  }
0x9f: {  	s6 =	simm.s32 $_scs_section_size  }
0xa0: {  	s7 =	simm.s32 $_size__tile_overlayer_lowered;
	s8 =	simm.s32 $_tile_overlayer_lowered  }
0xa1: {  	s22 =	simm.s32 $0x1BFF;
	s21 =	sshll.u32 s8, $0x1;
	s5 =	sadd.s32 s6, s19  }
0xa2: {  	s9 =	simm.s32 $0x0;
	s20 =	sshll.u32 s7, $0x1;
	s7 =	sadd.s32 s21, s5  }
0xa3: {  	[timem:s9], [sflag:s22] =	dma.local [hbm:s7], s20  }
0xa4: {  	_ =	swait.ge [sflag:s22], s20  }
0xa5: {  	s6 =	ssub.s32 $0x0, s20;
	[sflag:s22] =	ssyncset.done $0x0  }
0xa6: {  	[sflag:s22] =	ssyncadd.s32 s6;
	_ =	sdelay $0x1  }
0xa7: {  	s23 =	simm.s32 $0x1B8B  }
0xa8: {  	_ =	swait.ge [sflag:s23], $0x1  }
0xa9: {  	[sflag:s23] =	ssyncset.done $0x0  }
0xaa: {  	s25 =	simm.s32 $0x1B8E;
	s24 =	sld [smem:$0x3FFE];
	[sflag:s23] =	ssyncadd.s32 $0xFFFFFFFF  }
0xab: {  	s26 =	simm.s32 $execute0_lowered;
	[smem:$0x3FD2] =	sst s25  }
0xac: {  	s7 =	sshll.u32 s26, $0x1;
	_ =	strace $0x80000046;
	[dreg:$0x1] =	wrdreg $0xFFFFFFFF  }
0xad: {  	s28 =	simm.s32 $_size_execute0_lowered;
	s5 =	sadd.s32 s5, s7;
	[dreg:$0x0] =	wrdreg $0x0  }
0xae: {  	s7 =	sshll.u32 s28, $0x1;
	[dreg:$0x2] =	wrdreg s5  }
0xaf: {  	[dreg:$0x3] =	wrdreg s7  }
0xb0: {  	[dreg:$0x4] =	wrdreg $0xC0  }
0xb1: {  	_ =	task [dreg:s9], $0x5FFFF  }
0xb2: {  	[dreg:$0x1] =	wrdreg $0xFFFFFFFF  }
0xb3: {  	[dreg:$0x0] =	wrdreg $0x60  }
0xb4: {  	[dreg:$0x2] =	wrdreg s16  }
0xb5: {  	[dreg:$0x3] =	wrdreg s24  }
0xb6: {  	[dreg:$0x4] =	wrdreg s18  }
0xb7: {  	[dreg:$0x5] =	wrdreg s17  }
0xb8: {  	[dreg:$0x6] =	wrdreg $0x9  }
0xb9: {  	_ =	task.clear_ibuf [dreg:s9], $0x7FFFF;
	_ =	strace $0x90000046  }
0xba: {  	s29 =	simm.s32 $0x9;
	_ =	strace $0x80000048  }
0xbb: {  	_ =	swait.ge [sflag:s29], $0x1  }
0xbc: {  	[sflag:s29] =	ssyncadd.s32 $0xFFFFFFFF  }
0xbd: {  	_ =	strace $0x90000048  }
0xbe: {  	_ =	sfence  }
0xbf: {  	s30 =	sld [smem:$0x0];
	_ =	sdelay $0x2  }
0xc0: {  	s31 =	sshll.u32 s1, $0xD;
	s1 =	sshrl.u32 s1, $0x2  }
0xc1: {  	s3 =	sand.u32 $0x4000, s31;
	s1 =	sadd.s32 s1, s30  }
0xc2: {  	s0 =	sor.u32 s3, s0;
	s1 =	sshll.u32 s1, $0x11  }
0xc3: {  	s0 =	sor.u32 s1, s0  }
0xc4: {  	s0 =	sadd.s32 $0x8F2B, s0  }
0xc5: {  	[sflag:s0] =	ssyncadd.remote.s32 $0x1  }
0xc6: {  	_ =	sfence.sel $0xFFFF  }
0xc7: {  	[dreg:$0x0] =	wrdreg $0xFFFFFFFF;
	(pc) =	sbr.abs _section_cstart, $3  }
0xc8: {  	[dreg:$0x1] =	wrdreg $0xFFFFFFFF  }
0xc9: {  	_ =	task.clear_ibuf [dreg:s9], $0x2FFFF;
	_ =	strace $0x9FFFFFFF  }
0xca: {  	(tm) =	ssettm $0x7FFFFFFF  }
0xcb: {  	_ =	shalt  }
tec
execute0_lowered:
.L_overlay_start_1:
0x0: {  	(tag) =	ssettag $0x1  }
0x1: {  	s1 =	rddreg [dreg:$0x0]  }
0x2: {  	s0 =	rddreg [dreg:$0x1]  }
0x3: {  	s2 =	rddreg [dreg:$0x2]  }
0x4: {  	s9 =	rddreg [dreg:$0x3]  }
0x5: {  	s4 =	srdreg.scid;
	s5 =	stileid.u32  }
0x6: {  	s3 =	simm.s32 $0x0;
	s19 =	simm.s32 $0x1;
	s20 =	simm.s32 $0x2  }
0x7: {  	s21 =	simm.s32 $0x1400;
	s22 =	simm.s32 $0x2800;
	s23 =	simm.s32 $0x3C00  }
0x8: {  	s13 =	simm.s32 $0x7800;
	s14 =	simm.s32 $0x8C00;
	s30 =	simm.s32 $0xA000  }
0x9: {  	s31 =	simm.s32 $0xB400;
	s17 =	simm.s32 $0x0;
	s7 =	sand.u32 $0x1, s4  }
0xa: {  	s24 =	sshll.u32 s5, $0x1;
	[smem:$0x7FF] =	sst s3;
	s4 =	sadd.s32 $0x12000, s0  }
0xb: {  	s6 =	sadd.s32 $0x40800, s0;
	s8 =	sadd.s32 $0x21800, s0;
	s5 =	sor.u32 s7, s24  }
0xc: {  	_ =	strace $0x80000047;
	s10 =	ssub.s32 $0x2, s7;
	s7 =	sadd.s32 $0x31000, s0  }
0xd: {  	s24 =	simm.s32 $0x6;
	s15 =	smul.u32 $0x1388, s5;
	s12 =	sshrl.u32 s10, $0x1  }
0xe: {  	s5 =	sadd.s32 $0x2800, s0;
	s10 =	ssub.s32 s10, s12;
	s12 =	simm.s32 $0x6400  }
0xf: {  	s11 =	sshrl.u32 s15, $0x3;
	s29 =	smax.u32 s10, $0x1;
	s10 =	simm.s32 $0x5  }
0x10: {  	s0 =	sadd.s32 s11, s0;
	s2 =	sadd.s32 s2, s11;
	[dreg:$0xa] =	wrdreg s29  }
0x11: {  	s25 =	sadd.s32 s9, s11;
	s9 =	simm.s32 $0x4;
	[dreg:$0x5] =	wrdreg s2  }
0x12: {  	s11 =	simm.s32 $0x5000;
	[dreg:$0x6] =	wrdreg s25;
	s26 =	sadd.s32 $0x50000, s0  }
0x13: {  	s28 =	sadd.s32 $0x55000, s0;
	s0 =	sadd.s32 $0x5A000, s0;
	[dreg:$0x7] =	wrdreg s26  }
0x14: {  	s25 =	simm.s32 $0x7;
	s2 =	simm.s32 $0x3;
	[dreg:$0x8] =	wrdreg s28  }
0x15: {  	v1 =	vimm.f32 $+Inf;
	v2 =	vimm.f32 $0.0e+00;
	v0 =	vmov s15;
	[dreg:$0x9] =	wrdreg s0;
	s0 =	simm.s32 $0xC800;
	s26 =	simm.s32 $0xDC00  }
.LBB2_1:
0x16: {  	[dreg:$0xb] =	wrdreg s17;
	s15 =	simm.s32 $0x0;
	s16 =	simm.s32 $0x40  }
.LBB2_2:
0x17: {  	p0 =	sne.s32 s16, $0x4E00;
	[tilespmem:s15+$0xDC00] =	vst v2  }
0x18: {  	[tilespmem:s15+$0x0] =	vst v1  }
0x19: {  	[tilespmem:s15+$0x1400] =	vst v1  }
0x1a: {  	[tilespmem:s15+$0x2800] =	vst v1  }
0x1b: {  	[tilespmem:s15+$0x3C00] =	vst v1  }
0x1c: {  	[tilespmem:s15+$0x5000] =	vst v2  }
0x1d: {  	[tilespmem:s15+$0x6400] =	vst v2  }
.Ltmp0:
0x1e: {  	[tilespmem:s15+$0x7800] =	vst v2;
	(pc) =	sbr.rel @p0 .LBB2_2-.Ltmp0, $4  }
0x1f: {  	[tilespmem:s15+$0x8C00] =	vst v2  }
0x20: {  	[tilespmem:s15+$0xA000] =	vst v2  }
0x21: {  	[tilespmem:s15+$0xB400] =	vst v2  }
0x22: {  	[tilespmem:s15+$0xC800] =	vst v2;
	s15 =	sshra.s32 s16, $0x2;
	s16 =	sadd.s32 $0x40, s16  }
0x23: {  	[tilespmem:s15+$0xDC00] =	vst v2  }
0x24: {  	[tilespmem:s15+$0x0] =	vst v1  }
0x25: {  	[tilespmem:s15+$0x1400] =	vst v1  }
0x26: {  	[tilespmem:s15+$0x2800] =	vst v1  }
0x27: {  	[tilespmem:s15+$0x3C00] =	vst v1  }
0x28: {  	[tilespmem:s15+$0x5000] =	vst v2  }
0x29: {  	[tilespmem:s15+$0x6400] =	vst v2  }
0x2a: {  	[tilespmem:s15+$0x7800] =	vst v2  }
0x2b: {  	[tilespmem:s15+$0x8C00] =	vst v2  }
0x2c: {  	[tilespmem:s15+$0xA000] =	vst v2  }
0x2d: {  	[tilespmem:s15+$0xB400] =	vst v2  }
0x2e: {  	[tilespmem:s15+$0xC800] =	vst v2;
	s15 =	simm.s32 $0x0;
	s16 =	simm.s32 $0xF000  }
0x2f: {  	[tilespmem:s16], [sflag:$0x1] =	stream.linear.gather [hbm4b:s1+s15], $0x1000, $0x38;
	[tilespmem:$0x19000] =	vst v63  }
0x30: {  	s29 =	simm.s32 $0x10000;
	s16 =	simm.s32 $0x0  }
0x31: {  	[tilespmem:s29], [sflag:$0x2] =	stream.linear.gather [hbm4b:s4+s15], $0x1000, $0x38;
	[tilespmem:$0x19000] =	vst v63  }
.LBB2_4:
0x32: {  	s18 =	sshll.u32 s16, $0xA  }
0x33: {  	s18 =	sor.u32 $0x200, s18  }
0x34: {  	s17 =	simm.s32 $0x14000;
	s28 =	sadd.s32 s1, s18  }
0x35: {  	[tilespmem:s17], [sflag:$0x6] =	stream.linear.gather [hbm4b:s28+s15], $0x1000, $0x38;
	[tilespmem:$0x19000] =	vst v63  }
0x36: {  	s29 =	simm.s32 $0x15000;
	s18 =	sadd.s32 s4, s18  }
0x37: {  	[tilespmem:s29], [sflag:$0x7] =	stream.linear.gather [hbm4b:s18+s15], $0x1000, $0x38;
	[tilespmem:$0x19000] =	vst v63  }
0x38: {  	_ =	swait.ge [sflag:s19], $0x1000  }
0x39: {  	[sflag:s19] =	ssyncset.done $0x0  }
0x3a: {  	[sflag:s19] =	ssyncadd.s32 $0xFFFFF000  }
0x3b: {  	_ =	swait.ge [sflag:s20], $0x1000  }
0x3c: {  	[sflag:s20] =	ssyncset.done $0x0  }
0x3d: {  	s18 =	simm.s32 $0x0;
	[sflag:s20] =	ssyncadd.s32 $0xFFFFF000  }
.LBB2_5:
0x3e: {  	s28 =	sshra.s32 s18, $0x2  }
0x3f: {  	v3 =	vld [tilespmem:s28+$0xF000];
	_ =	sdelay $0x4  }
0x40: {  	v3 =	vsub.s32 v3, v0  }
0x41: {  	vm0 =	vlt.u32 v3, $0x1388;
	_ =	sdelay $0x4  }
0x42: {  	v4 =	vld [tilespmem:s28+$0x10000]  }
0x43: {  	v5 =	vld.idx.msk [tilespmem:v3+s3+$0x0], vm0;
	_ =	sdelay $0x4  }
0x44: {  	vm1 =	vlt.f32 v4, v5  }
0x45: {  	vm0 =	vmand vm0, vm1;
	_ =	sdelay $0x5  }
0x46: {  	[tilespmem:v3+s3+$0x0] =	vst.idx.msk vm0, v4  }
0x47: {  	v3 =	vld [tilespmem:s28+$0xF010];
	_ =	sdelay $0x4  }
0x48: {  	v3 =	vsub.s32 v3, v0  }
0x49: {  	vm14 =	vlt.u32 v3, $0x1388;
	_ =	sdelay $0x4  }
0x4a: {  	v4 =	vld [tilespmem:s28+$0x10010]  }
0x4b: {  	v57 =	vld.idx.msk [tilespmem:v3+s21+$0x0], vm14;
	_ =	sdelay $0x4  }
0x4c: {  	vm15 =	vlt.f32 v4, v57  }
0x4d: {  	vm0 =	vmand vm14, vm15;
	_ =	sdelay $0x5  }
0x4e: {  	[tilespmem:v3+s21+$0x0] =	vst.idx.msk vm0, v4  }
0x4f: {  	v3 =	vld [tilespmem:s28+$0xF020];
	_ =	sdelay $0x4  }
0x50: {  	v3 =	vsub.s32 v3, v0  }
0x51: {  	vm4 =	vlt.u32 v3, $0x1388;
	_ =	sdelay $0x4  }
0x52: {  	v4 =	vld [tilespmem:s28+$0x10020]  }
0x53: {  	v58 =	vld.idx.msk [tilespmem:v3+s22+$0x0], vm4;
	_ =	sdelay $0x4  }
0x54: {  	vm5 =	vlt.f32 v4, v58  }
0x55: {  	vm0 =	vmand vm4, vm5;
	_ =	sdelay $0x5  }
0x56: {  	[tilespmem:v3+s22+$0x0] =	vst.idx.msk vm0, v4  }
0x57: {  	v3 =	vld [tilespmem:s28+$0xF030];
	_ =	sdelay $0x4  }
0x58: {  	v3 =	vsub.s32 v3, v0  }
0x59: {  	vm6 =	vlt.u32 v3, $0x1388;
	_ =	sdelay $0x4  }
0x5a: {  	v4 =	vld [tilespmem:s28+$0x10030]  }
0x5b: {  	v59 =	vld.idx.msk [tilespmem:v3+s23+$0x0], vm6;
	_ =	sdelay $0x4  }
0x5c: {  	vm7 =	vlt.f32 v4, v59  }
0x5d: {  	vm0 =	vmand vm6, vm7;
	_ =	sdelay $0x5  }
0x5e: {  	[tilespmem:v3+s23+$0x0] =	vst.idx.msk vm0, v4  }
0x5f: {  	v3 =	vld [tilespmem:s28+$0xF040];
	_ =	sdelay $0x4  }
0x60: {  	v3 =	vsub.s32 v3, v0  }
0x61: {  	vm8 =	vlt.u32 v3, $0x1388;
	_ =	sdelay $0x4  }
0x62: {  	v4 =	vld [tilespmem:s28+$0x10040]  }
0x63: {  	v60 =	vld.idx.msk [tilespmem:v3+s3+$0x0], vm8;
	_ =	sdelay $0x4  }
0x64: {  	vm9 =	vlt.f32 v4, v60  }
0x65: {  	vm0 =	vmand vm8, vm9;
	_ =	sdelay $0x5  }
0x66: {  	[tilespmem:v3+s3+$0x0] =	vst.idx.msk vm0, v4  }
0x67: {  	v3 =	vld [tilespmem:s28+$0xF050];
	_ =	sdelay $0x4  }
0x68: {  	v3 =	vsub.s32 v3, v0  }
0x69: {  	vm10 =	vlt.u32 v3, $0x1388;
	_ =	sdelay $0x4  }
0x6a: {  	v4 =	vld [tilespmem:s28+$0x10050]  }
0x6b: {  	v61 =	vld.idx.msk [tilespmem:v3+s21+$0x0], vm10;
	_ =	sdelay $0x4  }
0x6c: {  	vm11 =	vlt.f32 v4, v61  }
0x6d: {  	vm0 =	vmand vm10, vm11;
	_ =	sdelay $0x5  }
0x6e: {  	[tilespmem:v3+s21+$0x0] =	vst.idx.msk vm0, v4  }
0x6f: {  	v3 =	vld [tilespmem:s28+$0xF060];
	_ =	sdelay $0x4  }
0x70: {  	v3 =	vsub.s32 v3, v0  }
0x71: {  	vm12 =	vlt.u32 v3, $0x1388;
	_ =	sdelay $0x4  }
0x72: {  	v4 =	vld [tilespmem:s28+$0x10060]  }
0x73: {  	v62 =	vld.idx.msk [tilespmem:v3+s22+$0x0], vm12;
	_ =	sdelay $0x4  }
0x74: {  	vm13 =	vlt.f32 v4, v62  }
0x75: {  	vm0 =	vmand vm12, vm13;
	_ =	sdelay $0x5  }
0x76: {  	[tilespmem:v3+s22+$0x0] =	vst.idx.msk vm0, v4  }
0x77: {  	v3 =	vld [tilespmem:s28+$0xF070];
	_ =	sdelay $0x4  }
0x78: {  	v3 =	vsub.s32 v3, v0  }
0x79: {  	vm14 =	vlt.u32 v3, $0x1388;
	_ =	sdelay $0x4  }
0x7a: {  	v4 =	vld [tilespmem:s28+$0x10070]  }
0x7b: {  	v63 =	vld.idx.msk [tilespmem:v3+s23+$0x0], vm14;
	_ =	sdelay $0x4  }
0x7c: {  	vm15 =	vlt.f32 v4, v63  }
0x7d: {  	vm0 =	vmand vm14, vm15  }
0x7e: {  	p0 =	sne.s32 s18, $0x3E00  }
.Ltmp1:
0x7f: {  	_ = 	snop;
	(pc) =	sbr.rel @p0 .LBB2_5-.Ltmp1, $2  }
0x80: {  	_ =	sdelay $0x2  }
0x81: {  	s18 =	sadd.s32 $0x200, s18;
	[tilespmem:v3+s23+$0x0] =	vst.idx.msk vm0, v4  }
0x82: {  	s18 =	sshll.u32 s16, $0x1  }
0x83: {  	s18 =	sadd.s32 $0x2, s18  }
0x84: {  	p0 =	seq.s32 s18, $0x7C;
	s28 =	sshll.u32 s18, $0x9  }
0x85: {  	s28 =	simm.s32 @p0 $0x0  }
0x86: {  	s17 =	simm.s32 $0xF000;
	s18 =	simm.s32 $0x0;
	s29 =	sadd.s32 s1, s28  }
0x87: {  	[tilespmem:s17], [sflag:$0x1] =	stream.linear.gather [hbm4b:s29+s18], $0x1000, $0x38;
	[tilespmem:$0x19000] =	vst v63  }
0x88: {  	s28 =	sadd.s32 s4, s28;
	s29 =	simm.s32 $0x10000  }
0x89: {  	[tilespmem:s29], [sflag:$0x2] =	stream.linear.gather [hbm4b:s28+s18], $0x1000, $0x38;
	[tilespmem:$0x19000] =	vst v63  }
0x8a: {  	_ =	swait.ge [sflag:s24], $0x1000  }
0x8b: {  	[sflag:s24] =	ssyncset.done $0x0  }
0x8c: {  	[sflag:s24] =	ssyncadd.s32 $0xFFFFF000  }
0x8d: {  	_ =	swait.ge [sflag:s25], $0x1000  }
0x8e: {  	[sflag:s25] =	ssyncset.done $0x0  }
0x8f: {  	[sflag:s25] =	ssyncadd.s32 $0xFFFFF000  }
.LBB2_7:
0x90: {  	s28 =	sshra.s32 s18, $0x2  }
0x91: {  	v3 =	vld [tilespmem:s28+$0x14000];
	_ =	sdelay $0x4  }
0x92: {  	v3 =	vsub.s32 v3, v0  }
0x93: {  	vm0 =	vlt.u32 v3, $0x1388;
	_ =	sdelay $0x4  }
0x94: {  	v4 =	vld [tilespmem:s28+$0x15000]  }
0x95: {  	v5 =	vld.idx.msk [tilespmem:v3+s3+$0x0], vm0;
	_ =	sdelay $0x4  }
0x96: {  	vm1 =	vlt.f32 v4, v5  }
0x97: {  	vm0 =	vmand vm0, vm1;
	_ =	sdelay $0x5  }
0x98: {  	[tilespmem:v3+s3+$0x0] =	vst.idx.msk vm0, v4  }
0x99: {  	v3 =	vld [tilespmem:s28+$0x14010];
	_ =	sdelay $0x4  }
0x9a: {  	v3 =	vsub.s32 v3, v0  }
0x9b: {  	vm14 =	vlt.u32 v3, $0x1388;
	_ =	sdelay $0x4  }
0x9c: {  	v4 =	vld [tilespmem:s28+$0x15010]  }
0x9d: {  	v57 =	vld.idx.msk [tilespmem:v3+s21+$0x0], vm14;
	_ =	sdelay $0x4  }
0x9e: {  	vm15 =	vlt.f32 v4, v57  }
0x9f: {  	vm0 =	vmand vm14, vm15;
	_ =	sdelay $0x5  }
0xa0: {  	[tilespmem:v3+s21+$0x0] =	vst.idx.msk vm0, v4  }
0xa1: {  	v3 =	vld [tilespmem:s28+$0x14020];
	_ =	sdelay $0x4  }
0xa2: {  	v3 =	vsub.s32 v3, v0  }
0xa3: {  	vm4 =	vlt.u32 v3, $0x1388;
	_ =	sdelay $0x4  }
0xa4: {  	v4 =	vld [tilespmem:s28+$0x15020]  }
0xa5: {  	v58 =	vld.idx.msk [tilespmem:v3+s22+$0x0], vm4;
	_ =	sdelay $0x4  }
0xa6: {  	vm5 =	vlt.f32 v4, v58  }
0xa7: {  	vm0 =	vmand vm4, vm5;
	_ =	sdelay $0x5  }
0xa8: {  	[tilespmem:v3+s22+$0x0] =	vst.idx.msk vm0, v4  }
0xa9: {  	v3 =	vld [tilespmem:s28+$0x14030];
	_ =	sdelay $0x4  }
0xaa: {  	v3 =	vsub.s32 v3, v0  }
0xab: {  	vm6 =	vlt.u32 v3, $0x1388;
	_ =	sdelay $0x4  }
0xac: {  	v4 =	vld [tilespmem:s28+$0x15030]  }
0xad: {  	v59 =	vld.idx.msk [tilespmem:v3+s23+$0x0], vm6;
	_ =	sdelay $0x4  }
0xae: {  	vm7 =	vlt.f32 v4, v59  }
0xaf: {  	vm0 =	vmand vm6, vm7;
	_ =	sdelay $0x5  }
0xb0: {  	[tilespmem:v3+s23+$0x0] =	vst.idx.msk vm0, v4  }
0xb1: {  	v3 =	vld [tilespmem:s28+$0x14040];
	_ =	sdelay $0x4  }
0xb2: {  	v3 =	vsub.s32 v3, v0  }
0xb3: {  	vm8 =	vlt.u32 v3, $0x1388;
	_ =	sdelay $0x4  }
0xb4: {  	v4 =	vld [tilespmem:s28+$0x15040]  }
0xb5: {  	v60 =	vld.idx.msk [tilespmem:v3+s3+$0x0], vm8;
	_ =	sdelay $0x4  }
0xb6: {  	vm9 =	vlt.f32 v4, v60  }
0xb7: {  	vm0 =	vmand vm8, vm9;
	_ =	sdelay $0x5  }
0xb8: {  	[tilespmem:v3+s3+$0x0] =	vst.idx.msk vm0, v4  }
0xb9: {  	v3 =	vld [tilespmem:s28+$0x14050];
	_ =	sdelay $0x4  }
0xba: {  	v3 =	vsub.s32 v3, v0  }
0xbb: {  	vm10 =	vlt.u32 v3, $0x1388;
	_ =	sdelay $0x4  }
0xbc: {  	v4 =	vld [tilespmem:s28+$0x15050]  }
0xbd: {  	v61 =	vld.idx.msk [tilespmem:v3+s21+$0x0], vm10;
	_ =	sdelay $0x4  }
0xbe: {  	vm11 =	vlt.f32 v4, v61  }
0xbf: {  	vm0 =	vmand vm10, vm11;
	_ =	sdelay $0x5  }
0xc0: {  	[tilespmem:v3+s21+$0x0] =	vst.idx.msk vm0, v4  }
0xc1: {  	v3 =	vld [tilespmem:s28+$0x14060];
	_ =	sdelay $0x4  }
0xc2: {  	v3 =	vsub.s32 v3, v0  }
0xc3: {  	vm12 =	vlt.u32 v3, $0x1388;
	_ =	sdelay $0x4  }
0xc4: {  	v4 =	vld [tilespmem:s28+$0x15060]  }
0xc5: {  	v62 =	vld.idx.msk [tilespmem:v3+s22+$0x0], vm12;
	_ =	sdelay $0x4  }
0xc6: {  	vm13 =	vlt.f32 v4, v62  }
0xc7: {  	vm0 =	vmand vm12, vm13;
	_ =	sdelay $0x5  }
0xc8: {  	[tilespmem:v3+s22+$0x0] =	vst.idx.msk vm0, v4  }
0xc9: {  	v3 =	vld [tilespmem:s28+$0x14070];
	_ =	sdelay $0x4  }
0xca: {  	v3 =	vsub.s32 v3, v0  }
0xcb: {  	vm14 =	vlt.u32 v3, $0x1388;
	_ =	sdelay $0x4  }
0xcc: {  	v4 =	vld [tilespmem:s28+$0x15070]  }
0xcd: {  	v63 =	vld.idx.msk [tilespmem:v3+s23+$0x0], vm14;
	_ =	sdelay $0x4  }
0xce: {  	vm15 =	vlt.f32 v4, v63  }
0xcf: {  	vm0 =	vmand vm14, vm15  }
0xd0: {  	p0 =	sne.s32 s18, $0x3E00  }
.Ltmp2:
0xd1: {  	_ = 	snop;
	(pc) =	sbr.rel @p0 .LBB2_7-.Ltmp2, $2  }
0xd2: {  	_ =	sdelay $0x2  }
0xd3: {  	s18 =	sadd.s32 $0x200, s18;
	[tilespmem:v3+s23+$0x0] =	vst.idx.msk vm0, v4  }
0xd4: {  	s16 =	sadd.s32 $0x1, s16  }
0xd5: {  	p0 =	sne.s32 s16, $0x3E  }
.Ltmp3:
0xd6: {  	_ = 	snop;
	(pc) =	sbr.rel @p0 .LBB2_4-.Ltmp3, $1  }
0xd7: {  	_ =	sdelay $0x3  }
0xd8: {  	_ =	swait.ge [sflag:s19], $0x1000  }
0xd9: {  	[sflag:s19] =	ssyncset.done $0x0  }
0xda: {  	[sflag:s19] =	ssyncadd.s32 $0xFFFFF000  }
0xdb: {  	_ =	swait.ge [sflag:s20], $0x1000  }
0xdc: {  	[sflag:s20] =	ssyncset.done $0x0  }
0xdd: {  	s15 =	simm.s32 $0x0;
	[sflag:s20] =	ssyncadd.s32 $0xFFFFF000  }
0xde: {  	v3 =	vld [tilespmem:s15+$0x1400]  }
0xdf: {  	v4 =	vld [tilespmem:s15+$0x2800]  }
0xe0: {  	s16 =	simm.s32 $0x40;
	v5 =	vld [tilespmem:s15+$0x3C00]  }
.LBB2_10:
0xe1: {  	p0 =	sne.s32 s16, $0x4E00;
	v6 =	vld [tilespmem:s15+$0x0];
	_ =	sdelay $0x2  }
.Ltmp4:
0xe2: {  	(pc) =	sbr.rel @p0 .LBB2_10-.Ltmp4, $4  }
0xe3: {  	s18 =	sshra.s32 s16, $0x2  }
0xe4: {  	v5 =	vmin.f32 v4, v5;
	v6 =	vmin.f32 v6, v3;
	v3 =	vld [tilespmem:s18+$0x1400]  }
0xe5: {  	v4 =	vld [tilespmem:s18+$0x2800];
	v6 =	vmin.f32 v6, v5  }
0xe6: {  	s16 =	sadd.s32 $0x40, s16;
	v5 =	vld [tilespmem:s18+$0x3C00];
	[tilespmem:s15+$0x0] =	vst v6;
	s15 =	smov.u32 s18  }
0xe7: {  	v6 =	vld [tilespmem:s15+$0x0];
	_ =	sdelay $0x4  }
0xe8: {  	v4 =	vmin.f32 v4, v5;
	v3 =	vmin.f32 v6, v3  }
0xe9: {  	v3 =	vmin.f32 v3, v4  }
0xea: {  	s18 =	simm.s32 $0x0;
	s29 =	simm.s32 $0xF000;
	[tilespmem:s15+$0x0] =	vst v3  }
0xeb: {  	[tilespmem:s29], [sflag:$0x1] =	stream.linear.gather [hbm4b:s1+s18], $0x1000, $0x38;
	[tilespmem:$0x19000] =	vst v63  }
0xec: {  	s16 =	simm.s32 $0x10000  }
0xed: {  	[tilespmem:s16], [sflag:$0x2] =	stream.linear.gather [hbm4b:s5+s18], $0x1000, $0x38;
	[tilespmem:$0x19000] =	vst v63  }
0xee: {  	s17 =	simm.s32 $0x11000  }
0xef: {  	[tilespmem:s17], [sflag:$0x3] =	stream.linear.gather [hbm4b:s6+s18], $0x1000, $0x38;
	[tilespmem:$0x19000] =	vst v63  }
0xf0: {  	s28 =	simm.s32 $0x12000  }
0xf1: {  	[tilespmem:s28], [sflag:$0x4] =	stream.linear.gather [hbm4b:s7+s18], $0x1000, $0x38;
	[tilespmem:$0x19000] =	vst v63  }
0xf2: {  	s15 =	simm.s32 $0x0;
	s29 =	simm.s32 $0x13000  }
0xf3: {  	[tilespmem:s29], [sflag:$0x5] =	stream.linear.gather [hbm4b:s8+s18], $0x1000, $0x38;
	[tilespmem:$0x19000] =	vst v63  }
.LBB2_12:
0xf4: {  	s16 =	sshll.u32 s15, $0xA  }
0xf5: {  	s16 =	sor.u32 $0x200, s16  }
0xf6: {  	s17 =	simm.s32 $0x14000;
	s28 =	sadd.s32 s1, s16  }
0xf7: {  	[tilespmem:s17], [sflag:$0x6] =	stream.linear.gather [hbm4b:s28+s18], $0x1000, $0x38;
	[tilespmem:$0x19000] =	vst v63  }
0xf8: {  	s29 =	simm.s32 $0x15000;
	s17 =	sadd.s32 s5, s16  }
0xf9: {  	[tilespmem:s29], [sflag:$0x7] =	stream.linear.gather [hbm4b:s17+s18], $0x1000, $0x38;
	[tilespmem:$0x19000] =	vst v63  }
0xfa: {  	s17 =	sadd.s32 s6, s16;
	s29 =	simm.s32 $0x16000  }
0xfb: {  	[tilespmem:s29], [sflag:$0x8] =	stream.linear.gather [hbm4b:s17+s18], $0x1000, $0x38;
	[tilespmem:$0x19000] =	vst v63  }
0xfc: {  	s17 =	sadd.s32 s7, s16;
	s29 =	simm.s32 $0x17000  }
0xfd: {  	[tilespmem:s29], [sflag:$0x9] =	stream.linear.gather [hbm4b:s17+s18], $0x1000, $0x38;
	[tilespmem:$0x19000] =	vst v63  }
0xfe: {  	s16 =	sadd.s32 s8, s16;
	s29 =	simm.s32 $0x18000  }
0xff: {  	[tilespmem:s29], [sflag:$0xA] =	stream.linear.gather [hbm4b:s16+s18], $0x1000, $0x38;
	[tilespmem:$0x19000] =	vst v63  }
0x100: {  	_ =	swait.ge [sflag:s19], $0x1000  }
0x101: {  	[sflag:s19] =	ssyncset.done $0x0  }
0x102: {  	[sflag:s19] =	ssyncadd.s32 $0xFFFFF000  }
0x103: {  	_ =	swait.ge [sflag:s20], $0x1000  }
0x104: {  	[sflag:s20] =	ssyncset.done $0x0  }
0x105: {  	[sflag:s20] =	ssyncadd.s32 $0xFFFFF000  }
0x106: {  	_ =	swait.ge [sflag:s2], $0x1000  }
0x107: {  	[sflag:s2] =	ssyncset.done $0x0  }
0x108: {  	[sflag:s2] =	ssyncadd.s32 $0xFFFFF000  }
0x109: {  	_ =	swait.ge [sflag:s9], $0x1000  }
0x10a: {  	[sflag:s9] =	ssyncset.done $0x0  }
0x10b: {  	[sflag:s9] =	ssyncadd.s32 $0xFFFFF000  }
0x10c: {  	_ =	swait.ge [sflag:s10], $0x1000  }
0x10d: {  	[sflag:s10] =	ssyncset.done $0x0  }
0x10e: {  	s16 =	simm.s32 $0x0;
	[sflag:s10] =	ssyncadd.s32 $0xFFFFF000  }
.LBB2_13:
0x10f: {  	s28 =	sshra.s32 s16, $0x2  }
0x110: {  	v3 =	vld [tilespmem:s28+$0xF000];
	_ =	sdelay $0x4  }
0x111: {  	v3 =	vsub.s32 v3, v0  }
0x112: {  	vm0 =	vlt.u32 v3, $0x1388;
	_ =	sdelay $0x4  }
0x113: {  	v4 =	vld [tilespmem:s28+$0x10000]  }
0x114: {  	v5 =	vld.idx.msk [tilespmem:v3+s3+$0x0], vm0;
	_ =	sdelay $0x4  }
0x115: {  	v6 =	vsub.f32 v4, v5;
	_ =	sdelay $0x1  }
0x116: {  	v6 =	vmax.f32 v6, $0.0e+00  }
0x117: {  	v6 =	vmul.f32 $-1.000000000e+02, v6;
	_ =	sdelay $0x1  }
0x118: {  	v6 =	vmul.f32 $1.442695020e+00, v6;
	_ =	sdelay $0x1  }
0x119: {  	(erf) = vpow2.f32 v6;
	_ =	sdelay $0x1  }
0x11a: {  	v5 =	vadd.f32 $1.000000010e-01, v5;
	_ =	sdelay $0x1  }
0x11b: {  	vm1 =	vle.f32 v4, v5  }
0x11c: {  	v18 =	vld [tilespmem:s28+$0x11000];
	vm0 =	vmand vm0, vm1  }
0x11d: {  	v19 =	vld [tilespmem:s28+$0x12000]  }
0x11e: {  	v20 =	vld [tilespmem:s28+$0x13000];
	_ =	sdelay $0x1  }
0x11f: {  	v7 =	vpop (erf)  }
0x120: {  	v4 =	vmul.f32 v7, v18  }
0x121: {  	[tilespmem:v3+s11+$0x0] =	vst.idx.add.f32.msk vm0, v7;
	v5 =	vmul.f32 v7, v19  }
0x122: {  	v21 =	vmul.f32 v7, v20;
	[tilespmem:v3+s12+$0x0] =	vst.idx.add.f32.msk vm0, v4  }
0x123: {  	[tilespmem:v3+s13+$0x0] =	vst.idx.add.f32.msk vm0, v5  }
0x124: {  	[tilespmem:v3+s14+$0x0] =	vst.idx.add.f32.msk vm0, v21  }
0x125: {  	v3 =	vld [tilespmem:s28+$0xF010];
	_ =	sdelay $0x4  }
0x126: {  	v3 =	vsub.s32 v3, v0  }
0x127: {  	vm14 =	vlt.u32 v3, $0x1388;
	_ =	sdelay $0x4  }
0x128: {  	v4 =	vld [tilespmem:s28+$0x10010]  }
0x129: {  	v5 =	vld.idx.msk [tilespmem:v3+s3+$0x0], vm14;
	_ =	sdelay $0x4  }
0x12a: {  	v22 =	vsub.f32 v4, v5;
	_ =	sdelay $0x1  }
0x12b: {  	v6 =	vmax.f32 v22, $0.0e+00  }
0x12c: {  	v6 =	vmul.f32 $-1.000000000e+02, v6;
	_ =	sdelay $0x1  }
0x12d: {  	v6 =	vmul.f32 $1.442695020e+00, v6;
	_ =	sdelay $0x1  }
0x12e: {  	(erf) = vpow2.f32 v6;
	_ =	sdelay $0x1  }
0x12f: {  	v5 =	vadd.f32 $1.000000010e-01, v5;
	_ =	sdelay $0x1  }
0x130: {  	vm15 =	vle.f32 v4, v5  }
0x131: {  	v23 =	vld [tilespmem:s28+$0x11010];
	vm0 =	vmand vm14, vm15  }
0x132: {  	v24 =	vld [tilespmem:s28+$0x12010]  }
0x133: {  	v25 =	vld [tilespmem:s28+$0x13010];
	_ =	sdelay $0x1  }
0x134: {  	v26 =	vpop (erf)  }
0x135: {  	v4 =	vmul.f32 v26, v23  }
0x136: {  	[tilespmem:v3+s30+$0x0] =	vst.idx.add.f32.msk vm0, v26;
	v5 =	vmul.f32 v26, v24  }
0x137: {  	v27 =	vmul.f32 v26, v25;
	[tilespmem:v3+s31+$0x0] =	vst.idx.add.f32.msk vm0, v4  }
0x138: {  	[tilespmem:v3+s0+$0x0] =	vst.idx.add.f32.msk vm0, v5  }
0x139: {  	[tilespmem:v3+s26+$0x0] =	vst.idx.add.f32.msk vm0, v27  }
0x13a: {  	v3 =	vld [tilespmem:s28+$0xF020];
	_ =	sdelay $0x4  }
0x13b: {  	v3 =	vsub.s32 v3, v0  }
0x13c: {  	vm4 =	vlt.u32 v3, $0x1388;
	_ =	sdelay $0x4  }
0x13d: {  	v4 =	vld [tilespmem:s28+$0x10020]  }
0x13e: {  	v5 =	vld.idx.msk [tilespmem:v3+s3+$0x0], vm4;
	_ =	sdelay $0x4  }
0x13f: {  	v28 =	vsub.f32 v4, v5;
	_ =	sdelay $0x1  }
0x140: {  	v6 =	vmax.f32 v28, $0.0e+00  }
0x141: {  	v6 =	vmul.f32 $-1.000000000e+02, v6;
	_ =	sdelay $0x1  }
0x142: {  	v6 =	vmul.f32 $1.442695020e+00, v6;
	_ =	sdelay $0x1  }
0x143: {  	(erf) = vpow2.f32 v6;
	_ =	sdelay $0x1  }
0x144: {  	v5 =	vadd.f32 $1.000000010e-01, v5;
	_ =	sdelay $0x1  }
0x145: {  	vm5 =	vle.f32 v4, v5  }
0x146: {  	v29 =	vld [tilespmem:s28+$0x11020];
	vm0 =	vmand vm4, vm5  }
0x147: {  	v30 =	vld [tilespmem:s28+$0x12020]  }
0x148: {  	v31 =	vld [tilespmem:s28+$0x13020];
	_ =	sdelay $0x1  }
0x149: {  	v32 =	vpop (erf)  }
0x14a: {  	v4 =	vmul.f32 v32, v29  }
0x14b: {  	[tilespmem:v3+s11+$0x0] =	vst.idx.add.f32.msk vm0, v32;
	v5 =	vmul.f32 v32, v30  }
0x14c: {  	v33 =	vmul.f32 v32, v31;
	[tilespmem:v3+s12+$0x0] =	vst.idx.add.f32.msk vm0, v4  }
0x14d: {  	[tilespmem:v3+s13+$0x0] =	vst.idx.add.f32.msk vm0, v5  }
0x14e: {  	[tilespmem:v3+s14+$0x0] =	vst.idx.add.f32.msk vm0, v33  }
0x14f: {  	v3 =	vld [tilespmem:s28+$0xF030];
	_ =	sdelay $0x4  }
0x150: {  	v3 =	vsub.s32 v3, v0  }
0x151: {  	vm6 =	vlt.u32 v3, $0x1388;
	_ =	sdelay $0x4  }
0x152: {  	v4 =	vld [tilespmem:s28+$0x10030]  }
0x153: {  	v5 =	vld.idx.msk [tilespmem:v3+s3+$0x0], vm6;
	_ =	sdelay $0x4  }
0x154: {  	v34 =	vsub.f32 v4, v5;
	_ =	sdelay $0x1  }
0x155: {  	v6 =	vmax.f32 v34, $0.0e+00  }
0x156: {  	v6 =	vmul.f32 $-1.000000000e+02, v6;
	_ =	sdelay $0x1  }
0x157: {  	v6 =	vmul.f32 $1.442695020e+00, v6;
	_ =	sdelay $0x1  }
0x158: {  	(erf) = vpow2.f32 v6;
	_ =	sdelay $0x1  }
0x159: {  	v5 =	vadd.f32 $1.000000010e-01, v5;
	_ =	sdelay $0x1  }
0x15a: {  	vm7 =	vle.f32 v4, v5  }
0x15b: {  	v35 =	vld [tilespmem:s28+$0x11030];
	vm0 =	vmand vm6, vm7  }
0x15c: {  	v36 =	vld [tilespmem:s28+$0x12030]  }
0x15d: {  	v37 =	vld [tilespmem:s28+$0x13030];
	_ =	sdelay $0x1  }
0x15e: {  	v38 =	vpop (erf)  }
0x15f: {  	v4 =	vmul.f32 v38, v35  }
0x160: {  	[tilespmem:v3+s30+$0x0] =	vst.idx.add.f32.msk vm0, v38;
	v5 =	vmul.f32 v38, v36  }
0x161: {  	v39 =	vmul.f32 v38, v37;
	[tilespmem:v3+s31+$0x0] =	vst.idx.add.f32.msk vm0, v4  }
0x162: {  	[tilespmem:v3+s0+$0x0] =	vst.idx.add.f32.msk vm0, v5  }
0x163: {  	[tilespmem:v3+s26+$0x0] =	vst.idx.add.f32.msk vm0, v39  }
0x164: {  	v3 =	vld [tilespmem:s28+$0xF040];
	_ =	sdelay $0x4  }
0x165: {  	v3 =	vsub.s32 v3, v0  }
0x166: {  	vm8 =	vlt.u32 v3, $0x1388;
	_ =	sdelay $0x4  }
0x167: {  	v4 =	vld [tilespmem:s28+$0x10040]  }
0x168: {  	v5 =	vld.idx.msk [tilespmem:v3+s3+$0x0], vm8;
	_ =	sdelay $0x4  }
0x169: {  	v40 =	vsub.f32 v4, v5;
	_ =	sdelay $0x1  }
0x16a: {  	v6 =	vmax.f32 v40, $0.0e+00  }
0x16b: {  	v6 =	vmul.f32 $-1.000000000e+02, v6;
	_ =	sdelay $0x1  }
0x16c: {  	v6 =	vmul.f32 $1.442695020e+00, v6;
	_ =	sdelay $0x1  }
0x16d: {  	(erf) = vpow2.f32 v6;
	_ =	sdelay $0x1  }
0x16e: {  	v5 =	vadd.f32 $1.000000010e-01, v5;
	_ =	sdelay $0x1  }
0x16f: {  	vm9 =	vle.f32 v4, v5  }
0x170: {  	v41 =	vld [tilespmem:s28+$0x11040];
	vm0 =	vmand vm8, vm9  }
0x171: {  	v42 =	vld [tilespmem:s28+$0x12040]  }
0x172: {  	v43 =	vld [tilespmem:s28+$0x13040];
	_ =	sdelay $0x1  }
0x173: {  	v44 =	vpop (erf)  }
0x174: {  	v4 =	vmul.f32 v44, v41  }
0x175: {  	[tilespmem:v3+s11+$0x0] =	vst.idx.add.f32.msk vm0, v44;
	v5 =	vmul.f32 v44, v42  }
0x176: {  	v45 =	vmul.f32 v44, v43;
	[tilespmem:v3+s12+$0x0] =	vst.idx.add.f32.msk vm0, v4  }
0x177: {  	[tilespmem:v3+s13+$0x0] =	vst.idx.add.f32.msk vm0, v5  }
0x178: {  	[tilespmem:v3+s14+$0x0] =	vst.idx.add.f32.msk vm0, v45  }
0x179: {  	v3 =	vld [tilespmem:s28+$0xF050];
	_ =	sdelay $0x4  }
0x17a: {  	v3 =	vsub.s32 v3, v0  }
0x17b: {  	vm10 =	vlt.u32 v3, $0x1388;
	_ =	sdelay $0x4  }
0x17c: {  	v4 =	vld [tilespmem:s28+$0x10050]  }
0x17d: {  	v5 =	vld.idx.msk [tilespmem:v3+s3+$0x0], vm10;
	_ =	sdelay $0x4  }
0x17e: {  	v46 =	vsub.f32 v4, v5;
	_ =	sdelay $0x1  }
0x17f: {  	v6 =	vmax.f32 v46, $0.0e+00  }
0x180: {  	v6 =	vmul.f32 $-1.000000000e+02, v6;
	_ =	sdelay $0x1  }
0x181: {  	v6 =	vmul.f32 $1.442695020e+00, v6;
	_ =	sdelay $0x1  }
0x182: {  	(erf) = vpow2.f32 v6;
	_ =	sdelay $0x1  }
0x183: {  	v5 =	vadd.f32 $1.000000010e-01, v5;
	_ =	sdelay $0x1  }
0x184: {  	vm11 =	vle.f32 v4, v5  }
0x185: {  	v47 =	vld [tilespmem:s28+$0x11050];
	vm0 =	vmand vm10, vm11  }
0x186: {  	v48 =	vld [tilespmem:s28+$0x12050]  }
0x187: {  	v49 =	vld [tilespmem:s28+$0x13050];
	_ =	sdelay $0x1  }
0x188: {  	v50 =	vpop (erf)  }
0x189: {  	v4 =	vmul.f32 v50, v47  }
0x18a: {  	[tilespmem:v3+s30+$0x0] =	vst.idx.add.f32.msk vm0, v50;
	v5 =	vmul.f32 v50, v48  }
0x18b: {  	v51 =	vmul.f32 v50, v49;
	[tilespmem:v3+s31+$0x0] =	vst.idx.add.f32.msk vm0, v4  }
0x18c: {  	[tilespmem:v3+s0+$0x0] =	vst.idx.add.f32.msk vm0, v5  }
0x18d: {  	[tilespmem:v3+s26+$0x0] =	vst.idx.add.f32.msk vm0, v51  }
0x18e: {  	v3 =	vld [tilespmem:s28+$0xF060];
	_ =	sdelay $0x4  }
0x18f: {  	v3 =	vsub.s32 v3, v0  }
0x190: {  	vm12 =	vlt.u32 v3, $0x1388;
	_ =	sdelay $0x4  }
0x191: {  	v4 =	vld [tilespmem:s28+$0x10060]  }
0x192: {  	v5 =	vld.idx.msk [tilespmem:v3+s3+$0x0], vm12;
	_ =	sdelay $0x4  }
0x193: {  	v52 =	vsub.f32 v4, v5;
	_ =	sdelay $0x1  }
0x194: {  	v6 =	vmax.f32 v52, $0.0e+00  }
0x195: {  	v6 =	vmul.f32 $-1.000000000e+02, v6;
	_ =	sdelay $0x1  }
0x196: {  	v6 =	vmul.f32 $1.442695020e+00, v6;
	_ =	sdelay $0x1  }
0x197: {  	(erf) = vpow2.f32 v6;
	_ =	sdelay $0x1  }
0x198: {  	v5 =	vadd.f32 $1.000000010e-01, v5;
	_ =	sdelay $0x1  }
0x199: {  	vm13 =	vle.f32 v4, v5  }
0x19a: {  	v53 =	vld [tilespmem:s28+$0x11060];
	vm0 =	vmand vm12, vm13  }
0x19b: {  	v54 =	vld [tilespmem:s28+$0x12060]  }
0x19c: {  	v55 =	vld [tilespmem:s28+$0x13060];
	_ =	sdelay $0x1  }
0x19d: {  	v56 =	vpop (erf)  }
0x19e: {  	v4 =	vmul.f32 v56, v53  }
0x19f: {  	[tilespmem:v3+s11+$0x0] =	vst.idx.add.f32.msk vm0, v56;
	v5 =	vmul.f32 v56, v54  }
0x1a0: {  	v57 =	vmul.f32 v56, v55;
	[tilespmem:v3+s12+$0x0] =	vst.idx.add.f32.msk vm0, v4  }
0x1a1: {  	[tilespmem:v3+s13+$0x0] =	vst.idx.add.f32.msk vm0, v5  }
0x1a2: {  	[tilespmem:v3+s14+$0x0] =	vst.idx.add.f32.msk vm0, v57  }
0x1a3: {  	v3 =	vld [tilespmem:s28+$0xF070];
	_ =	sdelay $0x4  }
0x1a4: {  	v3 =	vsub.s32 v3, v0  }
0x1a5: {  	vm14 =	vlt.u32 v3, $0x1388;
	_ =	sdelay $0x4  }
0x1a6: {  	v4 =	vld [tilespmem:s28+$0x10070]  }
0x1a7: {  	v5 =	vld.idx.msk [tilespmem:v3+s3+$0x0], vm14;
	_ =	sdelay $0x4  }
0x1a8: {  	v58 =	vsub.f32 v4, v5;
	_ =	sdelay $0x1  }
0x1a9: {  	v6 =	vmax.f32 v58, $0.0e+00  }
0x1aa: {  	v6 =	vmul.f32 $-1.000000000e+02, v6;
	_ =	sdelay $0x1  }
0x1ab: {  	v6 =	vmul.f32 $1.442695020e+00, v6;
	_ =	sdelay $0x1  }
0x1ac: {  	(erf) = vpow2.f32 v6;
	_ =	sdelay $0x1  }
0x1ad: {  	v5 =	vadd.f32 $1.000000010e-01, v5;
	_ =	sdelay $0x1  }
0x1ae: {  	vm15 =	vle.f32 v4, v5  }
0x1af: {  	v59 =	vld [tilespmem:s28+$0x11070];
	vm0 =	vmand vm14, vm15  }
0x1b0: {  	v60 =	vld [tilespmem:s28+$0x12070]  }
0x1b1: {  	v61 =	vld [tilespmem:s28+$0x13070];
	_ =	sdelay $0x1  }
0x1b2: {  	p0 =	sne.s32 s16, $0x3E00;
	v62 =	vpop (erf)  }
.Ltmp5:
0x1b3: {  	v4 =	vmul.f32 v62, v59;
	(pc) =	sbr.rel @p0 .LBB2_13-.Ltmp5, $4  }
0x1b4: {  	[tilespmem:v3+s30+$0x0] =	vst.idx.add.f32.msk vm0, v62;
	v5 =	vmul.f32 v62, v60  }
0x1b5: {  	v63 =	vmul.f32 v62, v61;
	[tilespmem:v3+s31+$0x0] =	vst.idx.add.f32.msk vm0, v4  }
0x1b6: {  	[tilespmem:v3+s0+$0x0] =	vst.idx.add.f32.msk vm0, v5  }
0x1b7: {  	s16 =	sadd.s32 $0x200, s16;
	[tilespmem:v3+s26+$0x0] =	vst.idx.add.f32.msk vm0, v63  }
0x1b8: {  	s16 =	sshll.u32 s15, $0x1  }
0x1b9: {  	s16 =	sadd.s32 $0x2, s16  }
0x1ba: {  	p0 =	seq.s32 s16, $0x7C;
	s28 =	sshll.u32 s16, $0x9  }
0x1bb: {  	s28 =	simm.s32 @p0 $0x0  }
0x1bc: {  	s17 =	simm.s32 $0xF000;
	s16 =	simm.s32 $0x0;
	s29 =	sadd.s32 s1, s28  }
0x1bd: {  	[tilespmem:s17], [sflag:$0x1] =	stream.linear.gather [hbm4b:s29+s16], $0x1000, $0x38;
	[tilespmem:$0x19000] =	vst v63  }
0x1be: {  	s29 =	sadd.s32 s5, s28;
	s17 =	simm.s32 $0x10000  }
0x1bf: {  	[tilespmem:s17], [sflag:$0x2] =	stream.linear.gather [hbm4b:s29+s16], $0x1000, $0x38;
	[tilespmem:$0x19000] =	vst v63  }
0x1c0: {  	s29 =	sadd.s32 s6, s28;
	s17 =	simm.s32 $0x11000  }
0x1c1: {  	[tilespmem:s17], [sflag:$0x3] =	stream.linear.gather [hbm4b:s29+s16], $0x1000, $0x38;
	[tilespmem:$0x19000] =	vst v63  }
0x1c2: {  	s29 =	sadd.s32 s7, s28;
	s17 =	simm.s32 $0x12000  }
0x1c3: {  	[tilespmem:s17], [sflag:$0x4] =	stream.linear.gather [hbm4b:s29+s16], $0x1000, $0x38;
	[tilespmem:$0x19000] =	vst v63  }
0x1c4: {  	s28 =	sadd.s32 s8, s28;
	s29 =	simm.s32 $0x13000  }
0x1c5: {  	[tilespmem:s29], [sflag:$0x5] =	stream.linear.gather [hbm4b:s28+s16], $0x1000, $0x38;
	[tilespmem:$0x19000] =	vst v63  }
0x1c6: {  	_ =	swait.ge [sflag:s24], $0x1000  }
0x1c7: {  	[sflag:s24] =	ssyncset.done $0x0  }
0x1c8: {  	[sflag:s24] =	ssyncadd.s32 $0xFFFFF000  }
0x1c9: {  	_ =	swait.ge [sflag:s25], $0x1000  }
0x1ca: {  	[sflag:s25] =	ssyncset.done $0x0  }
0x1cb: {  	s29 =	simm.s32 $0x8;
	[sflag:s25] =	ssyncadd.s32 $0xFFFFF000  }
0x1cc: {  	_ =	swait.ge [sflag:s29], $0x1000  }
0x1cd: {  	[sflag:s29] =	ssyncset.done $0x0  }
0x1ce: {  	s28 =	simm.s32 $0x9;
	[sflag:s29] =	ssyncadd.s32 $0xFFFFF000  }
0x1cf: {  	_ =	swait.ge [sflag:s28], $0x1000  }
0x1d0: {  	[sflag:s28] =	ssyncset.done $0x0  }
0x1d1: {  	s29 =	simm.s32 $0xA;
	[sflag:s28] =	ssyncadd.s32 $0xFFFFF000  }
0x1d2: {  	_ =	swait.ge [sflag:s29], $0x1000  }
0x1d3: {  	[sflag:s29] =	ssyncset.done $0x0  }
0x1d4: {  	[sflag:s29] =	ssyncadd.s32 $0xFFFFF000  }
.LBB2_15:
0x1d5: {  	s28 =	sshra.s32 s16, $0x2  }
0x1d6: {  	v3 =	vld [tilespmem:s28+$0x14000];
	_ =	sdelay $0x4  }
0x1d7: {  	v3 =	vsub.s32 v3, v0  }
0x1d8: {  	vm0 =	vlt.u32 v3, $0x1388;
	_ =	sdelay $0x4  }
0x1d9: {  	v4 =	vld [tilespmem:s28+$0x15000]  }
0x1da: {  	v5 =	vld.idx.msk [tilespmem:v3+s3+$0x0], vm0;
	_ =	sdelay $0x4  }
0x1db: {  	v6 =	vsub.f32 v4, v5;
	_ =	sdelay $0x1  }
0x1dc: {  	v6 =	vmax.f32 v6, $0.0e+00  }
0x1dd: {  	v6 =	vmul.f32 $-1.000000000e+02, v6;
	_ =	sdelay $0x1  }
0x1de: {  	v6 =	vmul.f32 $1.442695020e+00, v6;
	_ =	sdelay $0x1  }
0x1df: {  	(erf) = vpow2.f32 v6;
	_ =	sdelay $0x1  }
0x1e0: {  	v5 =	vadd.f32 $1.000000010e-01, v5;
	_ =	sdelay $0x1  }
0x1e1: {  	vm1 =	vle.f32 v4, v5  }
0x1e2: {  	v18 =	vld [tilespmem:s28+$0x16000];
	vm0 =	vmand vm0, vm1  }
0x1e3: {  	v19 =	vld [tilespmem:s28+$0x17000]  }
0x1e4: {  	v20 =	vld [tilespmem:s28+$0x18000];
	_ =	sdelay $0x1  }
0x1e5: {  	v7 =	vpop (erf)  }
0x1e6: {  	v4 =	vmul.f32 v7, v18  }
0x1e7: {  	[tilespmem:v3+s11+$0x0] =	vst.idx.add.f32.msk vm0, v7;
	v5 =	vmul.f32 v7, v19  }
0x1e8: {  	v21 =	vmul.f32 v7, v20;
	[tilespmem:v3+s12+$0x0] =	vst.idx.add.f32.msk vm0, v4  }
0x1e9: {  	[tilespmem:v3+s13+$0x0] =	vst.idx.add.f32.msk vm0, v5  }
0x1ea: {  	[tilespmem:v3+s14+$0x0] =	vst.idx.add.f32.msk vm0, v21  }
0x1eb: {  	v3 =	vld [tilespmem:s28+$0x14010];
	_ =	sdelay $0x4  }
0x1ec: {  	v3 =	vsub.s32 v3, v0  }
0x1ed: {  	vm14 =	vlt.u32 v3, $0x1388;
	_ =	sdelay $0x4  }
0x1ee: {  	v4 =	vld [tilespmem:s28+$0x15010]  }
0x1ef: {  	v5 =	vld.idx.msk [tilespmem:v3+s3+$0x0], vm14;
	_ =	sdelay $0x4  }
0x1f0: {  	v22 =	vsub.f32 v4, v5;
	_ =	sdelay $0x1  }
0x1f1: {  	v6 =	vmax.f32 v22, $0.0e+00  }
0x1f2: {  	v6 =	vmul.f32 $-1.000000000e+02, v6;
	_ =	sdelay $0x1  }
0x1f3: {  	v6 =	vmul.f32 $1.442695020e+00, v6;
	_ =	sdelay $0x1  }
0x1f4: {  	(erf) = vpow2.f32 v6;
	_ =	sdelay $0x1  }
0x1f5: {  	v5 =	vadd.f32 $1.000000010e-01, v5;
	_ =	sdelay $0x1  }
0x1f6: {  	vm15 =	vle.f32 v4, v5  }
0x1f7: {  	v23 =	vld [tilespmem:s28+$0x16010];
	vm0 =	vmand vm14, vm15  }
0x1f8: {  	v24 =	vld [tilespmem:s28+$0x17010]  }
0x1f9: {  	v25 =	vld [tilespmem:s28+$0x18010];
	_ =	sdelay $0x1  }
0x1fa: {  	v26 =	vpop (erf)  }
0x1fb: {  	v4 =	vmul.f32 v26, v23  }
0x1fc: {  	[tilespmem:v3+s30+$0x0] =	vst.idx.add.f32.msk vm0, v26;
	v5 =	vmul.f32 v26, v24  }
0x1fd: {  	v27 =	vmul.f32 v26, v25;
	[tilespmem:v3+s31+$0x0] =	vst.idx.add.f32.msk vm0, v4  }
0x1fe: {  	[tilespmem:v3+s0+$0x0] =	vst.idx.add.f32.msk vm0, v5  }
0x1ff: {  	[tilespmem:v3+s26+$0x0] =	vst.idx.add.f32.msk vm0, v27  }
0x200: {  	v3 =	vld [tilespmem:s28+$0x14020];
	_ =	sdelay $0x4  }
0x201: {  	v3 =	vsub.s32 v3, v0  }
0x202: {  	vm4 =	vlt.u32 v3, $0x1388;
	_ =	sdelay $0x4  }
0x203: {  	v4 =	vld [tilespmem:s28+$0x15020]  }
0x204: {  	v5 =	vld.idx.msk [tilespmem:v3+s3+$0x0], vm4;
	_ =	sdelay $0x4  }
0x205: {  	v28 =	vsub.f32 v4, v5;
	_ =	sdelay $0x1  }
0x206: {  	v6 =	vmax.f32 v28, $0.0e+00  }
0x207: {  	v6 =	vmul.f32 $-1.000000000e+02, v6;
	_ =	sdelay $0x1  }
0x208: {  	v6 =	vmul.f32 $1.442695020e+00, v6;
	_ =	sdelay $0x1  }
0x209: {  	(erf) = vpow2.f32 v6;
	_ =	sdelay $0x1  }
0x20a: {  	v5 =	vadd.f32 $1.000000010e-01, v5;
	_ =	sdelay $0x1  }
0x20b: {  	vm5 =	vle.f32 v4, v5  }
0x20c: {  	v29 =	vld [tilespmem:s28+$0x16020];
	vm0 =	vmand vm4, vm5  }
0x20d: {  	v30 =	vld [tilespmem:s28+$0x17020]  }
0x20e: {  	v31 =	vld [tilespmem:s28+$0x18020];
	_ =	sdelay $0x1  }
0x20f: {  	v32 =	vpop (erf)  }
0x210: {  	v4 =	vmul.f32 v32, v29  }
0x211: {  	[tilespmem:v3+s11+$0x0] =	vst.idx.add.f32.msk vm0, v32;
	v5 =	vmul.f32 v32, v30  }
0x212: {  	v33 =	vmul.f32 v32, v31;
	[tilespmem:v3+s12+$0x0] =	vst.idx.add.f32.msk vm0, v4  }
0x213: {  	[tilespmem:v3+s13+$0x0] =	vst.idx.add.f32.msk vm0, v5  }
0x214: {  	[tilespmem:v3+s14+$0x0] =	vst.idx.add.f32.msk vm0, v33  }
0x215: {  	v3 =	vld [tilespmem:s28+$0x14030];
	_ =	sdelay $0x4  }
0x216: {  	v3 =	vsub.s32 v3, v0  }
0x217: {  	vm6 =	vlt.u32 v3, $0x1388;
	_ =	sdelay $0x4  }
0x218: {  	v4 =	vld [tilespmem:s28+$0x15030]  }
0x219: {  	v5 =	vld.idx.msk [tilespmem:v3+s3+$0x0], vm6;
	_ =	sdelay $0x4  }
0x21a: {  	v34 =	vsub.f32 v4, v5;
	_ =	sdelay $0x1  }
0x21b: {  	v6 =	vmax.f32 v34, $0.0e+00  }
0x21c: {  	v6 =	vmul.f32 $-1.000000000e+02, v6;
	_ =	sdelay $0x1  }
0x21d: {  	v6 =	vmul.f32 $1.442695020e+00, v6;
	_ =	sdelay $0x1  }
0x21e: {  	(erf) = vpow2.f32 v6;
	_ =	sdelay $0x1  }
0x21f: {  	v5 =	vadd.f32 $1.000000010e-01, v5;
	_ =	sdelay $0x1  }
0x220: {  	vm7 =	vle.f32 v4, v5  }
0x221: {  	v35 =	vld [tilespmem:s28+$0x16030];
	vm0 =	vmand vm6, vm7  }
0x222: {  	v36 =	vld [tilespmem:s28+$0x17030]  }
0x223: {  	v37 =	vld [tilespmem:s28+$0x18030];
	_ =	sdelay $0x1  }
0x224: {  	v38 =	vpop (erf)  }
0x225: {  	v4 =	vmul.f32 v38, v35  }
0x226: {  	[tilespmem:v3+s30+$0x0] =	vst.idx.add.f32.msk vm0, v38;
	v5 =	vmul.f32 v38, v36  }
0x227: {  	v39 =	vmul.f32 v38, v37;
	[tilespmem:v3+s31+$0x0] =	vst.idx.add.f32.msk vm0, v4  }
0x228: {  	[tilespmem:v3+s0+$0x0] =	vst.idx.add.f32.msk vm0, v5  }
0x229: {  	[tilespmem:v3+s26+$0x0] =	vst.idx.add.f32.msk vm0, v39  }
0x22a: {  	v3 =	vld [tilespmem:s28+$0x14040];
	_ =	sdelay $0x4  }
0x22b: {  	v3 =	vsub.s32 v3, v0  }
0x22c: {  	vm8 =	vlt.u32 v3, $0x1388;
	_ =	sdelay $0x4  }
0x22d: {  	v4 =	vld [tilespmem:s28+$0x15040]  }
0x22e: {  	v5 =	vld.idx.msk [tilespmem:v3+s3+$0x0], vm8;
	_ =	sdelay $0x4  }
0x22f: {  	v40 =	vsub.f32 v4, v5;
	_ =	sdelay $0x1  }
0x230: {  	v6 =	vmax.f32 v40, $0.0e+00  }
0x231: {  	v6 =	vmul.f32 $-1.000000000e+02, v6;
	_ =	sdelay $0x1  }
0x232: {  	v6 =	vmul.f32 $1.442695020e+00, v6;
	_ =	sdelay $0x1  }
0x233: {  	(erf) = vpow2.f32 v6;
	_ =	sdelay $0x1  }
0x234: {  	v5 =	vadd.f32 $1.000000010e-01, v5;
	_ =	sdelay $0x1  }
0x235: {  	vm9 =	vle.f32 v4, v5  }
0x236: {  	v41 =	vld [tilespmem:s28+$0x16040];
	vm0 =	vmand vm8, vm9  }
0x237: {  	v42 =	vld [tilespmem:s28+$0x17040]  }
0x238: {  	v43 =	vld [tilespmem:s28+$0x18040];
	_ =	sdelay $0x1  }
0x239: {  	v44 =	vpop (erf)  }
0x23a: {  	v4 =	vmul.f32 v44, v41  }
0x23b: {  	[tilespmem:v3+s11+$0x0] =	vst.idx.add.f32.msk vm0, v44;
	v5 =	vmul.f32 v44, v42  }
0x23c: {  	v45 =	vmul.f32 v44, v43;
	[tilespmem:v3+s12+$0x0] =	vst.idx.add.f32.msk vm0, v4  }
0x23d: {  	[tilespmem:v3+s13+$0x0] =	vst.idx.add.f32.msk vm0, v5  }
0x23e: {  	[tilespmem:v3+s14+$0x0] =	vst.idx.add.f32.msk vm0, v45  }
0x23f: {  	v3 =	vld [tilespmem:s28+$0x14050];
	_ =	sdelay $0x4  }
0x240: {  	v3 =	vsub.s32 v3, v0  }
0x241: {  	vm10 =	vlt.u32 v3, $0x1388;
	_ =	sdelay $0x4  }
0x242: {  	v4 =	vld [tilespmem:s28+$0x15050]  }
0x243: {  	v5 =	vld.idx.msk [tilespmem:v3+s3+$0x0], vm10;
	_ =	sdelay $0x4  }
0x244: {  	v46 =	vsub.f32 v4, v5;
	_ =	sdelay $0x1  }
0x245: {  	v6 =	vmax.f32 v46, $0.0e+00  }
0x246: {  	v6 =	vmul.f32 $-1.000000000e+02, v6;
	_ =	sdelay $0x1  }
0x247: {  	v6 =	vmul.f32 $1.442695020e+00, v6;
	_ =	sdelay $0x1  }
0x248: {  	(erf) = vpow2.f32 v6;
	_ =	sdelay $0x1  }
0x249: {  	v5 =	vadd.f32 $1.000000010e-01, v5;
	_ =	sdelay $0x1  }
0x24a: {  	vm11 =	vle.f32 v4, v5  }
0x24b: {  	v47 =	vld [tilespmem:s28+$0x16050];
	vm0 =	vmand vm10, vm11  }
0x24c: {  	v48 =	vld [tilespmem:s28+$0x17050]  }
0x24d: {  	v49 =	vld [tilespmem:s28+$0x18050];
	_ =	sdelay $0x1  }
0x24e: {  	v50 =	vpop (erf)  }
0x24f: {  	v4 =	vmul.f32 v50, v47  }
0x250: {  	[tilespmem:v3+s30+$0x0] =	vst.idx.add.f32.msk vm0, v50;
	v5 =	vmul.f32 v50, v48  }
0x251: {  	v51 =	vmul.f32 v50, v49;
	[tilespmem:v3+s31+$0x0] =	vst.idx.add.f32.msk vm0, v4  }
0x252: {  	[tilespmem:v3+s0+$0x0] =	vst.idx.add.f32.msk vm0, v5  }
0x253: {  	[tilespmem:v3+s26+$0x0] =	vst.idx.add.f32.msk vm0, v51  }
0x254: {  	v3 =	vld [tilespmem:s28+$0x14060];
	_ =	sdelay $0x4  }
0x255: {  	v3 =	vsub.s32 v3, v0  }
0x256: {  	vm12 =	vlt.u32 v3, $0x1388;
	_ =	sdelay $0x4  }
0x257: {  	v4 =	vld [tilespmem:s28+$0x15060]  }
0x258: {  	v5 =	vld.idx.msk [tilespmem:v3+s3+$0x0], vm12;
	_ =	sdelay $0x4  }
0x259: {  	v52 =	vsub.f32 v4, v5;
	_ =	sdelay $0x1  }
0x25a: {  	v6 =	vmax.f32 v52, $0.0e+00  }
0x25b: {  	v6 =	vmul.f32 $-1.000000000e+02, v6;
	_ =	sdelay $0x1  }
0x25c: {  	v6 =	vmul.f32 $1.442695020e+00, v6;
	_ =	sdelay $0x1  }
0x25d: {  	(erf) = vpow2.f32 v6;
	_ =	sdelay $0x1  }
0x25e: {  	v5 =	vadd.f32 $1.000000010e-01, v5;
	_ =	sdelay $0x1  }
0x25f: {  	vm13 =	vle.f32 v4, v5  }
0x260: {  	v53 =	vld [tilespmem:s28+$0x16060];
	vm0 =	vmand vm12, vm13  }
0x261: {  	v54 =	vld [tilespmem:s28+$0x17060]  }
0x262: {  	v55 =	vld [tilespmem:s28+$0x18060];
	_ =	sdelay $0x1  }
0x263: {  	v56 =	vpop (erf)  }
0x264: {  	v4 =	vmul.f32 v56, v53  }
0x265: {  	[tilespmem:v3+s11+$0x0] =	vst.idx.add.f32.msk vm0, v56;
	v5 =	vmul.f32 v56, v54  }
0x266: {  	v57 =	vmul.f32 v56, v55;
	[tilespmem:v3+s12+$0x0] =	vst.idx.add.f32.msk vm0, v4  }
0x267: {  	[tilespmem:v3+s13+$0x0] =	vst.idx.add.f32.msk vm0, v5  }
0x268: {  	[tilespmem:v3+s14+$0x0] =	vst.idx.add.f32.msk vm0, v57  }
0x269: {  	v3 =	vld [tilespmem:s28+$0x14070];
	_ =	sdelay $0x4  }
0x26a: {  	v3 =	vsub.s32 v3, v0  }
0x26b: {  	vm14 =	vlt.u32 v3, $0x1388;
	_ =	sdelay $0x4  }
0x26c: {  	v4 =	vld [tilespmem:s28+$0x15070]  }
0x26d: {  	v5 =	vld.idx.msk [tilespmem:v3+s3+$0x0], vm14;
	_ =	sdelay $0x4  }
0x26e: {  	v58 =	vsub.f32 v4, v5;
	_ =	sdelay $0x1  }
0x26f: {  	v6 =	vmax.f32 v58, $0.0e+00  }
0x270: {  	v6 =	vmul.f32 $-1.000000000e+02, v6;
	_ =	sdelay $0x1  }
0x271: {  	v6 =	vmul.f32 $1.442695020e+00, v6;
	_ =	sdelay $0x1  }
0x272: {  	(erf) = vpow2.f32 v6;
	_ =	sdelay $0x1  }
0x273: {  	v5 =	vadd.f32 $1.000000010e-01, v5;
	_ =	sdelay $0x1  }
0x274: {  	vm15 =	vle.f32 v4, v5  }
0x275: {  	v59 =	vld [tilespmem:s28+$0x16070];
	vm0 =	vmand vm14, vm15  }
0x276: {  	v60 =	vld [tilespmem:s28+$0x17070]  }
0x277: {  	v61 =	vld [tilespmem:s28+$0x18070];
	_ =	sdelay $0x1  }
0x278: {  	p0 =	sne.s32 s16, $0x3E00;
	v62 =	vpop (erf)  }
.Ltmp6:
0x279: {  	v4 =	vmul.f32 v62, v59;
	(pc) =	sbr.rel @p0 .LBB2_15-.Ltmp6, $4  }
0x27a: {  	[tilespmem:v3+s30+$0x0] =	vst.idx.add.f32.msk vm0, v62;
	v5 =	vmul.f32 v62, v60  }
0x27b: {  	v63 =	vmul.f32 v62, v61;
	[tilespmem:v3+s31+$0x0] =	vst.idx.add.f32.msk vm0, v4  }
0x27c: {  	[tilespmem:v3+s0+$0x0] =	vst.idx.add.f32.msk vm0, v5  }
0x27d: {  	s16 =	sadd.s32 $0x200, s16;
	[tilespmem:v3+s26+$0x0] =	vst.idx.add.f32.msk vm0, v63  }
0x27e: {  	s15 =	sadd.s32 $0x1, s15  }
0x27f: {  	p0 =	sne.s32 s15, $0x3E  }
.Ltmp7:
0x280: {  	_ = 	snop;
	(pc) =	sbr.rel @p0 .LBB2_12-.Ltmp7, $1  }
0x281: {  	_ =	sdelay $0x3  }
0x282: {  	_ =	swait.ge [sflag:s19], $0x1000  }
0x283: {  	[sflag:s19] =	ssyncset.done $0x0  }
0x284: {  	[sflag:s19] =	ssyncadd.s32 $0xFFFFF000  }
0x285: {  	_ =	swait.ge [sflag:s20], $0x1000  }
0x286: {  	[sflag:s20] =	ssyncset.done $0x0  }
0x287: {  	[sflag:s20] =	ssyncadd.s32 $0xFFFFF000  }
0x288: {  	_ =	swait.ge [sflag:s2], $0x1000  }
0x289: {  	[sflag:s2] =	ssyncset.done $0x0  }
0x28a: {  	[sflag:s2] =	ssyncadd.s32 $0xFFFFF000  }
0x28b: {  	_ =	swait.ge [sflag:s9], $0x1000  }
0x28c: {  	[sflag:s9] =	ssyncset.done $0x0  }
0x28d: {  	[sflag:s9] =	ssyncadd.s32 $0xFFFFF000  }
0x28e: {  	_ =	swait.ge [sflag:s10], $0x1000  }
0x28f: {  	[sflag:s10] =	ssyncset.done $0x0  }
0x290: {  	s16 =	simm.s32 $0x0;
	[sflag:s10] =	ssyncadd.s32 $0xFFFFF000  }
0x291: {  	v3 =	vld [tilespmem:s16+$0x5000]  }
0x292: {  	v4 =	vld [tilespmem:s16+$0xA000];
	_ =	sdelay $0x4  }
0x293: {  	v3 =	vadd.f32 v4, v3  }
0x294: {  	v5 =	vld [tilespmem:s16+$0xC800]  }
0x295: {  	v7 =	vld [tilespmem:s16+$0xB400];
	vm0 =	vgt.f32 v3, $0.0e+00;
	v3 =	vadd.f32 $9.999999930e-09, v3  }
0x296: {  	v9 =	vld [tilespmem:s16+$0x8C00];
	v6 =	vsel vm0, $0x3F800000, v2  }
0x297: {  	s15 =	simm.s32 $0x10;
	v4 =	vld [tilespmem:s16+$0x0];
	[tilespmem:s16+$0x5000] =	vst v6;
	(erf) = vrcp.f32 v3  }
0x298: {  	v6 =	vld [tilespmem:s15+$0x5000]  }
0x299: {  	v8 =	vld [tilespmem:s15+$0xA000]  }
0x29a: {  	v3 =	vld [tilespmem:s16+$0xDC00]  }
0x29b: {  	v10 =	vld [tilespmem:s16+$0x7800]  }
0x29c: {  	v11 =	vld [tilespmem:s16+$0x6400]  }
0x29d: {  	vm14 =	veq.f32 v4, $+Inf  }
0x29e: {  	v4 =	vsel vm14, $0x0, v4;
	v8 =	vadd.f32 v8, v6  }
0x29f: {  	[tilespmem:s16+$0x0] =	vst v4;
	v9 =	vadd.f32 v3, v9  }
0x2a0: {  	v4 =	vld [tilespmem:s15+$0x0];
	v6 =	vadd.f32 $9.999999930e-09, v8;
	vm15 =	vgt.f32 v8, $0.0e+00;
	v8 =	vadd.f32 v5, v10;
	v5 =	vpop (erf)  }
0x2a1: {  	s28 =	simm.s32 $0x80;
	s18 =	simm.s32 $0xC0;
	v7 =	vadd.f32 v7, v11;
	v3 =	vld [tilespmem:s15+$0xC800];
	v10 =	vsel vm15, $0x3F800000, v2;
	v9 =	vmul.f32 v9, v5  }
.LBB2_18:
0x2a2: {  	p0 =	sne.s32 s18, $0x4E00  }
0x2a3: {  	s29 =	sshra.s32 s28, $0x2;
	v11 =	vld [tilespmem:s15+$0xB400];
	[tilespmem:s15+$0x5000] =	vst v10;
	v8 =	vmul.f32 v8, v5;
	s28 =	smov.u32 s18;
	s18 =	sadd.s32 $0x40, s18  }
0x2a4: {  	v10 =	vld [tilespmem:s29+$0x5000];
	(erf) = vrcp.f32 v6;
	v5 =	vmul.f32 v7, v5;
	v6 =	vmax.f32 v9, $0.0e+00  }
0x2a5: {  	v7 =	vld [tilespmem:s15+$0xDC00];
	v8 =	vmax.f32 v8, $0.0e+00;
	v6 =	vmin.f32 v6, $1.000000000e+00  }
0x2a6: {  	v9 =	vld [tilespmem:s29+$0xA000];
	v5 =	vmax.f32 v5, $0.0e+00;
	v8 =	vmin.f32 v8, $1.000000000e+00;
	[tilespmem:s16+$0x8C00] =	vst v6  }
0x2a7: {  	vm0 =	veq.f32 v4, $+Inf;
	v6 =	vld [tilespmem:s15+$0x8C00];
	v5 =	vmin.f32 v5, $1.000000000e+00;
	[tilespmem:s16+$0x7800] =	vst v8  }
0x2a8: {  	v4 =	vsel vm0, $0x0, v4;
	v8 =	vld [tilespmem:s15+$0x7800];
	[tilespmem:s16+$0x6400] =	vst v5;
	s16 =	smov.u32 s15;
	s15 =	smov.u32 s29  }
0x2a9: {  	v12 =	vld [tilespmem:s16+$0x6400];
	[tilespmem:s16+$0x0] =	vst v4  }
.Ltmp8:
0x2aa: {  	v4 =	vld [tilespmem:s15+$0x0];
	(pc) =	sbr.rel @p0 .LBB2_18-.Ltmp8, $4  }
0x2ab: {  	v10 =	vadd.f32 v9, v10  }
0x2ac: {  	v9 =	vadd.f32 v7, v6  }
0x2ad: {  	v6 =	vadd.f32 $9.999999930e-09, v10;
	vm0 =	vgt.f32 v10, $0.0e+00;
	v8 =	vadd.f32 v3, v8;
	v5 =	vpop (erf)  }
0x2ae: {  	v3 =	vld [tilespmem:s15+$0xC800];
	v10 =	vsel vm0, $0x3F800000, v2;
	v7 =	vadd.f32 v11, v12;
	v9 =	vmul.f32 v9, v5  }
0x2af: {  	v11 =	vld [tilespmem:s15+$0xB400];
	v8 =	vmul.f32 v8, v5  }
0x2b0: {  	s18 =	sshra.s32 s28, $0x2;
	[tilespmem:s15+$0x5000] =	vst v10;
	(erf) = vrcp.f32 v6;
	v46 =	vld [tilespmem:s15+$0xDC00];
	v45 =	vmax.f32 v9, $0.0e+00;
	v47 =	vmul.f32 v7, v5  }
0x2b1: {  	v10 =	vld [tilespmem:s18+$0x5000];
	v6 =	vmin.f32 v45, $1.000000000e+00;
	v48 =	vmax.f32 v8, $0.0e+00  }
0x2b2: {  	v12 =	vld [tilespmem:s18+$0xA000];
	[tilespmem:s16+$0x8C00] =	vst v6;
	v49 =	vmin.f32 v48, $1.000000000e+00;
	v5 =	vmax.f32 v47, $0.0e+00  }
0x2b3: {  	v50 =	vld [tilespmem:s15+$0x8C00];
	[tilespmem:s16+$0x7800] =	vst v49;
	v5 =	vmin.f32 v5, $1.000000000e+00  }
0x2b4: {  	v6 =	vld [tilespmem:s15+$0x7800];
	[tilespmem:s16+$0x6400] =	vst v5  }
0x2b5: {  	v5 =	vld [tilespmem:s15+$0x6400];
	_ =	sdelay $0x1  }
0x2b6: {  	v51 =	vadd.f32 v12, v10  }
0x2b7: {  	vm0 =	veq.f32 v4, $+Inf;
	v7 =	vadd.f32 v46, v50  }
0x2b8: {  	v4 =	vsel vm0, $0x0, v4;
	vm14 =	vgt.f32 v51, $0.0e+00;
	v52 =	vpop (erf);
	v3 =	vadd.f32 v3, v6  }
0x2b9: {  	[tilespmem:s15+$0x0] =	vst v4;
	v55 =	vadd.f32 $9.999999930e-09, v51;
	v54 =	vmul.f32 v7, v52;
	v5 =	vadd.f32 v11, v5  }
0x2ba: {  	v53 =	vld [tilespmem:s18+$0x0];
	v57 =	vsel vm14, $0x3F800000, v2;
	v3 =	vmul.f32 v3, v52  }
0x2bb: {  	v56 =	vld [tilespmem:s18+$0xC800];
	(erf) = vrcp.f32 v55;
	v6 =	vmax.f32 v54, $0.0e+00;
	v4 =	vmul.f32 v5, v52  }
0x2bc: {  	v58 =	vld [tilespmem:s18+$0xB400];
	[tilespmem:s18+$0x5000] =	vst v57;
	v6 =	vmin.f32 v6, $1.000000000e+00;
	v3 =	vmax.f32 v3, $0.0e+00  }
0x2bd: {  	v59 =	vld [tilespmem:s18+$0xDC00];
	[tilespmem:s15+$0x8C00] =	vst v6;
	v3 =	vmin.f32 v3, $1.000000000e+00;
	v4 =	vmax.f32 v4, $0.0e+00  }
0x2be: {  	v60 =	vld [tilespmem:s18+$0x8C00];
	[tilespmem:s15+$0x7800] =	vst v3;
	v3 =	vmin.f32 v4, $1.000000000e+00  }
0x2bf: {  	v61 =	vld [tilespmem:s18+$0x7800];
	[tilespmem:s15+$0x6400] =	vst v3  }
0x2c0: {  	v3 =	vld [tilespmem:s18+$0x6400];
	_ =	sdelay $0x2  }
0x2c1: {  	v5 =	vadd.f32 v59, v60  }
0x2c2: {  	v62 =	vpop (erf);
	v4 =	vadd.f32 v56, v61  }
0x2c3: {  	v3 =	vadd.f32 v58, v3;
	v5 =	vmul.f32 v5, v62  }
0x2c4: {  	vm15 =	veq.f32 v53, $+Inf;
	v4 =	vmul.f32 v4, v62  }
0x2c5: {  	v63 =	vsel vm15, $0x0, v53;
	v3 =	vmul.f32 v3, v62;
	v5 =	vmax.f32 v5, $0.0e+00  }
0x2c6: {  	[tilespmem:s18+$0x0] =	vst v63;
	v4 =	vmax.f32 v4, $0.0e+00;
	v5 =	vmin.f32 v5, $1.000000000e+00  }
0x2c7: {  	v3 =	vmax.f32 v3, $0.0e+00;
	v4 =	vmin.f32 v4, $1.000000000e+00;
	[tilespmem:s18+$0x8C00] =	vst v5  }
0x2c8: {  	v3 =	vmin.f32 v3, $1.000000000e+00;
	[tilespmem:s18+$0x7800] =	vst v4  }
0x2c9: {  	s28 =	rddreg [dreg:$0x5];
	s16 =	simm.s32 $0xB;
	[tilespmem:s18+$0x6400] =	vst v3  }
0x2ca: {  	[hbm4b:s28+s3] =	stream.linear.scatter [tilespmem:s12], [sflag:$0xB], $0x1388, $0x38;
	[tilespmem:$0x19000] =	vst v63  }
0x2cb: {  	_ =	swait.ge [sflag:s16], $0x1388  }
0x2cc: {  	[sflag:s16] =	ssyncset.done $0x0  }
0x2cd: {  	s29 =	rddreg [dreg:$0x6];
	[sflag:s16] =	ssyncadd.s32 $0xFFFFEC78  }
0x2ce: {  	[hbm4b:s29+s3] =	stream.linear.scatter [tilespmem:s13], [sflag:$0xB], $0x1388, $0x38;
	[tilespmem:$0x19000] =	vst v63  }
0x2cf: {  	_ =	swait.ge [sflag:s16], $0x1388  }
0x2d0: {  	[sflag:s16] =	ssyncset.done $0x0  }
0x2d1: {  	s17 =	rddreg [dreg:$0x7];
	[sflag:s16] =	ssyncadd.s32 $0xFFFFEC78  }
0x2d2: {  	[hbm4b:s17+s3] =	stream.linear.scatter [tilespmem:s14], [sflag:$0xB], $0x1388, $0x38;
	[tilespmem:$0x19000] =	vst v63  }
0x2d3: {  	_ =	swait.ge [sflag:s16], $0x1388  }
0x2d4: {  	[sflag:s16] =	ssyncset.done $0x0  }
0x2d5: {  	s18 =	rddreg [dreg:$0x8];
	[sflag:s16] =	ssyncadd.s32 $0xFFFFEC78  }
0x2d6: {  	[hbm4b:s18+s3] =	stream.linear.scatter [tilespmem:s11], [sflag:$0xB], $0x1388, $0x38;
	[tilespmem:$0x19000] =	vst v63  }
0x2d7: {  	_ =	swait.ge [sflag:s16], $0x1388  }
0x2d8: {  	[sflag:s16] =	ssyncset.done $0x0  }
0x2d9: {  	s28 =	rddreg [dreg:$0x9];
	[sflag:s16] =	ssyncadd.s32 $0xFFFFEC78  }
0x2da: {  	[hbm4b:s28+s3] =	stream.linear.scatter [tilespmem:s3], [sflag:$0xB], $0x1388, $0x38;
	[tilespmem:$0x19000] =	vst v63  }
0x2db: {  	_ =	swait.ge [sflag:s16], $0x1388  }
0x2dc: {  	s17 =	rddreg [dreg:$0xb]  }
0x2dd: {  	s29 =	rddreg [dreg:$0xa];
	s17 =	sadd.s32 $0x1, s17  }
0x2de: {  	p0 =	sne.s32 s17, s29  }
.Ltmp9:
0x2df: {  	_ = 	snop;
	(pc) =	sbr.rel @p0 .LBB2_1-.Ltmp9, $3  }
0x2e0: {  	_ =	sdelay $0x1  }
0x2e1: {  	[sflag:s16] =	ssyncset.done $0x0  }
0x2e2: {  	[sflag:s16] =	ssyncadd.s32 $0xFFFFEC78  }
0x2e3: {  	_ =	sfence.sel $0x180000  }
0x2e4: {  	[bflag:$0x0] =	sbarrier.arrive $0xFFFF  }
0x2e5: {  	_ =	strace $0x90000047  }
0x2e6: {  	s0 =	stileid.u32;
	[bflag:$0x2] =	sbarrier.arrive $0xFFFF  }
0x2e7: {  	p0 =	sne.s32 s0, $0x0;
	s0 =	rddreg [dreg:$0x4]  }
0x2e8: {  	s0 =	sadd.s32 @!p0 $0x100000, s0  }
0x2e9: {  	[sflag:s0] =	ssyncadd.tile.s32 @!p0 $0x1;
	_ =	shalt  }
.Lfunc_end2:
_tile_overlayer_lowered:
.L_overlay_start_2:
0x2ea: {  	(tag) =	ssettag $0x2  }
0x2eb: {  	s0 =	rddreg [dreg:$0x0];
	s2 =	stileid.u32  }
0x2ec: {  	s1 =	rddreg [dreg:$0x1];
	p0 =	sne.s32 s2, $0x0  }
0x2ed: {  	s3 =	rddreg [dreg:$0x2];
	[bflag:$0x3] =	sbarrier.arrive $0xFFFF;
	s2 =	simm.s32 @!p0 $0x1C0B  }
0x2ee: {  	[timem:s3], [sflag:s2] =	dma.local @!p0 [hbm:s0], s1  }
0x2ef: {  	s0 =	simm.s32 @!p0 $0xB  }
0x2f0: {  	_ =	swait.ge @!p0 [sflag:s0], s1  }
0x2f1: {  	s1 =	ssub.s32 @!p0 $0x0, s1;
	[sflag:s0] =	ssyncset.done @!p0 $0x0  }
0x2f2: {  	[sflag:s0] =	ssyncadd.s32 @!p0 s1  }
0x2f3: {  	[bflag:$0x3] =	sbarrier.arrive $0xFFFF  }
0x2f4: {  	_ =	shalt  }

</sc_bundles>
